<compile_context>
chip_gen: v7x
topology: tpu7x:2x2x1
jax: 0.10.2.dev20260603
libtpu: 0.0.44.dev20260713+nightly
codegen_flags: <defaults>
</compile_context>

<pallas_src>
import functools

import jax
import jax.numpy as jnp
from jax import lax
from jax.experimental import pallas as pl
from jax.experimental.pallas import tpu as pltpu
from jax.experimental.pallas import tpu_sc as plsc

NC = 2
NS = 16
NW = NC * NS
CHUNK = 128
LANES = 16
DEGW = 128
BLK = 1024
NBUF = 4


def _round_up(v, m):
    return -(-v // m) * m


def _flat_fill(ref, nrows, ncols, val):
    per_row = ncols // LANES
    vec = jnp.full((LANES,), val, jnp.float32)

    def body(k, _):
        i = k // per_row
        j = (k % per_row) * LANES
        ref[i, pl.ds(j, LANES)] = vec
        return 0

    lax.fori_loop(0, nrows * per_row, body, 0, unroll=False)


def _geom(n_nodes):
    half_n = _round_up(n_nodes, 2 * BLK) // 2
    rows_sub = _round_up(-(-(half_n + 1) // NS), 64)
    n_acc = NS * rows_sub
    return half_n, rows_sub, n_acc


def _remap_all(dst_v, count, base, half_n):

    def body(j, _):
        v = dst_v[pl.ds(j * LANES, LANES)] - base
        ok = (v >= 0) & (v < half_n)
        dst_v[pl.ds(j * LANES, LANES)] = jnp.where(ok, v, half_n)
        return 0

    lax.fori_loop(0, count // LANES, body, 0, unroll=False)


def _make_count_kernel(n_nodes, n_chunks):
    half_n, rows_sub, n_acc = _geom(n_nodes)
    zb = 64
    cps = n_chunks // NS
    e_pad = n_chunks * CHUNK
    mesh = plsc.VectorSubcoreMesh(core_axis_name="c", subcore_axis_name="s")

    @functools.partial(
        pl.kernel,
        out_type=jax.ShapeDtypeStruct((2, NC, n_acc, DEGW), jnp.float32),
        mesh=mesh,
        scratch_types=[
            pltpu.VMEM((cps * CHUNK,), jnp.int32),
            pltpu.VMEM((CHUNK, DEGW), jnp.float32),
            pltpu.VMEM((zb, DEGW), jnp.float32),
            pltpu.VMEM_SHARED((n_acc, DEGW), jnp.float32),
            pltpu.SemaphoreType.DMA,
        ],
    )
    def count_kernel(idx_hbm, out_hbm, idx_v, ones_v, zero_v, acc, sem):
        cid = lax.axis_index("c")
        sid = lax.axis_index("s")
        _flat_fill(ones_v, CHUNK, DEGW, 1.0)
        _flat_fill(zero_v, zb, DEGW, 0.0)
        base = cid * half_n
        nfire = 8

        for ph in range(2):
            for k in range(rows_sub // zb):
                pltpu.sync_copy(zero_v,
                                acc.at[pl.ds(sid * rows_sub + k * zb, zb)])
            base0 = ph * e_pad + sid * cps * CHUNK
            pltpu.sync_copy(idx_hbm.at[pl.ds(base0, cps * CHUNK)], idx_v)
            _remap_all(idx_v, cps * CHUNK, base, half_n)
            plsc.subcore_barrier()

            def group(g, _):
                descr = []
                for b in range(nfire):
                    k = g * nfire + b
                    descr.append(pltpu.async_copy(
                        ones_v, acc.at[idx_v.at[pl.ds(k * CHUNK, CHUNK)]],
                        sem, add=True))
                for d in descr:
                    d.wait()
                return 0

            lax.fori_loop(0, cps // nfire, group, 0, unroll=False)
            plsc.subcore_barrier()
            pltpu.sync_copy(acc.at[pl.ds(sid * rows_sub, rows_sub)],
                            out_hbm.at[ph, cid, pl.ds(sid * rows_sub,
                                                      rows_sub)])
            plsc.subcore_barrier()

    return count_kernel


def _make_agg_kernel(n_nodes, h_dim, n_chunks):
    half_n, rows_sub, n_acc = _geom(n_nodes)
    zb = 64
    ch = 64
    lahead = 2
    cps = n_chunks * CHUNK // (NS * ch)
    mesh = plsc.VectorSubcoreMesh(core_axis_name="c", subcore_axis_name="s")

    @functools.partial(
        pl.kernel,
        out_type=jax.ShapeDtypeStruct((NC, n_acc, h_dim), jnp.float32),
        mesh=mesh,
        scratch_types=[
            pltpu.VMEM((cps * ch,), jnp.int32),
            pltpu.VMEM((cps * ch,), jnp.int32),
            [pltpu.VMEM((ch, h_dim), jnp.float32) for _ in range(NBUF)],
            pltpu.VMEM((zb, h_dim), jnp.float32),
            pltpu.VMEM_SHARED((n_acc, h_dim), jnp.float32),
            [pltpu.SemaphoreType.DMA for _ in range(NBUF)],
            [pltpu.SemaphoreType.DMA for _ in range(NBUF)],
        ],
    )
    def agg_kernel(h_hbm, src_hbm, dst_hbm, out_hbm,
                   src_v, dst_v, rows_v, zero_v, acc, gsems, ssems):
        cid = lax.axis_index("c")
        sid = lax.axis_index("s")

        _flat_fill(zero_v, zb, h_dim, 0.0)
        for k in range(rows_sub // zb):
            pltpu.sync_copy(zero_v, acc.at[pl.ds(sid * rows_sub + k * zb, zb)])
        base0 = sid * cps * ch
        base = cid * half_n
        pltpu.sync_copy(src_hbm.at[pl.ds(base0, cps * ch)], src_v)
        pltpu.sync_copy(dst_hbm.at[pl.ds(base0, cps * ch)], dst_v)
        _remap_all(dst_v, cps * ch, base, half_n)
        plsc.subcore_barrier()

        def gather(k, b):
            pltpu.async_copy(
                h_hbm.at[src_v.at[pl.ds(k * ch, ch)]], rows_v[b], gsems[b])

        def gather_wait(b):
            pltpu.make_async_copy(
                h_hbm.at[src_v.at[pl.ds(0, ch)]], rows_v[b],
                gsems[b]).wait()

        def scat(k, b):
            return pltpu.async_copy(
                rows_v[b], acc.at[dst_v.at[pl.ds(k * ch, ch)]], ssems[b],
                add=True)

        for b in range(NBUF):
            gather(b, b)

        ngroups = cps // NBUF

        def group(g, _):
            descr = []
            for b in range(NBUF):
                k = g * NBUF + b
                gather_wait(b)
                descr.append(scat(k, b))
            for b in range(NBUF):
                descr[b].wait()

                @pl.when(g + 1 < ngroups)
                def _():
                    gather(g * NBUF + NBUF + b, b)
            return 0

        lax.fori_loop(0, ngroups, group, 0, unroll=False)
        plsc.subcore_barrier()
        pltpu.sync_copy(acc.at[pl.ds(sid * rows_sub, rows_sub)],
                        out_hbm.at[cid, pl.ds(sid * rows_sub, rows_sub)])

    return agg_kernel


def _inv_sqrt_deg(dref):
    d = dref[0, 0, :, 0:1]
    return jnp.where(d > 0, lax.rsqrt(jnp.maximum(d, 1.0)), 0.0)


def _tc1_body(x_ref, w_ref, ds_ref, out_ref):
    inv_s = _inv_sqrt_deg(ds_ref)
    out_ref[...] = jnp.dot(x_ref[...] * inv_s, w_ref[...],
                           preferred_element_type=jnp.float32)


def _tc2_body(p_ref, dd_ref, ds_ref, b_ref, w_ref, out_ref):
    inv_d = _inv_sqrt_deg(dd_ref)
    inv_s = _inv_sqrt_deg(ds_ref)
    h = jnp.maximum(p_ref[0] * inv_d + b_ref[...], 0.0)
    out_ref[...] = jnp.dot(h * inv_s, w_ref[...],
                           preferred_element_type=jnp.float32)


def _tc3_body(p_ref, dd_ref, b_ref, wf_ref, bf_ref, fw_ref, out_ref):
    inv_d = _inv_sqrt_deg(dd_ref)
    h = jnp.maximum(p_ref[0] * inv_d + b_ref[...], 0.0)
    fwv = fw_ref[...]
    m = jnp.max(fwv, axis=0, keepdims=True)
    e = jnp.exp(fwv - m)
    w = e / jnp.sum(e, axis=0, keepdims=True)
    wc = jnp.sum(wf_ref[...] * w[:, :, None], axis=0)
    bc = jnp.sum(bf_ref[...] * w, axis=0, keepdims=True)
    logits = jnp.dot(h, wc, preferred_element_type=jnp.float32) + bc
    mx = jnp.max(logits, axis=-1, keepdims=True)
    lse = mx + jnp.log(jnp.sum(jnp.exp(logits - mx), axis=-1, keepdims=True))
    out_ref[...] = logits - lse


def kernel(inputs, edge_index, W1, b1, W2, b2, Wf, bf, fw):
    n, d_in = inputs.shape
    e = edge_index.shape[1]
    h_dim = W1.shape[1]
    nel, _, c_dim = Wf.shape
    half_n, _, _ = _geom(n)

    cpt = -(-e // (NW * CHUNK))
    cpt = ((cpt + 7) // 8) * 8
    e_pad = NW * CHUNK * cpt
    pad = e_pad - e

    src = edge_index[0]
    dst = edge_index[1]
    n_chunks = e_pad // CHUNK
    dst_p = jnp.concatenate([dst, jnp.full((pad,), n, jnp.int32)])
    src_deg = jnp.concatenate([src, jnp.full((pad,), n, jnp.int32)])
    src_agg = jnp.concatenate([src, jnp.zeros((pad,), jnp.int32)])
    idx_all = jnp.concatenate([src_deg, dst_p])

    count_kernel = _make_count_kernel(n, n_chunks)
    deg = count_kernel(idx_all)
    agg_kernel = _make_agg_kernel(n, h_dim, n_chunks)

    grid = (-(-n // BLK),)
    hb = half_n // BLK
    feat_shape = jax.ShapeDtypeStruct((n, h_dim), jnp.float32)
    feat_spec = pl.BlockSpec((BLK, h_dim), lambda i: (i, 0))
    part_spec = pl.BlockSpec((1, BLK, h_dim), lambda i: (i // hb, i % hb, 0))
    degs_spec = pl.BlockSpec((1, 1, BLK, DEGW),
                             lambda i: (0, i // hb, i % hb, 0))
    degd_spec = pl.BlockSpec((1, 1, BLK, DEGW),
                             lambda i: (1, i // hb, i % hb, 0))

    xw = pl.pallas_call(
        _tc1_body,
        grid=grid,
        in_specs=[
            pl.BlockSpec((BLK, d_in), lambda i: (i, 0)),
            pl.BlockSpec((d_in, h_dim), lambda i: (0, 0)),
            degs_spec,
        ],
        out_specs=feat_spec,
        out_shape=feat_shape,
    )(inputs, W1, deg)

    a1 = agg_kernel(xw, src_agg, dst_p)

    hw = pl.pallas_call(
        _tc2_body,
        grid=grid,
        in_specs=[
            part_spec,
            degd_spec,
            degs_spec,
            pl.BlockSpec((1, h_dim), lambda i: (0, 0)),
            pl.BlockSpec((h_dim, h_dim), lambda i: (0, 0)),
        ],
        out_specs=feat_spec,
        out_shape=feat_shape,
    )(a1, deg, deg, b1.reshape(1, h_dim), W2)

    a2 = agg_kernel(hw, src_agg, dst_p)

    out = pl.pallas_call(
        _tc3_body,
        grid=grid,
        in_specs=[
            part_spec,
            degd_spec,
            pl.BlockSpec((1, h_dim), lambda i: (0, 0)),
            pl.BlockSpec((nel, h_dim, c_dim), lambda i: (0, 0, 0)),
            pl.BlockSpec((nel, c_dim), lambda i: (0, 0)),
            pl.BlockSpec((nel, 1), lambda i: (0, 0)),
        ],
        out_specs=pl.BlockSpec((BLK, c_dim), lambda i: (i, 0)),
        out_shape=jax.ShapeDtypeStruct((n, c_dim), jnp.float32),
    )(a2, deg, b2.reshape(1, h_dim), Wf, bf, fw.reshape(nel, 1))

    return out

# --- scband reference (transcript-rebuilt; emitter-appended) ---
"""Pipeline reference for scband-mgcn-70385924046979 (READ-ONLY COPY).

The authoritative reference and input builder live on the scoring server;
editing this copy changes nothing except your own understanding.
"""

import jax, jax.numpy as jnp
import numpy as np

N = 10000
E = 320000
D = 128
H = 128
C = 64
NEL = 3


def setup_inputs(seed: int = 0) -> dict:
    key = jax.random.key(seed)
    ks = jax.random.split(key, 10)
    x = jax.random.normal(ks[0], (N, D), dtype=jnp.float32)
    edge_index = jax.random.randint(ks[1], (2, E), 0, N, dtype=jnp.int32)
    W1 = jax.random.normal(ks[2], (D, H), dtype=jnp.float32) * (1.0 / np.sqrt(D))
    b1 = jnp.zeros((H,), dtype=jnp.float32)
    W2 = jax.random.normal(ks[3], (H, H), dtype=jnp.float32) * (1.0 / np.sqrt(H))
    b2 = jnp.zeros((H,), dtype=jnp.float32)
    Wf = jax.random.normal(ks[4], (NEL, H, C), dtype=jnp.float32) * (1.0 / np.sqrt(H))
    bf = jnp.zeros((NEL, C), dtype=jnp.float32)
    fw = jnp.ones((NEL,), dtype=jnp.float32)
    return {"inputs": x, "edge_index": edge_index, "W1": W1, "b1": b1, "W2": W2, "b2": b2, "Wf": Wf, "bf": bf, "fw": fw}


def reference(inputs, edge_index, W1, b1, W2, b2, Wf, bf, fw):
    src = edge_index[0]
    dst = edge_index[1]
    ones = jnp.ones((E,), dtype=inputs.dtype)
    deg_out = jax.ops.segment_sum(ones, src, num_segments=N)
    deg_in = jax.ops.segment_sum(ones, dst, num_segments=N)
    inv_s = jnp.where(deg_out > 0, 1.0 / jnp.sqrt(jnp.maximum(deg_out, 1.0)), 0.0)
    inv_d = jnp.where(deg_in > 0, 1.0 / jnp.sqrt(jnp.maximum(deg_in, 1.0)), 0.0)

    def graph_conv(h, W, b):
        # DGL GraphConv norm='both': D_out^{-1/2} on src, aggregate, D_in^{-1/2} on dst
        h = h * inv_s[:, None]
        h = h @ W
        m = jax.ops.segment_sum(h[src], dst, num_segments=N)
        m = m * inv_d[:, None] + b
        return jax.nn.relu(m)

    h = graph_conv(inputs, W1, b1)
    h = graph_conv(h, W2, b2)
    # FusionLayer: n_el linear heads fused by softmax-normalized fusion weights, log_softmax output
    w = jax.nn.softmax(fw)
    heads = jnp.einsum('nh,lhc->lnc', h, Wf) + bf[:, None, :]
    fused = jnp.einsum('l,lnc->nc', w, heads)
    return jax.nn.log_softmax(fused, axis=-1)

if __name__ == "__main__":
    import jax
    _d = setup_inputs()
    print(jax.jit(kernel)(*tuple(_d.values())))

</pallas_src>

<mosaic_0001>
#map = affine_map<(d0, d1) -> (0, 0)>
#map1 = affine_map<(d0, d1) -> (0)>
#map2 = affine_map<(d0, d1) -> (0, 0, 0)>
module attributes {stable_mosaic.version = 14 : i64} {
  func.func @agg_kernel(%arg0: i32, %arg1: i32, %arg2: memref<10000x128xf32, #tpu.memory_space<hbm>>, %arg3: memref<327680xi32, #tpu.memory_space<hbm>>, %arg4: memref<327680xi32, #tpu.memory_space<hbm>>, %arg5: memref<2x6144x128xf32, #tpu.memory_space<hbm>>, %arg6: memref<20480xi32, #tpu.memory_space<vmem>>, %arg7: memref<20480xi32, #tpu.memory_space<vmem>>, %arg8: memref<64x128xf32, #tpu.memory_space<vmem>>, %arg9: memref<64x128xf32, #tpu.memory_space<vmem>>, %arg10: memref<64x128xf32, #tpu.memory_space<vmem>>, %arg11: memref<64x128xf32, #tpu.memory_space<vmem>>, %arg12: memref<64x128xf32, #tpu.memory_space<vmem>>, %arg13: memref<6144x128xf32, #tpu.memory_space<vmem_shared>>, %arg14: memref<!tpu.dma_semaphore, #tpu.memory_space<semaphore_mem>>, %arg15: memref<!tpu.dma_semaphore, #tpu.memory_space<semaphore_mem>>, %arg16: memref<!tpu.dma_semaphore, #tpu.memory_space<semaphore_mem>>, %arg17: memref<!tpu.dma_semaphore, #tpu.memory_space<semaphore_mem>>, %arg18: memref<!tpu.dma_semaphore, #tpu.memory_space<semaphore_mem>>, %arg19: memref<!tpu.dma_semaphore, #tpu.memory_space<semaphore_mem>>, %arg20: memref<!tpu.dma_semaphore, #tpu.memory_space<semaphore_mem>>, %arg21: memref<!tpu.dma_semaphore, #tpu.memory_space<semaphore_mem>>) attributes {dimension_semantics = [#tpu.dimension_semantics<core_parallel>, #tpu.dimension_semantics<subcore_parallel>], iteration_bounds = array<i64: 2, 16>, scalar_prefetch = 0 : i64, scratch_operands = 16 : i64, tpu.core_type = #tpu.core_type<sc_vector_subcore>, window_params = [{transform_indices = #map}, {transform_indices = #map1}, {transform_indices = #map1}, {transform_indices = #map2}]} {
    %broadcast_in_dim3A = arith.constant 0.000000e+00 : f32
    %broadcast_in_dim3A_0 = vector.broadcast %broadcast_in_dim3A : f32 to vector<16xf32>
    %scan3A = arith.constant 0 : i32
    %scan3A_1 = arith.constant 0 : i32
    %scan3A_2 = arith.constant 512 : i32
    %scan3A_3 = arith.addi %scan3A_1, %scan3A_2 : i32
    %scan3A_4 = arith.constant 1 : i32
    %scan3A_5 = scf.for %scan3A_73 = %scan3A_1 to %scan3A_3 step %scan3A_4 iter_args(%scan3A_74 = %scan3A) -> (i32)  : i32 {
      %jit3A = arith.constant 8 : i32
      %div3A = arith.divsi %scan3A_73, %jit3A : i32
      %sign3A = arith.constant 0 : i32
      %sign3A_75 = arith.cmpi sgt, %scan3A_73, %sign3A : i32
      %sign3A_76 = arith.extui %sign3A_75 : i1 to i32
      %sign3A_77 = arith.constant 0 : i32
      %sign3A_78 = arith.cmpi slt, %scan3A_73, %sign3A_77 : i32
      %sign3A_79 = arith.extui %sign3A_78 : i1 to i32
      %sign3A_80 = arith.subi %sign3A_76, %sign3A_79 : i32
      %sign3A_81 = arith.constant 0 : i32
      %sign3A_82 = arith.cmpi sgt, %jit3A, %sign3A_81 : i32
      %sign3A_83 = arith.extui %sign3A_82 : i1 to i32
      %sign3A_84 = arith.constant 0 : i32
      %sign3A_85 = arith.cmpi slt, %jit3A, %sign3A_84 : i32
      %sign3A_86 = arith.extui %sign3A_85 : i1 to i32
      %sign3A_87 = arith.subi %sign3A_83, %sign3A_86 : i32
      %ne3A = arith.cmpi ne, %sign3A_80, %sign3A_87 : i32
      %rem3A = arith.remsi %scan3A_73, %jit3A : i32
      %ne3A_88 = arith.constant 0 : i32
      %ne3A_89 = arith.cmpi ne, %rem3A, %ne3A_88 : i32
      %and3A = arith.andi %ne3A, %ne3A_89 : i1
      %sub3A = arith.constant 1 : i32
      %sub3A_90 = arith.subi %div3A, %sub3A : i32
      %select_n3A = arith.select %and3A, %sub3A_90, %div3A : i32
      %jit3A_91 = arith.constant 8 : i32
      %eq3A = arith.constant 0 : i32
      %eq3A_92 = arith.cmpi eq, %jit3A_91, %eq3A : i32
      %jit3A_93 = arith.constant 1 : i32
      %select_n3A_94 = arith.select %eq3A_92, %jit3A_93, %jit3A_91 : i32
      %rem3A_95 = arith.remsi %scan3A_73, %select_n3A_94 : i32
      %ne3A_96 = arith.constant 0 : i32
      %ne3A_97 = arith.cmpi ne, %rem3A_95, %ne3A_96 : i32
      %lt3A = arith.constant 0 : i32
      %lt3A_98 = arith.cmpi slt, %rem3A_95, %lt3A : i32
      %lt3A_99 = arith.constant 0 : i32
      %lt3A_100 = arith.cmpi slt, %select_n3A_94, %lt3A_99 : i32
      %ne3A_101 = arith.xori %lt3A_98, %lt3A_100 : i1
      %and3A_102 = arith.andi %ne3A_101, %ne3A_97 : i1
      %add3A_103 = arith.addi %rem3A_95, %select_n3A_94 : i32
      %select_n3A_104 = arith.select %and3A_102, %add3A_103, %rem3A_95 : i32
      %mul3A_105 = arith.constant 16 : i32
      %mul3A_106 = arith.muli %select_n3A_104, %mul3A_105 : i32
      %swap3A = arith.index_cast %select_n3A : i32 to index
      %swap3A_107 = arith.index_cast %mul3A_106 : i32 to index
      %swap3A_108 = tpu.vector_load %arg12[%swap3A, %swap3A_107] {strides = array<i32>} : memref<64x128xf32, #tpu.memory_space<vmem>>, vector<1x16xf32>,
      %swap3A_109 = vector.shape_cast %swap3A_108 : vector<1x16xf32> to vector<16xf32>
      %swap3A_110 = vector.shape_cast %broadcast_in_dim3A_0 : vector<16xf32> to vector<1x16xf32>
      tpu.vector_store %arg12[%swap3A, %swap3A_107], %swap3A_110 {strides = array<i32>} : memref<64x128xf32, #tpu.memory_space<vmem>>, vector<1x16xf32>,
      %scan3A_111 = arith.constant 0 : i32
      scf.yield %scan3A_111 : i32
    }
    %scan3A_6 = arith.constant 512 : i32
    %mul3A = arith.constant 384 : i32
    %mul3A_7 = arith.muli %arg1, %mul3A : i32
    %add3A = arith.constant 0 : i32
    %add3A_8 = arith.addi %mul3A_7, %add3A : i32
    "tpu.region"() ({
      %run_scoped3A = tpu.sem_alloc : memref<!tpu.dma_semaphore, #tpu.memory_space<semaphore_mem>>
      %dma_start3A_73 = arith.constant 0 : i32
      %dma_start3A_74 = tpu.memref_slice %arg13[%add3A_8, %dma_start3A_73] : memref<6144x128xf32, #tpu.memory_space<vmem_shared>> -> memref<64x128xf32, #tpu.memory_space<vmem_shared>>
      %dma_start3A_75 = arith.constant 0 : i32
      %dma_start3A_76 = tpu.memref_slice %arg13[%add3A_8, %dma_start3A_75] : memref<6144x128xf32, #tpu.memory_space<vmem_shared>> -> memref<64x128xf32, #tpu.memory_space<vmem_shared>>
      tpu.enqueue_dma source(%arg12 : memref<64x128xf32, #tpu.memory_space<vmem>>) target(%dma_start3A_76 : memref<64x128xf32, #tpu.memory_space<vmem_shared>>) target_semaphore(%run_scoped3A : memref<!tpu.dma_semaphore, #tpu.memory_space<semaphore_mem>>)
      %dma_wait3A = arith.constant 0 : i32
      %dma_wait3A_77 = tpu.memref_slice %arg13[%add3A_8, %dma_wait3A] : memref<6144x128xf32, #tpu.memory_space<vmem_shared>> -> memref<64x128xf32, #tpu.memory_space<vmem_shared>>
      %dma_wait3A_78 = arith.constant 0 : i32
      %dma_wait3A_79 = tpu.memref_slice %arg13[%add3A_8, %dma_wait3A_78] : memref<6144x128xf32, #tpu.memory_space<vmem_shared>> -> memref<64x128xf32, #tpu.memory_space<vmem_shared>>
      tpu.wait_dma2 semaphore(%run_scoped3A : memref<!tpu.dma_semaphore, #tpu.memory_space<semaphore_mem>>) src(%arg12 : memref<64x128xf32, #tpu.memory_space<vmem>>) dst(%dma_wait3A_79 : memref<64x128xf32, #tpu.memory_space<vmem_shared>>)
      tpu.yield
    }) : () -> ()
    %mul3A_9 = arith.constant 384 : i32
    %mul3A_10 = arith.muli %arg1, %mul3A_9 : i32
    %add3A_11 = arith.constant 64 : i32
    %add3A_12 = arith.addi %mul3A_10, %add3A_11 : i32
    "tpu.region"() ({
      %run_scoped3A = tpu.sem_alloc : memref<!tpu.dma_semaphore, #tpu.memory_space<semaphore_mem>>
      %dma_start3A_73 = arith.constant 0 : i32
      %dma_start3A_74 = tpu.memref_slice %arg13[%add3A_12, %dma_start3A_73] : memref<6144x128xf32, #tpu.memory_space<vmem_shared>> -> memref<64x128xf32, #tpu.memory_space<vmem_shared>>
      %dma_start3A_75 = arith.constant 0 : i32
      %dma_start3A_76 = tpu.memref_slice %arg13[%add3A_12, %dma_start3A_75] : memref<6144x128xf32, #tpu.memory_space<vmem_shared>> -> memref<64x128xf32, #tpu.memory_space<vmem_shared>>
      tpu.enqueue_dma source(%arg12 : memref<64x128xf32, #tpu.memory_space<vmem>>) target(%dma_start3A_76 : memref<64x128xf32, #tpu.memory_space<vmem_shared>>) target_semaphore(%run_scoped3A : memref<!tpu.dma_semaphore, #tpu.memory_space<semaphore_mem>>)
      %dma_wait3A = arith.constant 0 : i32
      %dma_wait3A_77 = tpu.memref_slice %arg13[%add3A_12, %dma_wait3A] : memref<6144x128xf32, #tpu.memory_space<vmem_shared>> -> memref<64x128xf32, #tpu.memory_space<vmem_shared>>
      %dma_wait3A_78 = arith.constant 0 : i32
      %dma_wait3A_79 = tpu.memref_slice %arg13[%add3A_12, %dma_wait3A_78] : memref<6144x128xf32, #tpu.memory_space<vmem_shared>> -> memref<64x128xf32, #tpu.memory_space<vmem_shared>>
      tpu.wait_dma2 semaphore(%run_scoped3A : memref<!tpu.dma_semaphore, #tpu.memory_space<semaphore_mem>>) src(%arg12 : memref<64x128xf32, #tpu.memory_space<vmem>>) dst(%dma_wait3A_79 : memref<64x128xf32, #tpu.memory_space<vmem_shared>>)
      tpu.yield
    }) : () -> ()
    %mul3A_13 = arith.constant 384 : i32
    %mul3A_14 = arith.muli %arg1, %mul3A_13 : i32
    %add3A_15 = arith.constant 128 : i32
    %add3A_16 = arith.addi %mul3A_14, %add3A_15 : i32
    "tpu.region"() ({
      %run_scoped3A = tpu.sem_alloc : memref<!tpu.dma_semaphore, #tpu.memory_space<semaphore_mem>>
      %dma_start3A_73 = arith.constant 0 : i32
      %dma_start3A_74 = tpu.memref_slice %arg13[%add3A_16, %dma_start3A_73] : memref<6144x128xf32, #tpu.memory_space<vmem_shared>> -> memref<64x128xf32, #tpu.memory_space<vmem_shared>>
      %dma_start3A_75 = arith.constant 0 : i32
      %dma_start3A_76 = tpu.memref_slice %arg13[%add3A_16, %dma_start3A_75] : memref<6144x128xf32, #tpu.memory_space<vmem_shared>> -> memref<64x128xf32, #tpu.memory_space<vmem_shared>>
      tpu.enqueue_dma source(%arg12 : memref<64x128xf32, #tpu.memory_space<vmem>>) target(%dma_start3A_76 : memref<64x128xf32, #tpu.memory_space<vmem_shared>>) target_semaphore(%run_scoped3A : memref<!tpu.dma_semaphore, #tpu.memory_space<semaphore_mem>>)
      %dma_wait3A = arith.constant 0 : i32
      %dma_wait3A_77 = tpu.memref_slice %arg13[%add3A_16, %dma_wait3A] : memref<6144x128xf32, #tpu.memory_space<vmem_shared>> -> memref<64x128xf32, #tpu.memory_space<vmem_shared>>
      %dma_wait3A_78 = arith.constant 0 : i32
      %dma_wait3A_79 = tpu.memref_slice %arg13[%add3A_16, %dma_wait3A_78] : memref<6144x128xf32, #tpu.memory_space<vmem_shared>> -> memref<64x128xf32, #tpu.memory_space<vmem_shared>>
      tpu.wait_dma2 semaphore(%run_scoped3A : memref<!tpu.dma_semaphore, #tpu.memory_space<semaphore_mem>>) src(%arg12 : memref<64x128xf32, #tpu.memory_space<vmem>>) dst(%dma_wait3A_79 : memref<64x128xf32, #tpu.memory_space<vmem_shared>>)
      tpu.yield
    }) : () -> ()
    %mul3A_17 = arith.constant 384 : i32
    %mul3A_18 = arith.muli %arg1, %mul3A_17 : i32
    %add3A_19 = arith.constant 192 : i32
    %add3A_20 = arith.addi %mul3A_18, %add3A_19 : i32
    "tpu.region"() ({
      %run_scoped3A = tpu.sem_alloc : memref<!tpu.dma_semaphore, #tpu.memory_space<semaphore_mem>>
      %dma_start3A_73 = arith.constant 0 : i32
      %dma_start3A_74 = tpu.memref_slice %arg13[%add3A_20, %dma_start3A_73] : memref<6144x128xf32, #tpu.memory_space<vmem_shared>> -> memref<64x128xf32, #tpu.memory_space<vmem_shared>>
      %dma_start3A_75 = arith.constant 0 : i32
      %dma_start3A_76 = tpu.memref_slice %arg13[%add3A_20, %dma_start3A_75] : memref<6144x128xf32, #tpu.memory_space<vmem_shared>> -> memref<64x128xf32, #tpu.memory_space<vmem_shared>>
      tpu.enqueue_dma source(%arg12 : memref<64x128xf32, #tpu.memory_space<vmem>>) target(%dma_start3A_76 : memref<64x128xf32, #tpu.memory_space<vmem_shared>>) target_semaphore(%run_scoped3A : memref<!tpu.dma_semaphore, #tpu.memory_space<semaphore_mem>>)
      %dma_wait3A = arith.constant 0 : i32
      %dma_wait3A_77 = tpu.memref_slice %arg13[%add3A_20, %dma_wait3A] : memref<6144x128xf32, #tpu.memory_space<vmem_shared>> -> memref<64x128xf32, #tpu.memory_space<vmem_shared>>
      %dma_wait3A_78 = arith.constant 0 : i32
      %dma_wait3A_79 = tpu.memref_slice %arg13[%add3A_20, %dma_wait3A_78] : memref<6144x128xf32, #tpu.memory_space<vmem_shared>> -> memref<64x128xf32, #tpu.memory_space<vmem_shared>>
      tpu.wait_dma2 semaphore(%run_scoped3A : memref<!tpu.dma_semaphore, #tpu.memory_space<semaphore_mem>>) src(%arg12 : memref<64x128xf32, #tpu.memory_space<vmem>>) dst(%dma_wait3A_79 : memref<64x128xf32, #tpu.memory_space<vmem_shared>>)
      tpu.yield
    }) : () -> ()
    %mul3A_21 = arith.constant 384 : i32
    %mul3A_22 = arith.muli %arg1, %mul3A_21 : i32
    %add3A_23 = arith.constant 256 : i32
    %add3A_24 = arith.addi %mul3A_22, %add3A_23 : i32
    "tpu.region"() ({
      %run_scoped3A = tpu.sem_alloc : memref<!tpu.dma_semaphore, #tpu.memory_space<semaphore_mem>>
      %dma_start3A_73 = arith.constant 0 : i32
      %dma_start3A_74 = tpu.memref_slice %arg13[%add3A_24, %dma_start3A_73] : memref<6144x128xf32, #tpu.memory_space<vmem_shared>> -> memref<64x128xf32, #tpu.memory_space<vmem_shared>>
      %dma_start3A_75 = arith.constant 0 : i32
      %dma_start3A_76 = tpu.memref_slice %arg13[%add3A_24, %dma_start3A_75] : memref<6144x128xf32, #tpu.memory_space<vmem_shared>> -> memref<64x128xf32, #tpu.memory_space<vmem_shared>>
      tpu.enqueue_dma source(%arg12 : memref<64x128xf32, #tpu.memory_space<vmem>>) target(%dma_start3A_76 : memref<64x128xf32, #tpu.memory_space<vmem_shared>>) target_semaphore(%run_scoped3A : memref<!tpu.dma_semaphore, #tpu.memory_space<semaphore_mem>>)
      %dma_wait3A = arith.constant 0 : i32
      %dma_wait3A_77 = tpu.memref_slice %arg13[%add3A_24, %dma_wait3A] : memref<6144x128xf32, #tpu.memory_space<vmem_shared>> -> memref<64x128xf32, #tpu.memory_space<vmem_shared>>
      %dma_wait3A_78 = arith.constant 0 : i32
      %dma_wait3A_79 = tpu.memref_slice %arg13[%add3A_24, %dma_wait3A_78] : memref<6144x128xf32, #tpu.memory_space<vmem_shared>> -> memref<64x128xf32, #tpu.memory_space<vmem_shared>>
      tpu.wait_dma2 semaphore(%run_scoped3A : memref<!tpu.dma_semaphore, #tpu.memory_space<semaphore_mem>>) src(%arg12 : memref<64x128xf32, #tpu.memory_space<vmem>>) dst(%dma_wait3A_79 : memref<64x128xf32, #tpu.memory_space<vmem_shared>>)
      tpu.yield
    }) : () -> ()
    %mul3A_25 = arith.constant 384 : i32
    %mul3A_26 = arith.muli %arg1, %mul3A_25 : i32
    %add3A_27 = arith.constant 320 : i32
    %add3A_28 = arith.addi %mul3A_26, %add3A_27 : i32
    "tpu.region"() ({
      %run_scoped3A = tpu.sem_alloc : memref<!tpu.dma_semaphore, #tpu.memory_space<semaphore_mem>>
      %dma_start3A_73 = arith.constant 0 : i32
      %dma_start3A_74 = tpu.memref_slice %arg13[%add3A_28, %dma_start3A_73] : memref<6144x128xf32, #tpu.memory_space<vmem_shared>> -> memref<64x128xf32, #tpu.memory_space<vmem_shared>>
      %dma_start3A_75 = arith.constant 0 : i32
      %dma_start3A_76 = tpu.memref_slice %arg13[%add3A_28, %dma_start3A_75] : memref<6144x128xf32, #tpu.memory_space<vmem_shared>> -> memref<64x128xf32, #tpu.memory_space<vmem_shared>>
      tpu.enqueue_dma source(%arg12 : memref<64x128xf32, #tpu.memory_space<vmem>>) target(%dma_start3A_76 : memref<64x128xf32, #tpu.memory_space<vmem_shared>>) target_semaphore(%run_scoped3A : memref<!tpu.dma_semaphore, #tpu.memory_space<semaphore_mem>>)
      %dma_wait3A = arith.constant 0 : i32
      %dma_wait3A_77 = tpu.memref_slice %arg13[%add3A_28, %dma_wait3A] : memref<6144x128xf32, #tpu.memory_space<vmem_shared>> -> memref<64x128xf32, #tpu.memory_space<vmem_shared>>
      %dma_wait3A_78 = arith.constant 0 : i32
      %dma_wait3A_79 = tpu.memref_slice %arg13[%add3A_28, %dma_wait3A_78] : memref<6144x128xf32, #tpu.memory_space<vmem_shared>> -> memref<64x128xf32, #tpu.memory_space<vmem_shared>>
      tpu.wait_dma2 semaphore(%run_scoped3A : memref<!tpu.dma_semaphore, #tpu.memory_space<semaphore_mem>>) src(%arg12 : memref<64x128xf32, #tpu.memory_space<vmem>>) dst(%dma_wait3A_79 : memref<64x128xf32, #tpu.memory_space<vmem_shared>>)
      tpu.yield
    }) : () -> ()
    %mul3A_29 = arith.constant 320 : i32
    %mul3A_30 = arith.muli %arg1, %mul3A_29 : i32
    %mul3A_31 = arith.constant 64 : i32
    %mul3A_32 = arith.muli %mul3A_30, %mul3A_31 : i32
    %mul3A_33 = arith.constant 5120 : i32
    %mul3A_34 = arith.muli %arg0, %mul3A_33 : i32
    "tpu.region"() ({
      %run_scoped3A = tpu.sem_alloc : memref<!tpu.dma_semaphore, #tpu.memory_space<semaphore_mem>>
      %dma_start3A_73 = tpu.memref_slice %arg3[%mul3A_32] : memref<327680xi32, #tpu.memory_space<hbm>> -> memref<20480xi32, #tpu.memory_space<hbm>>
      %dma_start3A_74 = tpu.memref_slice %arg3[%mul3A_32] : memref<327680xi32, #tpu.memory_space<hbm>> -> memref<20480xi32, #tpu.memory_space<hbm>>
      tpu.enqueue_dma source(%dma_start3A_74 : memref<20480xi32, #tpu.memory_space<hbm>>) target(%arg6 : memref<20480xi32, #tpu.memory_space<vmem>>) target_semaphore(%run_scoped3A : memref<!tpu.dma_semaphore, #tpu.memory_space<semaphore_mem>>)
      %dma_wait3A = tpu.memref_slice %arg3[%mul3A_32] : memref<327680xi32, #tpu.memory_space<hbm>> -> memref<20480xi32, #tpu.memory_space<hbm>>
      %dma_wait3A_75 = tpu.memref_slice %arg3[%mul3A_32] : memref<327680xi32, #tpu.memory_space<hbm>> -> memref<20480xi32, #tpu.memory_space<hbm>>
      tpu.wait_dma2 semaphore(%run_scoped3A : memref<!tpu.dma_semaphore, #tpu.memory_space<semaphore_mem>>) src(%dma_wait3A_75 : memref<20480xi32, #tpu.memory_space<hbm>>) dst(%arg6 : memref<20480xi32, #tpu.memory_space<vmem>>)
      tpu.yield
    }) : () -> ()
    "tpu.region"() ({
      %run_scoped3A = tpu.sem_alloc : memref<!tpu.dma_semaphore, #tpu.memory_space<semaphore_mem>>
      %dma_start3A_73 = tpu.memref_slice %arg4[%mul3A_32] : memref<327680xi32, #tpu.memory_space<hbm>> -> memref<20480xi32, #tpu.memory_space<hbm>>
      %dma_start3A_74 = tpu.memref_slice %arg4[%mul3A_32] : memref<327680xi32, #tpu.memory_space<hbm>> -> memref<20480xi32, #tpu.memory_space<hbm>>
      tpu.enqueue_dma source(%dma_start3A_74 : memref<20480xi32, #tpu.memory_space<hbm>>) target(%arg7 : memref<20480xi32, #tpu.memory_space<vmem>>) target_semaphore(%run_scoped3A : memref<!tpu.dma_semaphore, #tpu.memory_space<semaphore_mem>>)
      %dma_wait3A = tpu.memref_slice %arg4[%mul3A_32] : memref<327680xi32, #tpu.memory_space<hbm>> -> memref<20480xi32, #tpu.memory_space<hbm>>
      %dma_wait3A_75 = tpu.memref_slice %arg4[%mul3A_32] : memref<327680xi32, #tpu.memory_space<hbm>> -> memref<20480xi32, #tpu.memory_space<hbm>>
      tpu.wait_dma2 semaphore(%run_scoped3A : memref<!tpu.dma_semaphore, #tpu.memory_space<semaphore_mem>>) src(%dma_wait3A_75 : memref<20480xi32, #tpu.memory_space<hbm>>) dst(%arg7 : memref<20480xi32, #tpu.memory_space<vmem>>)
      tpu.yield
    }) : () -> ()
    %scan3A_35 = arith.constant 0 : i32
    %scan3A_36 = arith.constant 0 : i32
    %scan3A_37 = arith.constant 1280 : i32
    %scan3A_38 = arith.addi %scan3A_36, %scan3A_37 : i32
    %scan3A_39 = arith.constant 1 : i32
    %scan3A_40 = scf.for %scan3A_73 = %scan3A_36 to %scan3A_38 step %scan3A_39 iter_args(%scan3A_74 = %scan3A_35) -> (i32)  : i32 {
      %mul3A_75 = arith.constant 16 : i32
      %mul3A_76 = arith.muli %scan3A_73, %mul3A_75 : i32
      %get3A = arith.index_cast %mul3A_76 : i32 to index
      %get3A_77 = tpu.vector_load %arg7[%get3A] {strides = array<i32>} : memref<20480xi32, #tpu.memory_space<vmem>>, vector<16xi32>,
      %get3A_78 = vector.shape_cast %get3A_77 : vector<16xi32> to vector<16xi32>
      %sub3A = vector.broadcast %mul3A_34 : i32 to vector<16xi32>
      %sub3A_79 = arith.subi %get3A_78, %sub3A : vector<16xi32>
      %ge3A = arith.constant 0 : i32
      %ge3A_80 = vector.broadcast %ge3A : i32 to vector<16xi32>
      %ge3A_81 = arith.cmpi sge, %sub3A_79, %ge3A_80 : vector<16xi32>
      %lt3A = arith.constant 5120 : i32
      %lt3A_82 = vector.broadcast %lt3A : i32 to vector<16xi32>
      %lt3A_83 = arith.cmpi slt, %sub3A_79, %lt3A_82 : vector<16xi32>
      %and3A = arith.andi %ge3A_81, %lt3A_83 : vector<16xi1>
      %jit3A = arith.constant 5120 : i32
      %broadcast_in_dim3A_84 = vector.broadcast %jit3A : i32 to vector<16xi32>
      %select_n3A = arith.select %and3A, %sub3A_79, %broadcast_in_dim3A_84 : vector<16xi1>, vector<16xi32>
      %mul3A_85 = arith.constant 16 : i32
      %mul3A_86 = arith.muli %scan3A_73, %mul3A_85 : i32
      %swap3A = arith.index_cast %mul3A_86 : i32 to index
      %swap3A_87 = tpu.vector_load %arg7[%swap3A] {strides = array<i32>} : memref<20480xi32, #tpu.memory_space<vmem>>, vector<16xi32>,
      %swap3A_88 = vector.shape_cast %swap3A_87 : vector<16xi32> to vector<16xi32>
      %swap3A_89 = vector.shape_cast %select_n3A : vector<16xi32> to vector<16xi32>
      tpu.vector_store %arg7[%swap3A], %swap3A_89 {strides = array<i32>} : memref<20480xi32, #tpu.memory_space<vmem>>, vector<16xi32>,
      %scan3A_90 = arith.constant 0 : i32
      scf.yield %scan3A_90 : i32
    }
    %scan3A_41 = arith.constant 1280 : i32
    %barrier3A = arith.constant 0 : index
    tpu.barrier barrier_id(%barrier3A)
    %dma_start3A = arith.constant 0 : i32
    %dma_start3A_42 = tpu.memref_slice %arg6[%dma_start3A] : memref<20480xi32, #tpu.memory_space<vmem>> -> memref<64xi32, #tpu.memory_space<vmem>>
    %dma_start3A_43 = arith.constant 0 : i32
    %dma_start3A_44 = arith.constant 0 : i32
    %dma_start3A_45 = tpu.memref_slice %arg2[%dma_start3A_43, %dma_start3A_44] : memref<10000x128xf32, #tpu.memory_space<hbm>> -> memref<10000x128xf32, #tpu.memory_space<hbm>>
    tpu.enqueue_indirect_dma source(%dma_start3A_45 : memref<10000x128xf32, #tpu.memory_space<hbm>>) target(%arg8 : memref<64x128xf32, #tpu.memory_space<vmem>>) offsets(%dma_start3A_42 : memref<64xi32, #tpu.memory_space<vmem>>) semaphore(%arg14 : memref<!tpu.dma_semaphore, #tpu.memory_space<semaphore_mem>>)
    %dma_start3A_46 = arith.constant 64 : i32
    %dma_start3A_47 = tpu.memref_slice %arg6[%dma_start3A_46] : memref<20480xi32, #tpu.memory_space<vmem>> -> memref<64xi32, #tpu.memory_space<vmem>>
    %dma_start3A_48 = arith.constant 0 : i32
    %dma_start3A_49 = arith.constant 0 : i32
    %dma_start3A_50 = tpu.memref_slice %arg2[%dma_start3A_48, %dma_start3A_49] : memref<10000x128xf32, #tpu.memory_space<hbm>> -> memref<10000x128xf32, #tpu.memory_space<hbm>>
    tpu.enqueue_indirect_dma source(%dma_start3A_50 : memref<10000x128xf32, #tpu.memory_space<hbm>>) target(%arg9 : memref<64x128xf32, #tpu.memory_space<vmem>>) offsets(%dma_start3A_47 : memref<64xi32, #tpu.memory_space<vmem>>) semaphore(%arg15 : memref<!tpu.dma_semaphore, #tpu.memory_space<semaphore_mem>>)
    %dma_start3A_51 = arith.constant 128 : i32
    %dma_start3A_52 = tpu.memref_slice %arg6[%dma_start3A_51] : memref<20480xi32, #tpu.memory_space<vmem>> -> memref<64xi32, #tpu.memory_space<vmem>>
    %dma_start3A_53 = arith.constant 0 : i32
    %dma_start3A_54 = arith.constant 0 : i32
    %dma_start3A_55 = tpu.memref_slice %arg2[%dma_start3A_53, %dma_start3A_54] : memref<10000x128xf32, #tpu.memory_space<hbm>> -> memref<10000x128xf32, #tpu.memory_space<hbm>>
    tpu.enqueue_indirect_dma source(%dma_start3A_55 : memref<10000x128xf32, #tpu.memory_space<hbm>>) target(%arg10 : memref<64x128xf32, #tpu.memory_space<vmem>>) offsets(%dma_start3A_52 : memref<64xi32, #tpu.memory_space<vmem>>) semaphore(%arg16 : memref<!tpu.dma_semaphore, #tpu.memory_space<semaphore_mem>>)
    %dma_start3A_56 = arith.constant 192 : i32
    %dma_start3A_57 = tpu.memref_slice %arg6[%dma_start3A_56] : memref<20480xi32, #tpu.memory_space<vmem>> -> memref<64xi32, #tpu.memory_space<vmem>>
    %dma_start3A_58 = arith.constant 0 : i32
    %dma_start3A_59 = arith.constant 0 : i32
    %dma_start3A_60 = tpu.memref_slice %arg2[%dma_start3A_58, %dma_start3A_59] : memref<10000x128xf32, #tpu.memory_space<hbm>> -> memref<10000x128xf32, #tpu.memory_space<hbm>>
    tpu.enqueue_indirect_dma source(%dma_start3A_60 : memref<10000x128xf32, #tpu.memory_space<hbm>>) target(%arg11 : memref<64x128xf32, #tpu.memory_space<vmem>>) offsets(%dma_start3A_57 : memref<64xi32, #tpu.memory_space<vmem>>) semaphore(%arg17 : memref<!tpu.dma_semaphore, #tpu.memory_space<semaphore_mem>>)
    %scan3A_61 = arith.constant 0 : i32
    %scan3A_62 = arith.constant 0 : i32
    %scan3A_63 = arith.constant 80 : i32
    %scan3A_64 = arith.addi %scan3A_62, %scan3A_63 : i32
    %scan3A_65 = arith.constant 1 : i32
    %scan3A_66 = scf.for %scan3A_73 = %scan3A_62 to %scan3A_64 step %scan3A_65 iter_args(%scan3A_74 = %scan3A_61) -> (i32)  : i32 {
      %mul3A_75 = arith.constant 4 : i32
      %mul3A_76 = arith.muli %scan3A_73, %mul3A_75 : i32
      %add3A_77 = arith.constant 0 : i32
      %add3A_78 = arith.addi %mul3A_76, %add3A_77 : i32
      %dma_wait3A = arith.constant 0 : i32
      %dma_wait3A_79 = tpu.memref_slice %arg6[%dma_wait3A] : memref<20480xi32, #tpu.memory_space<vmem>> -> memref<64xi32, #tpu.memory_space<vmem>>
      %dma_wait3A_80 = arith.constant 0 : i32
      %dma_wait3A_81 = arith.constant 0 : i32
      %dma_wait3A_82 = tpu.memref_slice %arg2[%dma_wait3A_80, %dma_wait3A_81] : memref<10000x128xf32, #tpu.memory_space<hbm>> -> memref<10000x128xf32, #tpu.memory_space<hbm>>
      tpu.wait_indirect_dma semaphore(%arg14 : memref<!tpu.dma_semaphore, #tpu.memory_space<semaphore_mem>>) src(%dma_wait3A_82 : memref<10000x128xf32, #tpu.memory_space<hbm>>) dst(%arg8 : memref<64x128xf32, #tpu.memory_space<vmem>>)
      %mul3A_83 = arith.constant 64 : i32
      %mul3A_84 = arith.muli %add3A_78, %mul3A_83 : i32
      %dma_start3A_85 = tpu.memref_slice %arg7[%mul3A_84] : memref<20480xi32, #tpu.memory_space<vmem>> -> memref<64xi32, #tpu.memory_space<vmem>>
      %dma_start3A_86 = arith.constant 0 : i32
      %dma_start3A_87 = arith.constant 0 : i32
      %dma_start3A_88 = tpu.memref_slice %arg13[%dma_start3A_86, %dma_start3A_87] : memref<6144x128xf32, #tpu.memory_space<vmem_shared>> -> memref<6144x128xf32, #tpu.memory_space<vmem_shared>>
      tpu.enqueue_indirect_dma source(%arg8 : memref<64x128xf32, #tpu.memory_space<vmem>>) target(%dma_start3A_88 : memref<6144x128xf32, #tpu.memory_space<vmem_shared>>) offsets(%dma_start3A_85 : memref<64xi32, #tpu.memory_space<vmem>>) semaphore(%arg18 : memref<!tpu.dma_semaphore, #tpu.memory_space<semaphore_mem>>) {add = true}
      %mul3A_89 = arith.constant 4 : i32
      %mul3A_90 = arith.muli %scan3A_73, %mul3A_89 : i32
      %add3A_91 = arith.constant 1 : i32
      %add3A_92 = arith.addi %mul3A_90, %add3A_91 : i32
      %dma_wait3A_93 = arith.constant 0 : i32
      %dma_wait3A_94 = tpu.memref_slice %arg6[%dma_wait3A_93] : memref<20480xi32, #tpu.memory_space<vmem>> -> memref<64xi32, #tpu.memory_space<vmem>>
      %dma_wait3A_95 = arith.constant 0 : i32
      %dma_wait3A_96 = arith.constant 0 : i32
      %dma_wait3A_97 = tpu.memref_slice %arg2[%dma_wait3A_95, %dma_wait3A_96] : memref<10000x128xf32, #tpu.memory_space<hbm>> -> memref<10000x128xf32, #tpu.memory_space<hbm>>
      tpu.wait_indirect_dma semaphore(%arg15 : memref<!tpu.dma_semaphore, #tpu.memory_space<semaphore_mem>>) src(%dma_wait3A_97 : memref<10000x128xf32, #tpu.memory_space<hbm>>) dst(%arg9 : memref<64x128xf32, #tpu.memory_space<vmem>>)
      %mul3A_98 = arith.constant 64 : i32
      %mul3A_99 = arith.muli %add3A_92, %mul3A_98 : i32
      %dma_start3A_100 = tpu.memref_slice %arg7[%mul3A_99] : memref<20480xi32, #tpu.memory_space<vmem>> -> memref<64xi32, #tpu.memory_space<vmem>>
      %dma_start3A_101 = arith.constant 0 : i32
      %dma_start3A_102 = arith.constant 0 : i32
      %dma_start3A_103 = tpu.memref_slice %arg13[%dma_start3A_101, %dma_start3A_102] : memref<6144x128xf32, #tpu.memory_space<vmem_shared>> -> memref<6144x128xf32, #tpu.memory_space<vmem_shared>>
      tpu.enqueue_indirect_dma source(%arg9 : memref<64x128xf32, #tpu.memory_space<vmem>>) target(%dma_start3A_103 : memref<6144x128xf32, #tpu.memory_space<vmem_shared>>) offsets(%dma_start3A_100 : memref<64xi32, #tpu.memory_space<vmem>>) semaphore(%arg19 : memref<!tpu.dma_semaphore, #tpu.memory_space<semaphore_mem>>) {add = true}
      %mul3A_104 = arith.constant 4 : i32
      %mul3A_105 = arith.muli %scan3A_73, %mul3A_104 : i32
      %add3A_106 = arith.constant 2 : i32
      %add3A_107 = arith.addi %mul3A_105, %add3A_106 : i32
      %dma_wait3A_108 = arith.constant 0 : i32
      %dma_wait3A_109 = tpu.memref_slice %arg6[%dma_wait3A_108] : memref<20480xi32, #tpu.memory_space<vmem>> -> memref<64xi32, #tpu.memory_space<vmem>>
      %dma_wait3A_110 = arith.constant 0 : i32
      %dma_wait3A_111 = arith.constant 0 : i32
      %dma_wait3A_112 = tpu.memref_slice %arg2[%dma_wait3A_110, %dma_wait3A_111] : memref<10000x128xf32, #tpu.memory_space<hbm>> -> memref<10000x128xf32, #tpu.memory_space<hbm>>
      tpu.wait_indirect_dma semaphore(%arg16 : memref<!tpu.dma_semaphore, #tpu.memory_space<semaphore_mem>>) src(%dma_wait3A_112 : memref<10000x128xf32, #tpu.memory_space<hbm>>) dst(%arg10 : memref<64x128xf32, #tpu.memory_space<vmem>>)
      %mul3A_113 = arith.constant 64 : i32
      %mul3A_114 = arith.muli %add3A_107, %mul3A_113 : i32
      %dma_start3A_115 = tpu.memref_slice %arg7[%mul3A_114] : memref<20480xi32, #tpu.memory_space<vmem>> -> memref<64xi32, #tpu.memory_space<vmem>>
      %dma_start3A_116 = arith.constant 0 : i32
      %dma_start3A_117 = arith.constant 0 : i32
      %dma_start3A_118 = tpu.memref_slice %arg13[%dma_start3A_116, %dma_start3A_117] : memref<6144x128xf32, #tpu.memory_space<vmem_shared>> -> memref<6144x128xf32, #tpu.memory_space<vmem_shared>>
      tpu.enqueue_indirect_dma source(%arg10 : memref<64x128xf32, #tpu.memory_space<vmem>>) target(%dma_start3A_118 : memref<6144x128xf32, #tpu.memory_space<vmem_shared>>) offsets(%dma_start3A_115 : memref<64xi32, #tpu.memory_space<vmem>>) semaphore(%arg20 : memref<!tpu.dma_semaphore, #tpu.memory_space<semaphore_mem>>) {add = true}
      %mul3A_119 = arith.constant 4 : i32
      %mul3A_120 = arith.muli %scan3A_73, %mul3A_119 : i32
      %add3A_121 = arith.constant 3 : i32
      %add3A_122 = arith.addi %mul3A_120, %add3A_121 : i32
      %dma_wait3A_123 = arith.constant 0 : i32
      %dma_wait3A_124 = tpu.memref_slice %arg6[%dma_wait3A_123] : memref<20480xi32, #tpu.memory_space<vmem>> -> memref<64xi32, #tpu.memory_space<vmem>>
      %dma_wait3A_125 = arith.constant 0 : i32
      %dma_wait3A_126 = arith.constant 0 : i32
      %dma_wait3A_127 = tpu.memref_slice %arg2[%dma_wait3A_125, %dma_wait3A_126] : memref<10000x128xf32, #tpu.memory_space<hbm>> -> memref<10000x128xf32, #tpu.memory_space<hbm>>
      tpu.wait_indirect_dma semaphore(%arg17 : memref<!tpu.dma_semaphore, #tpu.memory_space<semaphore_mem>>) src(%dma_wait3A_127 : memref<10000x128xf32, #tpu.memory_space<hbm>>) dst(%arg11 : memref<64x128xf32, #tpu.memory_space<vmem>>)
      %mul3A_128 = arith.constant 64 : i32
      %mul3A_129 = arith.muli %add3A_122, %mul3A_128 : i32
      %dma_start3A_130 = tpu.memref_slice %arg7[%mul3A_129] : memref<20480xi32, #tpu.memory_space<vmem>> -> memref<64xi32, #tpu.memory_space<vmem>>
      %dma_start3A_131 = arith.constant 0 : i32
      %dma_start3A_132 = arith.constant 0 : i32
      %dma_start3A_133 = tpu.memref_slice %arg13[%dma_start3A_131, %dma_start3A_132] : memref<6144x128xf32, #tpu.memory_space<vmem_shared>> -> memref<6144x128xf32, #tpu.memory_space<vmem_shared>>
      tpu.enqueue_indirect_dma source(%arg11 : memref<64x128xf32, #tpu.memory_space<vmem>>) target(%dma_start3A_133 : memref<6144x128xf32, #tpu.memory_space<vmem_shared>>) offsets(%dma_start3A_130 : memref<64xi32, #tpu.memory_space<vmem>>) semaphore(%arg21 : memref<!tpu.dma_semaphore, #tpu.memory_space<semaphore_mem>>) {add = true}
      %dma_wait3A_134 = tpu.memref_slice %arg7[%mul3A_84] : memref<20480xi32, #tpu.memory_space<vmem>> -> memref<64xi32, #tpu.memory_space<vmem>>
      %dma_wait3A_135 = arith.constant 0 : i32
      %dma_wait3A_136 = arith.constant 0 : i32
      %dma_wait3A_137 = tpu.memref_slice %arg13[%dma_wait3A_135, %dma_wait3A_136] : memref<6144x128xf32, #tpu.memory_space<vmem_shared>> -> memref<6144x128xf32, #tpu.memory_space<vmem_shared>>
      tpu.wait_indirect_dma semaphore(%arg18 : memref<!tpu.dma_semaphore, #tpu.memory_space<semaphore_mem>>) src(%arg8 : memref<64x128xf32, #tpu.memory_space<vmem>>) dst(%dma_wait3A_137 : memref<6144x128xf32, #tpu.memory_space<vmem_shared>>)
      %add3A_138 = arith.constant 1 : i32
      %add3A_139 = arith.addi %scan3A_73, %add3A_138 : i32
      %lt3A = arith.constant 80 : i32
      %lt3A_140 = arith.cmpi slt, %add3A_139, %lt3A : i32
      %convert_element_type3A = arith.extui %lt3A_140 : i1 to i32
      %cond3A = arith.constant 0 : i32
      %cond3A_141 = arith.cmpi ne, %convert_element_type3A, %cond3A : i32
      scf.if %cond3A_141 {
        %mul3A_176 = arith.constant 4 : i32
        %mul3A_177 = arith.muli %scan3A_73, %mul3A_176 : i32
        %add3A_178 = arith.constant 4 : i32
        %add3A_179 = arith.addi %mul3A_177, %add3A_178 : i32
        %add3A_180 = arith.constant 0 : i32
        %add3A_181 = arith.addi %add3A_179, %add3A_180 : i32
        %mul3A_182 = arith.constant 64 : i32
        %mul3A_183 = arith.muli %add3A_181, %mul3A_182 : i32
        %dma_start3A_184 = tpu.memref_slice %arg6[%mul3A_183] : memref<20480xi32, #tpu.memory_space<vmem>> -> memref<64xi32, #tpu.memory_space<vmem>>
        %dma_start3A_185 = arith.constant 0 : i32
        %dma_start3A_186 = arith.constant 0 : i32
        %dma_start3A_187 = tpu.memref_slice %arg2[%dma_start3A_185, %dma_start3A_186] : memref<10000x128xf32, #tpu.memory_space<hbm>> -> memref<10000x128xf32, #tpu.memory_space<hbm>>
        tpu.enqueue_indirect_dma source(%dma_start3A_187 : memref<10000x128xf32, #tpu.memory_space<hbm>>) target(%arg8 : memref<64x128xf32, #tpu.memory_space<vmem>>) offsets(%dma_start3A_184 : memref<64xi32, #tpu.memory_space<vmem>>) semaphore(%arg14 : memref<!tpu.dma_semaphore, #tpu.memory_space<semaphore_mem>>)
      } else {
      }
      %dma_wait3A_142 = tpu.memref_slice %arg7[%mul3A_99] : memref<20480xi32, #tpu.memory_space<vmem>> -> memref<64xi32, #tpu.memory_space<vmem>>
      %dma_wait3A_143 = arith.constant 0 : i32
      %dma_wait3A_144 = arith.constant 0 : i32
      %dma_wait3A_145 = tpu.memref_slice %arg13[%dma_wait3A_143, %dma_wait3A_144] : memref<6144x128xf32, #tpu.memory_space<vmem_shared>> -> memref<6144x128xf32, #tpu.memory_space<vmem_shared>>
      tpu.wait_indirect_dma semaphore(%arg19 : memref<!tpu.dma_semaphore, #tpu.memory_space<semaphore_mem>>) src(%arg9 : memref<64x128xf32, #tpu.memory_space<vmem>>) dst(%dma_wait3A_145 : memref<6144x128xf32, #tpu.memory_space<vmem_shared>>)
      %add3A_146 = arith.constant 1 : i32
      %add3A_147 = arith.addi %scan3A_73, %add3A_146 : i32
      %lt3A_148 = arith.constant 80 : i32
      %lt3A_149 = arith.cmpi slt, %add3A_147, %lt3A_148 : i32
      %convert_element_type3A_150 = arith.extui %lt3A_149 : i1 to i32
      %cond3A_151 = arith.constant 0 : i32
      %cond3A_152 = arith.cmpi ne, %convert_element_type3A_150, %cond3A_151 : i32
      scf.if %cond3A_152 {
        %mul3A_176 = arith.constant 4 : i32
        %mul3A_177 = arith.muli %scan3A_73, %mul3A_176 : i32
        %add3A_178 = arith.constant 4 : i32
        %add3A_179 = arith.addi %mul3A_177, %add3A_178 : i32
        %add3A_180 = arith.constant 1 : i32
        %add3A_181 = arith.addi %add3A_179, %add3A_180 : i32
        %mul3A_182 = arith.constant 64 : i32
        %mul3A_183 = arith.muli %add3A_181, %mul3A_182 : i32
        %dma_start3A_184 = tpu.memref_slice %arg6[%mul3A_183] : memref<20480xi32, #tpu.memory_space<vmem>> -> memref<64xi32, #tpu.memory_space<vmem>>
        %dma_start3A_185 = arith.constant 0 : i32
        %dma_start3A_186 = arith.constant 0 : i32
        %dma_start3A_187 = tpu.memref_slice %arg2[%dma_start3A_185, %dma_start3A_186] : memref<10000x128xf32, #tpu.memory_space<hbm>> -> memref<10000x128xf32, #tpu.memory_space<hbm>>
        tpu.enqueue_indirect_dma source(%dma_start3A_187 : memref<10000x128xf32, #tpu.memory_space<hbm>>) target(%arg9 : memref<64x128xf32, #tpu.memory_space<vmem>>) offsets(%dma_start3A_184 : memref<64xi32, #tpu.memory_space<vmem>>) semaphore(%arg15 : memref<!tpu.dma_semaphore, #tpu.memory_space<semaphore_mem>>)
      } else {
      }
      %dma_wait3A_153 = tpu.memref_slice %arg7[%mul3A_114] : memref<20480xi32, #tpu.memory_space<vmem>> -> memref<64xi32, #tpu.memory_space<vmem>>
      %dma_wait3A_154 = arith.constant 0 : i32
      %dma_wait3A_155 = arith.constant 0 : i32
      %dma_wait3A_156 = tpu.memref_slice %arg13[%dma_wait3A_154, %dma_wait3A_155] : memref<6144x128xf32, #tpu.memory_space<vmem_shared>> -> memref<6144x128xf32, #tpu.memory_space<vmem_shared>>
      tpu.wait_indirect_dma semaphore(%arg20 : memref<!tpu.dma_semaphore, #tpu.memory_space<semaphore_mem>>) src(%arg10 : memref<64x128xf32, #tpu.memory_space<vmem>>) dst(%dma_wait3A_156 : memref<6144x128xf32, #tpu.memory_space<vmem_shared>>)
      %add3A_157 = arith.constant 1 : i32
      %add3A_158 = arith.addi %scan3A_73, %add3A_157 : i32
      %lt3A_159 = arith.constant 80 : i32
      %lt3A_160 = arith.cmpi slt, %add3A_158, %lt3A_159 : i32
      %convert_element_type3A_161 = arith.extui %lt3A_160 : i1 to i32
      %cond3A_162 = arith.constant 0 : i32
      %cond3A_163 = arith.cmpi ne, %convert_element_type3A_161, %cond3A_162 : i32
      scf.if %cond3A_163 {
        %mul3A_176 = arith.constant 4 : i32
        %mul3A_177 = arith.muli %scan3A_73, %mul3A_176 : i32
        %add3A_178 = arith.constant 4 : i32
        %add3A_179 = arith.addi %mul3A_177, %add3A_178 : i32
        %add3A_180 = arith.constant 2 : i32
        %add3A_181 = arith.addi %add3A_179, %add3A_180 : i32
        %mul3A_182 = arith.constant 64 : i32
        %mul3A_183 = arith.muli %add3A_181, %mul3A_182 : i32
        %dma_start3A_184 = tpu.memref_slice %arg6[%mul3A_183] : memref<20480xi32, #tpu.memory_space<vmem>> -> memref<64xi32, #tpu.memory_space<vmem>>
        %dma_start3A_185 = arith.constant 0 : i32
        %dma_start3A_186 = arith.constant 0 : i32
        %dma_start3A_187 = tpu.memref_slice %arg2[%dma_start3A_185, %dma_start3A_186] : memref<10000x128xf32, #tpu.memory_space<hbm>> -> memref<10000x128xf32, #tpu.memory_space<hbm>>
        tpu.enqueue_indirect_dma source(%dma_start3A_187 : memref<10000x128xf32, #tpu.memory_space<hbm>>) target(%arg10 : memref<64x128xf32, #tpu.memory_space<vmem>>) offsets(%dma_start3A_184 : memref<64xi32, #tpu.memory_space<vmem>>) semaphore(%arg16 : memref<!tpu.dma_semaphore, #tpu.memory_space<semaphore_mem>>)
      } else {
      }
      %dma_wait3A_164 = tpu.memref_slice %arg7[%mul3A_129] : memref<20480xi32, #tpu.memory_space<vmem>> -> memref<64xi32, #tpu.memory_space<vmem>>
      %dma_wait3A_165 = arith.constant 0 : i32
      %dma_wait3A_166 = arith.constant 0 : i32
      %dma_wait3A_167 = tpu.memref_slice %arg13[%dma_wait3A_165, %dma_wait3A_166] : memref<6144x128xf32, #tpu.memory_space<vmem_shared>> -> memref<6144x128xf32, #tpu.memory_space<vmem_shared>>
      tpu.wait_indirect_dma semaphore(%arg21 : memref<!tpu.dma_semaphore, #tpu.memory_space<semaphore_mem>>) src(%arg11 : memref<64x128xf32, #tpu.memory_space<vmem>>) dst(%dma_wait3A_167 : memref<6144x128xf32, #tpu.memory_space<vmem_shared>>)
      %add3A_168 = arith.constant 1 : i32
      %add3A_169 = arith.addi %scan3A_73, %add3A_168 : i32
      %lt3A_170 = arith.constant 80 : i32
      %lt3A_171 = arith.cmpi slt, %add3A_169, %lt3A_170 : i32
      %convert_element_type3A_172 = arith.extui %lt3A_171 : i1 to i32
      %cond3A_173 = arith.constant 0 : i32
      %cond3A_174 = arith.cmpi ne, %convert_element_type3A_172, %cond3A_173 : i32
      scf.if %cond3A_174 {
        %mul3A_176 = arith.constant 4 : i32
        %mul3A_177 = arith.muli %scan3A_73, %mul3A_176 : i32
        %add3A_178 = arith.constant 4 : i32
        %add3A_179 = arith.addi %mul3A_177, %add3A_178 : i32
        %add3A_180 = arith.constant 3 : i32
        %add3A_181 = arith.addi %add3A_179, %add3A_180 : i32
        %mul3A_182 = arith.constant 64 : i32
        %mul3A_183 = arith.muli %add3A_181, %mul3A_182 : i32
        %dma_start3A_184 = tpu.memref_slice %arg6[%mul3A_183] : memref<20480xi32, #tpu.memory_space<vmem>> -> memref<64xi32, #tpu.memory_space<vmem>>
        %dma_start3A_185 = arith.constant 0 : i32
        %dma_start3A_186 = arith.constant 0 : i32
        %dma_start3A_187 = tpu.memref_slice %arg2[%dma_start3A_185, %dma_start3A_186] : memref<10000x128xf32, #tpu.memory_space<hbm>> -> memref<10000x128xf32, #tpu.memory_space<hbm>>
        tpu.enqueue_indirect_dma source(%dma_start3A_187 : memref<10000x128xf32, #tpu.memory_space<hbm>>) target(%arg11 : memref<64x128xf32, #tpu.memory_space<vmem>>) offsets(%dma_start3A_184 : memref<64xi32, #tpu.memory_space<vmem>>) semaphore(%arg17 : memref<!tpu.dma_semaphore, #tpu.memory_space<semaphore_mem>>)
      } else {
      }
      %scan3A_175 = arith.constant 0 : i32
      scf.yield %scan3A_175 : i32
    }
    %scan3A_67 = arith.constant 80 : i32
    %barrier3A_68 = arith.constant 0 : index
    tpu.barrier barrier_id(%barrier3A_68)
    %mul3A_69 = arith.constant 384 : i32
    %mul3A_70 = arith.muli %arg1, %mul3A_69 : i32
    %mul3A_71 = arith.constant 384 : i32
    %mul3A_72 = arith.muli %arg1, %mul3A_71 : i32
    "tpu.region"() ({
      %run_scoped3A = tpu.sem_alloc : memref<!tpu.dma_semaphore, #tpu.memory_space<semaphore_mem>>
      %dma_start3A_73 = arith.constant 0 : i32
      %dma_start3A_74 = tpu.memref_slice %arg5[%arg0, %mul3A_72, %dma_start3A_73] : memref<2x6144x128xf32, #tpu.memory_space<hbm>> -> memref<1x384x128xf32, #tpu.memory_space<hbm>>
      %dma_start3A_75 = tpu.memref_squeeze %dma_start3A_74 : memref<1x384x128xf32, #tpu.memory_space<hbm>> -> memref<384x128xf32, #tpu.memory_space<hbm>>
      %dma_start3A_76 = arith.constant 0 : i32
      %dma_start3A_77 = tpu.memref_slice %arg13[%mul3A_70, %dma_start3A_76] : memref<6144x128xf32, #tpu.memory_space<vmem_shared>> -> memref<384x128xf32, #tpu.memory_space<vmem_shared>>
      tpu.enqueue_dma source(%dma_start3A_77 : memref<384x128xf32, #tpu.memory_space<vmem_shared>>) target(%dma_start3A_75 : memref<384x128xf32, #tpu.memory_space<hbm>>) target_semaphore(%run_scoped3A : memref<!tpu.dma_semaphore, #tpu.memory_space<semaphore_mem>>)
      %dma_wait3A = arith.constant 0 : i32
      %dma_wait3A_78 = tpu.memref_slice %arg5[%arg0, %mul3A_72, %dma_wait3A] : memref<2x6144x128xf32, #tpu.memory_space<hbm>> -> memref<1x384x128xf32, #tpu.memory_space<hbm>>
      %dma_wait3A_79 = tpu.memref_squeeze %dma_wait3A_78 : memref<1x384x128xf32, #tpu.memory_space<hbm>> -> memref<384x128xf32, #tpu.memory_space<hbm>>
      %dma_wait3A_80 = arith.constant 0 : i32
      %dma_wait3A_81 = tpu.memref_slice %arg13[%mul3A_70, %dma_wait3A_80] : memref<6144x128xf32, #tpu.memory_space<vmem_shared>> -> memref<384x128xf32, #tpu.memory_space<vmem_shared>>
      tpu.wait_dma2 semaphore(%run_scoped3A : memref<!tpu.dma_semaphore, #tpu.memory_space<semaphore_mem>>) src(%dma_wait3A_81 : memref<384x128xf32, #tpu.memory_space<vmem_shared>>) dst(%dma_wait3A_79 : memref<384x128xf32, #tpu.memory_space<hbm>>)
      tpu.yield
    }) : () -> ()
    return
  }
}

#map = affine_map<(d0, d1) -> (0)>
#map1 = affine_map<(d0, d1) -> (0, 0, 0, 0)>
module attributes {stable_mosaic.version = 14 : i64} {
  func.func @count_kernel(%arg0: i32, %arg1: i32, %arg2: memref<655360xi32, #tpu.memory_space<hbm>>, %arg3: memref<2x2x6144x128xf32, #tpu.memory_space<hbm>>, %arg4: memref<20480xi32, #tpu.memory_space<vmem>>, %arg5: memref<128x128xf32, #tpu.memory_space<vmem>>, %arg6: memref<64x128xf32, #tpu.memory_space<vmem>>, %arg7: memref<6144x128xf32, #tpu.memory_space<vmem_shared>>, %arg8: memref<!tpu.dma_semaphore, #tpu.memory_space<semaphore_mem>>) attributes {dimension_semantics = [#tpu.dimension_semantics<core_parallel>, #tpu.dimension_semantics<subcore_parallel>], iteration_bounds = array<i64: 2, 16>, scalar_prefetch = 0 : i64, scratch_operands = 5 : i64, tpu.core_type = #tpu.core_type<sc_vector_subcore>, window_params = [{transform_indices = #map}, {transform_indices = #map1}]} {
    %broadcast_in_dim3A = arith.constant 1.000000e+00 : f32
    %broadcast_in_dim3A_0 = vector.broadcast %broadcast_in_dim3A : f32 to vector<16xf32>
    %scan3A = arith.constant 0 : i32
    %scan3A_1 = arith.constant 0 : i32
    %scan3A_2 = arith.constant 1024 : i32
    %scan3A_3 = arith.addi %scan3A_1, %scan3A_2 : i32
    %scan3A_4 = arith.constant 1 : i32
    %scan3A_5 = scf.for %scan3A_118 = %scan3A_1 to %scan3A_3 step %scan3A_4 iter_args(%scan3A_119 = %scan3A) -> (i32)  : i32 {
      %jit3A = arith.constant 8 : i32
      %div3A = arith.divsi %scan3A_118, %jit3A : i32
      %sign3A = arith.constant 0 : i32
      %sign3A_120 = arith.cmpi sgt, %scan3A_118, %sign3A : i32
      %sign3A_121 = arith.extui %sign3A_120 : i1 to i32
      %sign3A_122 = arith.constant 0 : i32
      %sign3A_123 = arith.cmpi slt, %scan3A_118, %sign3A_122 : i32
      %sign3A_124 = arith.extui %sign3A_123 : i1 to i32
      %sign3A_125 = arith.subi %sign3A_121, %sign3A_124 : i32
      %sign3A_126 = arith.constant 0 : i32
      %sign3A_127 = arith.cmpi sgt, %jit3A, %sign3A_126 : i32
      %sign3A_128 = arith.extui %sign3A_127 : i1 to i32
      %sign3A_129 = arith.constant 0 : i32
      %sign3A_130 = arith.cmpi slt, %jit3A, %sign3A_129 : i32
      %sign3A_131 = arith.extui %sign3A_130 : i1 to i32
      %sign3A_132 = arith.subi %sign3A_128, %sign3A_131 : i32
      %ne3A = arith.cmpi ne, %sign3A_125, %sign3A_132 : i32
      %rem3A = arith.remsi %scan3A_118, %jit3A : i32
      %ne3A_133 = arith.constant 0 : i32
      %ne3A_134 = arith.cmpi ne, %rem3A, %ne3A_133 : i32
      %and3A = arith.andi %ne3A, %ne3A_134 : i1
      %sub3A = arith.constant 1 : i32
      %sub3A_135 = arith.subi %div3A, %sub3A : i32
      %select_n3A = arith.select %and3A, %sub3A_135, %div3A : i32
      %jit3A_136 = arith.constant 8 : i32
      %eq3A = arith.constant 0 : i32
      %eq3A_137 = arith.cmpi eq, %jit3A_136, %eq3A : i32
      %jit3A_138 = arith.constant 1 : i32
      %select_n3A_139 = arith.select %eq3A_137, %jit3A_138, %jit3A_136 : i32
      %rem3A_140 = arith.remsi %scan3A_118, %select_n3A_139 : i32
      %ne3A_141 = arith.constant 0 : i32
      %ne3A_142 = arith.cmpi ne, %rem3A_140, %ne3A_141 : i32
      %lt3A = arith.constant 0 : i32
      %lt3A_143 = arith.cmpi slt, %rem3A_140, %lt3A : i32
      %lt3A_144 = arith.constant 0 : i32
      %lt3A_145 = arith.cmpi slt, %select_n3A_139, %lt3A_144 : i32
      %ne3A_146 = arith.xori %lt3A_143, %lt3A_145 : i1
      %and3A_147 = arith.andi %ne3A_146, %ne3A_142 : i1
      %add3A_148 = arith.addi %rem3A_140, %select_n3A_139 : i32
      %select_n3A_149 = arith.select %and3A_147, %add3A_148, %rem3A_140 : i32
      %mul3A_150 = arith.constant 16 : i32
      %mul3A_151 = arith.muli %select_n3A_149, %mul3A_150 : i32
      %swap3A = arith.index_cast %select_n3A : i32 to index
      %swap3A_152 = arith.index_cast %mul3A_151 : i32 to index
      %swap3A_153 = tpu.vector_load %arg5[%swap3A, %swap3A_152] {strides = array<i32>} : memref<128x128xf32, #tpu.memory_space<vmem>>, vector<1x16xf32>,
      %swap3A_154 = vector.shape_cast %swap3A_153 : vector<1x16xf32> to vector<16xf32>
      %swap3A_155 = vector.shape_cast %broadcast_in_dim3A_0 : vector<16xf32> to vector<1x16xf32>
      tpu.vector_store %arg5[%swap3A, %swap3A_152], %swap3A_155 {strides = array<i32>} : memref<128x128xf32, #tpu.memory_space<vmem>>, vector<1x16xf32>,
      %scan3A_156 = arith.constant 0 : i32
      scf.yield %scan3A_156 : i32
    }
    %scan3A_6 = arith.constant 1024 : i32
    %broadcast_in_dim3A_7 = arith.constant 0.000000e+00 : f32
    %broadcast_in_dim3A_8 = vector.broadcast %broadcast_in_dim3A_7 : f32 to vector<16xf32>
    %scan3A_9 = arith.constant 0 : i32
    %scan3A_10 = arith.constant 0 : i32
    %scan3A_11 = arith.constant 512 : i32
    %scan3A_12 = arith.addi %scan3A_10, %scan3A_11 : i32
    %scan3A_13 = arith.constant 1 : i32
    %scan3A_14 = scf.for %scan3A_118 = %scan3A_10 to %scan3A_12 step %scan3A_13 iter_args(%scan3A_119 = %scan3A_9) -> (i32)  : i32 {
      %jit3A = arith.constant 8 : i32
      %div3A = arith.divsi %scan3A_118, %jit3A : i32
      %sign3A = arith.constant 0 : i32
      %sign3A_120 = arith.cmpi sgt, %scan3A_118, %sign3A : i32
      %sign3A_121 = arith.extui %sign3A_120 : i1 to i32
      %sign3A_122 = arith.constant 0 : i32
      %sign3A_123 = arith.cmpi slt, %scan3A_118, %sign3A_122 : i32
      %sign3A_124 = arith.extui %sign3A_123 : i1 to i32
      %sign3A_125 = arith.subi %sign3A_121, %sign3A_124 : i32
      %sign3A_126 = arith.constant 0 : i32
      %sign3A_127 = arith.cmpi sgt, %jit3A, %sign3A_126 : i32
      %sign3A_128 = arith.extui %sign3A_127 : i1 to i32
      %sign3A_129 = arith.constant 0 : i32
      %sign3A_130 = arith.cmpi slt, %jit3A, %sign3A_129 : i32
      %sign3A_131 = arith.extui %sign3A_130 : i1 to i32
      %sign3A_132 = arith.subi %sign3A_128, %sign3A_131 : i32
      %ne3A = arith.cmpi ne, %sign3A_125, %sign3A_132 : i32
      %rem3A = arith.remsi %scan3A_118, %jit3A : i32
      %ne3A_133 = arith.constant 0 : i32
      %ne3A_134 = arith.cmpi ne, %rem3A, %ne3A_133 : i32
      %and3A = arith.andi %ne3A, %ne3A_134 : i1
      %sub3A = arith.constant 1 : i32
      %sub3A_135 = arith.subi %div3A, %sub3A : i32
      %select_n3A = arith.select %and3A, %sub3A_135, %div3A : i32
      %jit3A_136 = arith.constant 8 : i32
      %eq3A = arith.constant 0 : i32
      %eq3A_137 = arith.cmpi eq, %jit3A_136, %eq3A : i32
      %jit3A_138 = arith.constant 1 : i32
      %select_n3A_139 = arith.select %eq3A_137, %jit3A_138, %jit3A_136 : i32
      %rem3A_140 = arith.remsi %scan3A_118, %select_n3A_139 : i32
      %ne3A_141 = arith.constant 0 : i32
      %ne3A_142 = arith.cmpi ne, %rem3A_140, %ne3A_141 : i32
      %lt3A = arith.constant 0 : i32
      %lt3A_143 = arith.cmpi slt, %rem3A_140, %lt3A : i32
      %lt3A_144 = arith.constant 0 : i32
      %lt3A_145 = arith.cmpi slt, %select_n3A_139, %lt3A_144 : i32
      %ne3A_146 = arith.xori %lt3A_143, %lt3A_145 : i1
      %and3A_147 = arith.andi %ne3A_146, %ne3A_142 : i1
      %add3A_148 = arith.addi %rem3A_140, %select_n3A_139 : i32
      %select_n3A_149 = arith.select %and3A_147, %add3A_148, %rem3A_140 : i32
      %mul3A_150 = arith.constant 16 : i32
      %mul3A_151 = arith.muli %select_n3A_149, %mul3A_150 : i32
      %swap3A = arith.index_cast %select_n3A : i32 to index
      %swap3A_152 = arith.index_cast %mul3A_151 : i32 to index
      %swap3A_153 = tpu.vector_load %arg6[%swap3A, %swap3A_152] {strides = array<i32>} : memref<64x128xf32, #tpu.memory_space<vmem>>, vector<1x16xf32>,
      %swap3A_154 = vector.shape_cast %swap3A_153 : vector<1x16xf32> to vector<16xf32>
      %swap3A_155 = vector.shape_cast %broadcast_in_dim3A_8 : vector<16xf32> to vector<1x16xf32>
      tpu.vector_store %arg6[%swap3A, %swap3A_152], %swap3A_155 {strides = array<i32>} : memref<64x128xf32, #tpu.memory_space<vmem>>, vector<1x16xf32>,
      %scan3A_156 = arith.constant 0 : i32
      scf.yield %scan3A_156 : i32
    }
    %scan3A_15 = arith.constant 512 : i32
    %mul3A = arith.constant 5120 : i32
    %mul3A_16 = arith.muli %arg0, %mul3A : i32
    %mul3A_17 = arith.constant 384 : i32
    %mul3A_18 = arith.muli %arg1, %mul3A_17 : i32
    %add3A = arith.constant 0 : i32
    %add3A_19 = arith.addi %mul3A_18, %add3A : i32
    "tpu.region"() ({
      %run_scoped3A_118 = tpu.sem_alloc : memref<!tpu.dma_semaphore, #tpu.memory_space<semaphore_mem>>
      %dma_start3A = arith.constant 0 : i32
      %dma_start3A_119 = tpu.memref_slice %arg7[%add3A_19, %dma_start3A] : memref<6144x128xf32, #tpu.memory_space<vmem_shared>> -> memref<64x128xf32, #tpu.memory_space<vmem_shared>>
      %dma_start3A_120 = arith.constant 0 : i32
      %dma_start3A_121 = tpu.memref_slice %arg7[%add3A_19, %dma_start3A_120] : memref<6144x128xf32, #tpu.memory_space<vmem_shared>> -> memref<64x128xf32, #tpu.memory_space<vmem_shared>>
      tpu.enqueue_dma source(%arg6 : memref<64x128xf32, #tpu.memory_space<vmem>>) target(%dma_start3A_121 : memref<64x128xf32, #tpu.memory_space<vmem_shared>>) target_semaphore(%run_scoped3A_118 : memref<!tpu.dma_semaphore, #tpu.memory_space<semaphore_mem>>)
      %dma_wait3A = arith.constant 0 : i32
      %dma_wait3A_122 = tpu.memref_slice %arg7[%add3A_19, %dma_wait3A] : memref<6144x128xf32, #tpu.memory_space<vmem_shared>> -> memref<64x128xf32, #tpu.memory_space<vmem_shared>>
      %dma_wait3A_123 = arith.constant 0 : i32
      %dma_wait3A_124 = tpu.memref_slice %arg7[%add3A_19, %dma_wait3A_123] : memref<6144x128xf32, #tpu.memory_space<vmem_shared>> -> memref<64x128xf32, #tpu.memory_space<vmem_shared>>
      tpu.wait_dma2 semaphore(%run_scoped3A_118 : memref<!tpu.dma_semaphore, #tpu.memory_space<semaphore_mem>>) src(%arg6 : memref<64x128xf32, #tpu.memory_space<vmem>>) dst(%dma_wait3A_124 : memref<64x128xf32, #tpu.memory_space<vmem_shared>>)
      tpu.yield
    }) : () -> ()
    %mul3A_20 = arith.constant 384 : i32
    %mul3A_21 = arith.muli %arg1, %mul3A_20 : i32
    %add3A_22 = arith.constant 64 : i32
    %add3A_23 = arith.addi %mul3A_21, %add3A_22 : i32
    "tpu.region"() ({
      %run_scoped3A_118 = tpu.sem_alloc : memref<!tpu.dma_semaphore, #tpu.memory_space<semaphore_mem>>
      %dma_start3A = arith.constant 0 : i32
      %dma_start3A_119 = tpu.memref_slice %arg7[%add3A_23, %dma_start3A] : memref<6144x128xf32, #tpu.memory_space<vmem_shared>> -> memref<64x128xf32, #tpu.memory_space<vmem_shared>>
      %dma_start3A_120 = arith.constant 0 : i32
      %dma_start3A_121 = tpu.memref_slice %arg7[%add3A_23, %dma_start3A_120] : memref<6144x128xf32, #tpu.memory_space<vmem_shared>> -> memref<64x128xf32, #tpu.memory_space<vmem_shared>>
      tpu.enqueue_dma source(%arg6 : memref<64x128xf32, #tpu.memory_space<vmem>>) target(%dma_start3A_121 : memref<64x128xf32, #tpu.memory_space<vmem_shared>>) target_semaphore(%run_scoped3A_118 : memref<!tpu.dma_semaphore, #tpu.memory_space<semaphore_mem>>)
      %dma_wait3A = arith.constant 0 : i32
      %dma_wait3A_122 = tpu.memref_slice %arg7[%add3A_23, %dma_wait3A] : memref<6144x128xf32, #tpu.memory_space<vmem_shared>> -> memref<64x128xf32, #tpu.memory_space<vmem_shared>>
      %dma_wait3A_123 = arith.constant 0 : i32
      %dma_wait3A_124 = tpu.memref_slice %arg7[%add3A_23, %dma_wait3A_123] : memref<6144x128xf32, #tpu.memory_space<vmem_shared>> -> memref<64x128xf32, #tpu.memory_space<vmem_shared>>
      tpu.wait_dma2 semaphore(%run_scoped3A_118 : memref<!tpu.dma_semaphore, #tpu.memory_space<semaphore_mem>>) src(%arg6 : memref<64x128xf32, #tpu.memory_space<vmem>>) dst(%dma_wait3A_124 : memref<64x128xf32, #tpu.memory_space<vmem_shared>>)
      tpu.yield
    }) : () -> ()
    %mul3A_24 = arith.constant 384 : i32
    %mul3A_25 = arith.muli %arg1, %mul3A_24 : i32
    %add3A_26 = arith.constant 128 : i32
    %add3A_27 = arith.addi %mul3A_25, %add3A_26 : i32
    "tpu.region"() ({
      %run_scoped3A_118 = tpu.sem_alloc : memref<!tpu.dma_semaphore, #tpu.memory_space<semaphore_mem>>
      %dma_start3A = arith.constant 0 : i32
      %dma_start3A_119 = tpu.memref_slice %arg7[%add3A_27, %dma_start3A] : memref<6144x128xf32, #tpu.memory_space<vmem_shared>> -> memref<64x128xf32, #tpu.memory_space<vmem_shared>>
      %dma_start3A_120 = arith.constant 0 : i32
      %dma_start3A_121 = tpu.memref_slice %arg7[%add3A_27, %dma_start3A_120] : memref<6144x128xf32, #tpu.memory_space<vmem_shared>> -> memref<64x128xf32, #tpu.memory_space<vmem_shared>>
      tpu.enqueue_dma source(%arg6 : memref<64x128xf32, #tpu.memory_space<vmem>>) target(%dma_start3A_121 : memref<64x128xf32, #tpu.memory_space<vmem_shared>>) target_semaphore(%run_scoped3A_118 : memref<!tpu.dma_semaphore, #tpu.memory_space<semaphore_mem>>)
      %dma_wait3A = arith.constant 0 : i32
      %dma_wait3A_122 = tpu.memref_slice %arg7[%add3A_27, %dma_wait3A] : memref<6144x128xf32, #tpu.memory_space<vmem_shared>> -> memref<64x128xf32, #tpu.memory_space<vmem_shared>>
      %dma_wait3A_123 = arith.constant 0 : i32
      %dma_wait3A_124 = tpu.memref_slice %arg7[%add3A_27, %dma_wait3A_123] : memref<6144x128xf32, #tpu.memory_space<vmem_shared>> -> memref<64x128xf32, #tpu.memory_space<vmem_shared>>
      tpu.wait_dma2 semaphore(%run_scoped3A_118 : memref<!tpu.dma_semaphore, #tpu.memory_space<semaphore_mem>>) src(%arg6 : memref<64x128xf32, #tpu.memory_space<vmem>>) dst(%dma_wait3A_124 : memref<64x128xf32, #tpu.memory_space<vmem_shared>>)
      tpu.yield
    }) : () -> ()
    %mul3A_28 = arith.constant 384 : i32
    %mul3A_29 = arith.muli %arg1, %mul3A_28 : i32
    %add3A_30 = arith.constant 192 : i32
    %add3A_31 = arith.addi %mul3A_29, %add3A_30 : i32
    "tpu.region"() ({
      %run_scoped3A_118 = tpu.sem_alloc : memref<!tpu.dma_semaphore, #tpu.memory_space<semaphore_mem>>
      %dma_start3A = arith.constant 0 : i32
      %dma_start3A_119 = tpu.memref_slice %arg7[%add3A_31, %dma_start3A] : memref<6144x128xf32, #tpu.memory_space<vmem_shared>> -> memref<64x128xf32, #tpu.memory_space<vmem_shared>>
      %dma_start3A_120 = arith.constant 0 : i32
      %dma_start3A_121 = tpu.memref_slice %arg7[%add3A_31, %dma_start3A_120] : memref<6144x128xf32, #tpu.memory_space<vmem_shared>> -> memref<64x128xf32, #tpu.memory_space<vmem_shared>>
      tpu.enqueue_dma source(%arg6 : memref<64x128xf32, #tpu.memory_space<vmem>>) target(%dma_start3A_121 : memref<64x128xf32, #tpu.memory_space<vmem_shared>>) target_semaphore(%run_scoped3A_118 : memref<!tpu.dma_semaphore, #tpu.memory_space<semaphore_mem>>)
      %dma_wait3A = arith.constant 0 : i32
      %dma_wait3A_122 = tpu.memref_slice %arg7[%add3A_31, %dma_wait3A] : memref<6144x128xf32, #tpu.memory_space<vmem_shared>> -> memref<64x128xf32, #tpu.memory_space<vmem_shared>>
      %dma_wait3A_123 = arith.constant 0 : i32
      %dma_wait3A_124 = tpu.memref_slice %arg7[%add3A_31, %dma_wait3A_123] : memref<6144x128xf32, #tpu.memory_space<vmem_shared>> -> memref<64x128xf32, #tpu.memory_space<vmem_shared>>
      tpu.wait_dma2 semaphore(%run_scoped3A_118 : memref<!tpu.dma_semaphore, #tpu.memory_space<semaphore_mem>>) src(%arg6 : memref<64x128xf32, #tpu.memory_space<vmem>>) dst(%dma_wait3A_124 : memref<64x128xf32, #tpu.memory_space<vmem_shared>>)
      tpu.yield
    }) : () -> ()
    %mul3A_32 = arith.constant 384 : i32
    %mul3A_33 = arith.muli %arg1, %mul3A_32 : i32
    %add3A_34 = arith.constant 256 : i32
    %add3A_35 = arith.addi %mul3A_33, %add3A_34 : i32
    "tpu.region"() ({
      %run_scoped3A_118 = tpu.sem_alloc : memref<!tpu.dma_semaphore, #tpu.memory_space<semaphore_mem>>
      %dma_start3A = arith.constant 0 : i32
      %dma_start3A_119 = tpu.memref_slice %arg7[%add3A_35, %dma_start3A] : memref<6144x128xf32, #tpu.memory_space<vmem_shared>> -> memref<64x128xf32, #tpu.memory_space<vmem_shared>>
      %dma_start3A_120 = arith.constant 0 : i32
      %dma_start3A_121 = tpu.memref_slice %arg7[%add3A_35, %dma_start3A_120] : memref<6144x128xf32, #tpu.memory_space<vmem_shared>> -> memref<64x128xf32, #tpu.memory_space<vmem_shared>>
      tpu.enqueue_dma source(%arg6 : memref<64x128xf32, #tpu.memory_space<vmem>>) target(%dma_start3A_121 : memref<64x128xf32, #tpu.memory_space<vmem_shared>>) target_semaphore(%run_scoped3A_118 : memref<!tpu.dma_semaphore, #tpu.memory_space<semaphore_mem>>)
      %dma_wait3A = arith.constant 0 : i32
      %dma_wait3A_122 = tpu.memref_slice %arg7[%add3A_35, %dma_wait3A] : memref<6144x128xf32, #tpu.memory_space<vmem_shared>> -> memref<64x128xf32, #tpu.memory_space<vmem_shared>>
      %dma_wait3A_123 = arith.constant 0 : i32
      %dma_wait3A_124 = tpu.memref_slice %arg7[%add3A_35, %dma_wait3A_123] : memref<6144x128xf32, #tpu.memory_space<vmem_shared>> -> memref<64x128xf32, #tpu.memory_space<vmem_shared>>
      tpu.wait_dma2 semaphore(%run_scoped3A_118 : memref<!tpu.dma_semaphore, #tpu.memory_space<semaphore_mem>>) src(%arg6 : memref<64x128xf32, #tpu.memory_space<vmem>>) dst(%dma_wait3A_124 : memref<64x128xf32, #tpu.memory_space<vmem_shared>>)
      tpu.yield
    }) : () -> ()
    %mul3A_36 = arith.constant 384 : i32
    %mul3A_37 = arith.muli %arg1, %mul3A_36 : i32
    %add3A_38 = arith.constant 320 : i32
    %add3A_39 = arith.addi %mul3A_37, %add3A_38 : i32
    "tpu.region"() ({
      %run_scoped3A_118 = tpu.sem_alloc : memref<!tpu.dma_semaphore, #tpu.memory_space<semaphore_mem>>
      %dma_start3A = arith.constant 0 : i32
      %dma_start3A_119 = tpu.memref_slice %arg7[%add3A_39, %dma_start3A] : memref<6144x128xf32, #tpu.memory_space<vmem_shared>> -> memref<64x128xf32, #tpu.memory_space<vmem_shared>>
      %dma_start3A_120 = arith.constant 0 : i32
      %dma_start3A_121 = tpu.memref_slice %arg7[%add3A_39, %dma_start3A_120] : memref<6144x128xf32, #tpu.memory_space<vmem_shared>> -> memref<64x128xf32, #tpu.memory_space<vmem_shared>>
      tpu.enqueue_dma source(%arg6 : memref<64x128xf32, #tpu.memory_space<vmem>>) target(%dma_start3A_121 : memref<64x128xf32, #tpu.memory_space<vmem_shared>>) target_semaphore(%run_scoped3A_118 : memref<!tpu.dma_semaphore, #tpu.memory_space<semaphore_mem>>)
      %dma_wait3A = arith.constant 0 : i32
      %dma_wait3A_122 = tpu.memref_slice %arg7[%add3A_39, %dma_wait3A] : memref<6144x128xf32, #tpu.memory_space<vmem_shared>> -> memref<64x128xf32, #tpu.memory_space<vmem_shared>>
      %dma_wait3A_123 = arith.constant 0 : i32
      %dma_wait3A_124 = tpu.memref_slice %arg7[%add3A_39, %dma_wait3A_123] : memref<6144x128xf32, #tpu.memory_space<vmem_shared>> -> memref<64x128xf32, #tpu.memory_space<vmem_shared>>
      tpu.wait_dma2 semaphore(%run_scoped3A_118 : memref<!tpu.dma_semaphore, #tpu.memory_space<semaphore_mem>>) src(%arg6 : memref<64x128xf32, #tpu.memory_space<vmem>>) dst(%dma_wait3A_124 : memref<64x128xf32, #tpu.memory_space<vmem_shared>>)
      tpu.yield
    }) : () -> ()
    %mul3A_40 = arith.constant 160 : i32
    %mul3A_41 = arith.muli %arg1, %mul3A_40 : i32
    %mul3A_42 = arith.constant 128 : i32
    %mul3A_43 = arith.muli %mul3A_41, %mul3A_42 : i32
    %add3A_44 = arith.constant 0 : i32
    %add3A_45 = arith.addi %add3A_44, %mul3A_43 : i32
    "tpu.region"() ({
      %run_scoped3A_118 = tpu.sem_alloc : memref<!tpu.dma_semaphore, #tpu.memory_space<semaphore_mem>>
      %dma_start3A = tpu.memref_slice %arg2[%add3A_45] : memref<655360xi32, #tpu.memory_space<hbm>> -> memref<20480xi32, #tpu.memory_space<hbm>>
      %dma_start3A_119 = tpu.memref_slice %arg2[%add3A_45] : memref<655360xi32, #tpu.memory_space<hbm>> -> memref<20480xi32, #tpu.memory_space<hbm>>
      tpu.enqueue_dma source(%dma_start3A_119 : memref<20480xi32, #tpu.memory_space<hbm>>) target(%arg4 : memref<20480xi32, #tpu.memory_space<vmem>>) target_semaphore(%run_scoped3A_118 : memref<!tpu.dma_semaphore, #tpu.memory_space<semaphore_mem>>)
      %dma_wait3A = tpu.memref_slice %arg2[%add3A_45] : memref<655360xi32, #tpu.memory_space<hbm>> -> memref<20480xi32, #tpu.memory_space<hbm>>
      %dma_wait3A_120 = tpu.memref_slice %arg2[%add3A_45] : memref<655360xi32, #tpu.memory_space<hbm>> -> memref<20480xi32, #tpu.memory_space<hbm>>
      tpu.wait_dma2 semaphore(%run_scoped3A_118 : memref<!tpu.dma_semaphore, #tpu.memory_space<semaphore_mem>>) src(%dma_wait3A_120 : memref<20480xi32, #tpu.memory_space<hbm>>) dst(%arg4 : memref<20480xi32, #tpu.memory_space<vmem>>)
      tpu.yield
    }) : () -> ()
    %scan3A_46 = arith.constant 0 : i32
    %scan3A_47 = arith.constant 0 : i32
    %scan3A_48 = arith.constant 1280 : i32
    %scan3A_49 = arith.addi %scan3A_47, %scan3A_48 : i32
    %scan3A_50 = arith.constant 1 : i32
    %scan3A_51 = scf.for %scan3A_118 = %scan3A_47 to %scan3A_49 step %scan3A_50 iter_args(%scan3A_119 = %scan3A_46) -> (i32)  : i32 {
      %mul3A_120 = arith.constant 16 : i32
      %mul3A_121 = arith.muli %scan3A_118, %mul3A_120 : i32
      %get3A = arith.index_cast %mul3A_121 : i32 to index
      %get3A_122 = tpu.vector_load %arg4[%get3A] {strides = array<i32>} : memref<20480xi32, #tpu.memory_space<vmem>>, vector<16xi32>,
      %get3A_123 = vector.shape_cast %get3A_122 : vector<16xi32> to vector<16xi32>
      %sub3A = vector.broadcast %mul3A_16 : i32 to vector<16xi32>
      %sub3A_124 = arith.subi %get3A_123, %sub3A : vector<16xi32>
      %ge3A = arith.constant 0 : i32
      %ge3A_125 = vector.broadcast %ge3A : i32 to vector<16xi32>
      %ge3A_126 = arith.cmpi sge, %sub3A_124, %ge3A_125 : vector<16xi32>
      %lt3A = arith.constant 5120 : i32
      %lt3A_127 = vector.broadcast %lt3A : i32 to vector<16xi32>
      %lt3A_128 = arith.cmpi slt, %sub3A_124, %lt3A_127 : vector<16xi32>
      %and3A = arith.andi %ge3A_126, %lt3A_128 : vector<16xi1>
      %jit3A = arith.constant 5120 : i32
      %broadcast_in_dim3A_129 = vector.broadcast %jit3A : i32 to vector<16xi32>
      %select_n3A = arith.select %and3A, %sub3A_124, %broadcast_in_dim3A_129 : vector<16xi1>, vector<16xi32>
      %mul3A_130 = arith.constant 16 : i32
      %mul3A_131 = arith.muli %scan3A_118, %mul3A_130 : i32
      %swap3A = arith.index_cast %mul3A_131 : i32 to index
      %swap3A_132 = tpu.vector_load %arg4[%swap3A] {strides = array<i32>} : memref<20480xi32, #tpu.memory_space<vmem>>, vector<16xi32>,
      %swap3A_133 = vector.shape_cast %swap3A_132 : vector<16xi32> to vector<16xi32>
      %swap3A_134 = vector.shape_cast %select_n3A : vector<16xi32> to vector<16xi32>
      tpu.vector_store %arg4[%swap3A], %swap3A_134 {strides = array<i32>} : memref<20480xi32, #tpu.memory_space<vmem>>, vector<16xi32>,
      %scan3A_135 = arith.constant 0 : i32
      scf.yield %scan3A_135 : i32
    }
    %scan3A_52 = arith.constant 1280 : i32
    %barrier3A = arith.constant 0 : index
    tpu.barrier barrier_id(%barrier3A)
    %scan3A_53 = arith.constant 0 : i32
    %scan3A_54 = arith.constant 0 : i32
    %scan3A_55 = arith.constant 20 : i32
    %scan3A_56 = arith.addi %scan3A_54, %scan3A_55 : i32
    %scan3A_57 = arith.constant 1 : i32
    %scan3A_58 = scf.for %scan3A_118 = %scan3A_54 to %scan3A_56 step %scan3A_57 iter_args(%scan3A_119 = %scan3A_53) -> (i32)  : i32 {
      %mul3A_120 = arith.constant 8 : i32
      %mul3A_121 = arith.muli %scan3A_118, %mul3A_120 : i32
      %add3A_122 = arith.constant 0 : i32
      %add3A_123 = arith.addi %mul3A_121, %add3A_122 : i32
      %mul3A_124 = arith.constant 128 : i32
      %mul3A_125 = arith.muli %add3A_123, %mul3A_124 : i32
      %dma_start3A = tpu.memref_slice %arg4[%mul3A_125] : memref<20480xi32, #tpu.memory_space<vmem>> -> memref<128xi32, #tpu.memory_space<vmem>>
      %dma_start3A_126 = arith.constant 0 : i32
      %dma_start3A_127 = arith.constant 0 : i32
      %dma_start3A_128 = tpu.memref_slice %arg7[%dma_start3A_126, %dma_start3A_127] : memref<6144x128xf32, #tpu.memory_space<vmem_shared>> -> memref<6144x128xf32, #tpu.memory_space<vmem_shared>>
      tpu.enqueue_indirect_dma source(%arg5 : memref<128x128xf32, #tpu.memory_space<vmem>>) target(%dma_start3A_128 : memref<6144x128xf32, #tpu.memory_space<vmem_shared>>) offsets(%dma_start3A : memref<128xi32, #tpu.memory_space<vmem>>) semaphore(%arg8 : memref<!tpu.dma_semaphore, #tpu.memory_space<semaphore_mem>>) {add = true}
      %mul3A_129 = arith.constant 8 : i32
      %mul3A_130 = arith.muli %scan3A_118, %mul3A_129 : i32
      %add3A_131 = arith.constant 1 : i32
      %add3A_132 = arith.addi %mul3A_130, %add3A_131 : i32
      %mul3A_133 = arith.constant 128 : i32
      %mul3A_134 = arith.muli %add3A_132, %mul3A_133 : i32
      %dma_start3A_135 = tpu.memref_slice %arg4[%mul3A_134] : memref<20480xi32, #tpu.memory_space<vmem>> -> memref<128xi32, #tpu.memory_space<vmem>>
      %dma_start3A_136 = arith.constant 0 : i32
      %dma_start3A_137 = arith.constant 0 : i32
      %dma_start3A_138 = tpu.memref_slice %arg7[%dma_start3A_136, %dma_start3A_137] : memref<6144x128xf32, #tpu.memory_space<vmem_shared>> -> memref<6144x128xf32, #tpu.memory_space<vmem_shared>>
      tpu.enqueue_indirect_dma source(%arg5 : memref<128x128xf32, #tpu.memory_space<vmem>>) target(%dma_start3A_138 : memref<6144x128xf32, #tpu.memory_space<vmem_shared>>) offsets(%dma_start3A_135 : memref<128xi32, #tpu.memory_space<vmem>>) semaphore(%arg8 : memref<!tpu.dma_semaphore, #tpu.memory_space<semaphore_mem>>) {add = true}
      %mul3A_139 = arith.constant 8 : i32
      %mul3A_140 = arith.muli %scan3A_118, %mul3A_139 : i32
      %add3A_141 = arith.constant 2 : i32
      %add3A_142 = arith.addi %mul3A_140, %add3A_141 : i32
      %mul3A_143 = arith.constant 128 : i32
      %mul3A_144 = arith.muli %add3A_142, %mul3A_143 : i32
      %dma_start3A_145 = tpu.memref_slice %arg4[%mul3A_144] : memref<20480xi32, #tpu.memory_space<vmem>> -> memref<128xi32, #tpu.memory_space<vmem>>
      %dma_start3A_146 = arith.constant 0 : i32
      %dma_start3A_147 = arith.constant 0 : i32
      %dma_start3A_148 = tpu.memref_slice %arg7[%dma_start3A_146, %dma_start3A_147] : memref<6144x128xf32, #tpu.memory_space<vmem_shared>> -> memref<6144x128xf32, #tpu.memory_space<vmem_shared>>
      tpu.enqueue_indirect_dma source(%arg5 : memref<128x128xf32, #tpu.memory_space<vmem>>) target(%dma_start3A_148 : memref<6144x128xf32, #tpu.memory_space<vmem_shared>>) offsets(%dma_start3A_145 : memref<128xi32, #tpu.memory_space<vmem>>) semaphore(%arg8 : memref<!tpu.dma_semaphore, #tpu.memory_space<semaphore_mem>>) {add = true}
      %mul3A_149 = arith.constant 8 : i32
      %mul3A_150 = arith.muli %scan3A_118, %mul3A_149 : i32
      %add3A_151 = arith.constant 3 : i32
      %add3A_152 = arith.addi %mul3A_150, %add3A_151 : i32
      %mul3A_153 = arith.constant 128 : i32
      %mul3A_154 = arith.muli %add3A_152, %mul3A_153 : i32
      %dma_start3A_155 = tpu.memref_slice %arg4[%mul3A_154] : memref<20480xi32, #tpu.memory_space<vmem>> -> memref<128xi32, #tpu.memory_space<vmem>>
      %dma_start3A_156 = arith.constant 0 : i32
      %dma_start3A_157 = arith.constant 0 : i32
      %dma_start3A_158 = tpu.memref_slice %arg7[%dma_start3A_156, %dma_start3A_157] : memref<6144x128xf32, #tpu.memory_space<vmem_shared>> -> memref<6144x128xf32, #tpu.memory_space<vmem_shared>>
      tpu.enqueue_indirect_dma source(%arg5 : memref<128x128xf32, #tpu.memory_space<vmem>>) target(%dma_start3A_158 : memref<6144x128xf32, #tpu.memory_space<vmem_shared>>) offsets(%dma_start3A_155 : memref<128xi32, #tpu.memory_space<vmem>>) semaphore(%arg8 : memref<!tpu.dma_semaphore, #tpu.memory_space<semaphore_mem>>) {add = true}
      %mul3A_159 = arith.constant 8 : i32
      %mul3A_160 = arith.muli %scan3A_118, %mul3A_159 : i32
      %add3A_161 = arith.constant 4 : i32
      %add3A_162 = arith.addi %mul3A_160, %add3A_161 : i32
      %mul3A_163 = arith.constant 128 : i32
      %mul3A_164 = arith.muli %add3A_162, %mul3A_163 : i32
      %dma_start3A_165 = tpu.memref_slice %arg4[%mul3A_164] : memref<20480xi32, #tpu.memory_space<vmem>> -> memref<128xi32, #tpu.memory_space<vmem>>
      %dma_start3A_166 = arith.constant 0 : i32
      %dma_start3A_167 = arith.constant 0 : i32
      %dma_start3A_168 = tpu.memref_slice %arg7[%dma_start3A_166, %dma_start3A_167] : memref<6144x128xf32, #tpu.memory_space<vmem_shared>> -> memref<6144x128xf32, #tpu.memory_space<vmem_shared>>
      tpu.enqueue_indirect_dma source(%arg5 : memref<128x128xf32, #tpu.memory_space<vmem>>) target(%dma_start3A_168 : memref<6144x128xf32, #tpu.memory_space<vmem_shared>>) offsets(%dma_start3A_165 : memref<128xi32, #tpu.memory_space<vmem>>) semaphore(%arg8 : memref<!tpu.dma_semaphore, #tpu.memory_space<semaphore_mem>>) {add = true}
      %mul3A_169 = arith.constant 8 : i32
      %mul3A_170 = arith.muli %scan3A_118, %mul3A_169 : i32
      %add3A_171 = arith.constant 5 : i32
      %add3A_172 = arith.addi %mul3A_170, %add3A_171 : i32
      %mul3A_173 = arith.constant 128 : i32
      %mul3A_174 = arith.muli %add3A_172, %mul3A_173 : i32
      %dma_start3A_175 = tpu.memref_slice %arg4[%mul3A_174] : memref<20480xi32, #tpu.memory_space<vmem>> -> memref<128xi32, #tpu.memory_space<vmem>>
      %dma_start3A_176 = arith.constant 0 : i32
      %dma_start3A_177 = arith.constant 0 : i32
      %dma_start3A_178 = tpu.memref_slice %arg7[%dma_start3A_176, %dma_start3A_177] : memref<6144x128xf32, #tpu.memory_space<vmem_shared>> -> memref<6144x128xf32, #tpu.memory_space<vmem_shared>>
      tpu.enqueue_indirect_dma source(%arg5 : memref<128x128xf32, #tpu.memory_space<vmem>>) target(%dma_start3A_178 : memref<6144x128xf32, #tpu.memory_space<vmem_shared>>) offsets(%dma_start3A_175 : memref<128xi32, #tpu.memory_space<vmem>>) semaphore(%arg8 : memref<!tpu.dma_semaphore, #tpu.memory_space<semaphore_mem>>) {add = true}
      %mul3A_179 = arith.constant 8 : i32
      %mul3A_180 = arith.muli %scan3A_118, %mul3A_179 : i32
      %add3A_181 = arith.constant 6 : i32
      %add3A_182 = arith.addi %mul3A_180, %add3A_181 : i32
      %mul3A_183 = arith.constant 128 : i32
      %mul3A_184 = arith.muli %add3A_182, %mul3A_183 : i32
      %dma_start3A_185 = tpu.memref_slice %arg4[%mul3A_184] : memref<20480xi32, #tpu.memory_space<vmem>> -> memref<128xi32, #tpu.memory_space<vmem>>
      %dma_start3A_186 = arith.constant 0 : i32
      %dma_start3A_187 = arith.constant 0 : i32
      %dma_start3A_188 = tpu.memref_slice %arg7[%dma_start3A_186, %dma_start3A_187] : memref<6144x128xf32, #tpu.memory_space<vmem_shared>> -> memref<6144x128xf32, #tpu.memory_space<vmem_shared>>
      tpu.enqueue_indirect_dma source(%arg5 : memref<128x128xf32, #tpu.memory_space<vmem>>) target(%dma_start3A_188 : memref<6144x128xf32, #tpu.memory_space<vmem_shared>>) offsets(%dma_start3A_185 : memref<128xi32, #tpu.memory_space<vmem>>) semaphore(%arg8 : memref<!tpu.dma_semaphore, #tpu.memory_space<semaphore_mem>>) {add = true}
      %mul3A_189 = arith.constant 8 : i32
      %mul3A_190 = arith.muli %scan3A_118, %mul3A_189 : i32
      %add3A_191 = arith.constant 7 : i32
      %add3A_192 = arith.addi %mul3A_190, %add3A_191 : i32
      %mul3A_193 = arith.constant 128 : i32
      %mul3A_194 = arith.muli %add3A_192, %mul3A_193 : i32
      %dma_start3A_195 = tpu.memref_slice %arg4[%mul3A_194] : memref<20480xi32, #tpu.memory_space<vmem>> -> memref<128xi32, #tpu.memory_space<vmem>>
      %dma_start3A_196 = arith.constant 0 : i32
      %dma_start3A_197 = arith.constant 0 : i32
      %dma_start3A_198 = tpu.memref_slice %arg7[%dma_start3A_196, %dma_start3A_197] : memref<6144x128xf32, #tpu.memory_space<vmem_shared>> -> memref<6144x128xf32, #tpu.memory_space<vmem_shared>>
      tpu.enqueue_indirect_dma source(%arg5 : memref<128x128xf32, #tpu.memory_space<vmem>>) target(%dma_start3A_198 : memref<6144x128xf32, #tpu.memory_space<vmem_shared>>) offsets(%dma_start3A_195 : memref<128xi32, #tpu.memory_space<vmem>>) semaphore(%arg8 : memref<!tpu.dma_semaphore, #tpu.memory_space<semaphore_mem>>) {add = true}
      %dma_wait3A = tpu.memref_slice %arg4[%mul3A_125] : memref<20480xi32, #tpu.memory_space<vmem>> -> memref<128xi32, #tpu.memory_space<vmem>>
      %dma_wait3A_199 = arith.constant 0 : i32
      %dma_wait3A_200 = arith.constant 0 : i32
      %dma_wait3A_201 = tpu.memref_slice %arg7[%dma_wait3A_199, %dma_wait3A_200] : memref<6144x128xf32, #tpu.memory_space<vmem_shared>> -> memref<6144x128xf32, #tpu.memory_space<vmem_shared>>
      tpu.wait_indirect_dma semaphore(%arg8 : memref<!tpu.dma_semaphore, #tpu.memory_space<semaphore_mem>>) src(%arg5 : memref<128x128xf32, #tpu.memory_space<vmem>>) dst(%dma_wait3A_201 : memref<6144x128xf32, #tpu.memory_space<vmem_shared>>)
      %dma_wait3A_202 = tpu.memref_slice %arg4[%mul3A_134] : memref<20480xi32, #tpu.memory_space<vmem>> -> memref<128xi32, #tpu.memory_space<vmem>>
      %dma_wait3A_203 = arith.constant 0 : i32
      %dma_wait3A_204 = arith.constant 0 : i32
      %dma_wait3A_205 = tpu.memref_slice %arg7[%dma_wait3A_203, %dma_wait3A_204] : memref<6144x128xf32, #tpu.memory_space<vmem_shared>> -> memref<6144x128xf32, #tpu.memory_space<vmem_shared>>
      tpu.wait_indirect_dma semaphore(%arg8 : memref<!tpu.dma_semaphore, #tpu.memory_space<semaphore_mem>>) src(%arg5 : memref<128x128xf32, #tpu.memory_space<vmem>>) dst(%dma_wait3A_205 : memref<6144x128xf32, #tpu.memory_space<vmem_shared>>)
      %dma_wait3A_206 = tpu.memref_slice %arg4[%mul3A_144] : memref<20480xi32, #tpu.memory_space<vmem>> -> memref<128xi32, #tpu.memory_space<vmem>>
      %dma_wait3A_207 = arith.constant 0 : i32
      %dma_wait3A_208 = arith.constant 0 : i32
      %dma_wait3A_209 = tpu.memref_slice %arg7[%dma_wait3A_207, %dma_wait3A_208] : memref<6144x128xf32, #tpu.memory_space<vmem_shared>> -> memref<6144x128xf32, #tpu.memory_space<vmem_shared>>
      tpu.wait_indirect_dma semaphore(%arg8 : memref<!tpu.dma_semaphore, #tpu.memory_space<semaphore_mem>>) src(%arg5 : memref<128x128xf32, #tpu.memory_space<vmem>>) dst(%dma_wait3A_209 : memref<6144x128xf32, #tpu.memory_space<vmem_shared>>)
      %dma_wait3A_210 = tpu.memref_slice %arg4[%mul3A_154] : memref<20480xi32, #tpu.memory_space<vmem>> -> memref<128xi32, #tpu.memory_space<vmem>>
      %dma_wait3A_211 = arith.constant 0 : i32
      %dma_wait3A_212 = arith.constant 0 : i32
      %dma_wait3A_213 = tpu.memref_slice %arg7[%dma_wait3A_211, %dma_wait3A_212] : memref<6144x128xf32, #tpu.memory_space<vmem_shared>> -> memref<6144x128xf32, #tpu.memory_space<vmem_shared>>
      tpu.wait_indirect_dma semaphore(%arg8 : memref<!tpu.dma_semaphore, #tpu.memory_space<semaphore_mem>>) src(%arg5 : memref<128x128xf32, #tpu.memory_space<vmem>>) dst(%dma_wait3A_213 : memref<6144x128xf32, #tpu.memory_space<vmem_shared>>)
      %dma_wait3A_214 = tpu.memref_slice %arg4[%mul3A_164] : memref<20480xi32, #tpu.memory_space<vmem>> -> memref<128xi32, #tpu.memory_space<vmem>>
      %dma_wait3A_215 = arith.constant 0 : i32
      %dma_wait3A_216 = arith.constant 0 : i32
      %dma_wait3A_217 = tpu.memref_slice %arg7[%dma_wait3A_215, %dma_wait3A_216] : memref<6144x128xf32, #tpu.memory_space<vmem_shared>> -> memref<6144x128xf32, #tpu.memory_space<vmem_shared>>
      tpu.wait_indirect_dma semaphore(%arg8 : memref<!tpu.dma_semaphore, #tpu.memory_space<semaphore_mem>>) src(%arg5 : memref<128x128xf32, #tpu.memory_space<vmem>>) dst(%dma_wait3A_217 : memref<6144x128xf32, #tpu.memory_space<vmem_shared>>)
      %dma_wait3A_218 = tpu.memref_slice %arg4[%mul3A_174] : memref<20480xi32, #tpu.memory_space<vmem>> -> memref<128xi32, #tpu.memory_space<vmem>>
      %dma_wait3A_219 = arith.constant 0 : i32
      %dma_wait3A_220 = arith.constant 0 : i32
      %dma_wait3A_221 = tpu.memref_slice %arg7[%dma_wait3A_219, %dma_wait3A_220] : memref<6144x128xf32, #tpu.memory_space<vmem_shared>> -> memref<6144x128xf32, #tpu.memory_space<vmem_shared>>
      tpu.wait_indirect_dma semaphore(%arg8 : memref<!tpu.dma_semaphore, #tpu.memory_space<semaphore_mem>>) src(%arg5 : memref<128x128xf32, #tpu.memory_space<vmem>>) dst(%dma_wait3A_221 : memref<6144x128xf32, #tpu.memory_space<vmem_shared>>)
      %dma_wait3A_222 = tpu.memref_slice %arg4[%mul3A_184] : memref<20480xi32, #tpu.memory_space<vmem>> -> memref<128xi32, #tpu.memory_space<vmem>>
      %dma_wait3A_223 = arith.constant 0 : i32
      %dma_wait3A_224 = arith.constant 0 : i32
      %dma_wait3A_225 = tpu.memref_slice %arg7[%dma_wait3A_223, %dma_wait3A_224] : memref<6144x128xf32, #tpu.memory_space<vmem_shared>> -> memref<6144x128xf32, #tpu.memory_space<vmem_shared>>
      tpu.wait_indirect_dma semaphore(%arg8 : memref<!tpu.dma_semaphore, #tpu.memory_space<semaphore_mem>>) src(%arg5 : memref<128x128xf32, #tpu.memory_space<vmem>>) dst(%dma_wait3A_225 : memref<6144x128xf32, #tpu.memory_space<vmem_shared>>)
      %dma_wait3A_226 = tpu.memref_slice %arg4[%mul3A_194] : memref<20480xi32, #tpu.memory_space<vmem>> -> memref<128xi32, #tpu.memory_space<vmem>>
      %dma_wait3A_227 = arith.constant 0 : i32
      %dma_wait3A_228 = arith.constant 0 : i32
      %dma_wait3A_229 = tpu.memref_slice %arg7[%dma_wait3A_227, %dma_wait3A_228] : memref<6144x128xf32, #tpu.memory_space<vmem_shared>> -> memref<6144x128xf32, #tpu.memory_space<vmem_shared>>
      tpu.wait_indirect_dma semaphore(%arg8 : memref<!tpu.dma_semaphore, #tpu.memory_space<semaphore_mem>>) src(%arg5 : memref<128x128xf32, #tpu.memory_space<vmem>>) dst(%dma_wait3A_229 : memref<6144x128xf32, #tpu.memory_space<vmem_shared>>)
      %scan3A_230 = arith.constant 0 : i32
      scf.yield %scan3A_230 : i32
    }
    %scan3A_59 = arith.constant 20 : i32
    %barrier3A_60 = arith.constant 0 : index
    tpu.barrier barrier_id(%barrier3A_60)
    %mul3A_61 = arith.constant 384 : i32
    %mul3A_62 = arith.muli %arg1, %mul3A_61 : i32
    %mul3A_63 = arith.constant 384 : i32
    %mul3A_64 = arith.muli %arg1, %mul3A_63 : i32
    %run_scoped3A = arith.constant 0 : i32
    "tpu.region"() ({
      %run_scoped3A_118 = tpu.sem_alloc : memref<!tpu.dma_semaphore, #tpu.memory_space<semaphore_mem>>
      %dma_start3A = arith.constant 0 : i32
      %dma_start3A_119 = tpu.memref_slice %arg3[%run_scoped3A, %arg0, %mul3A_64, %dma_start3A] : memref<2x2x6144x128xf32, #tpu.memory_space<hbm>> -> memref<1x1x384x128xf32, #tpu.memory_space<hbm>>
      %dma_start3A_120 = tpu.memref_squeeze %dma_start3A_119 : memref<1x1x384x128xf32, #tpu.memory_space<hbm>> -> memref<384x128xf32, #tpu.memory_space<hbm>>
      %dma_start3A_121 = arith.constant 0 : i32
      %dma_start3A_122 = tpu.memref_slice %arg7[%mul3A_62, %dma_start3A_121] : memref<6144x128xf32, #tpu.memory_space<vmem_shared>> -> memref<384x128xf32, #tpu.memory_space<vmem_shared>>
      tpu.enqueue_dma source(%dma_start3A_122 : memref<384x128xf32, #tpu.memory_space<vmem_shared>>) target(%dma_start3A_120 : memref<384x128xf32, #tpu.memory_space<hbm>>) target_semaphore(%run_scoped3A_118 : memref<!tpu.dma_semaphore, #tpu.memory_space<semaphore_mem>>)
      %dma_wait3A = arith.constant 0 : i32
      %dma_wait3A_123 = tpu.memref_slice %arg3[%run_scoped3A, %arg0, %mul3A_64, %dma_wait3A] : memref<2x2x6144x128xf32, #tpu.memory_space<hbm>> -> memref<1x1x384x128xf32, #tpu.memory_space<hbm>>
      %dma_wait3A_124 = tpu.memref_squeeze %dma_wait3A_123 : memref<1x1x384x128xf32, #tpu.memory_space<hbm>> -> memref<384x128xf32, #tpu.memory_space<hbm>>
      %dma_wait3A_125 = arith.constant 0 : i32
      %dma_wait3A_126 = tpu.memref_slice %arg7[%mul3A_62, %dma_wait3A_125] : memref<6144x128xf32, #tpu.memory_space<vmem_shared>> -> memref<384x128xf32, #tpu.memory_space<vmem_shared>>
      tpu.wait_dma2 semaphore(%run_scoped3A_118 : memref<!tpu.dma_semaphore, #tpu.memory_space<semaphore_mem>>) src(%dma_wait3A_126 : memref<384x128xf32, #tpu.memory_space<vmem_shared>>) dst(%dma_wait3A_124 : memref<384x128xf32, #tpu.memory_space<hbm>>)
      tpu.yield
    }) : () -> ()
    %barrier3A_65 = arith.constant 0 : index
    tpu.barrier barrier_id(%barrier3A_65)
    %mul3A_66 = arith.constant 384 : i32
    %mul3A_67 = arith.muli %arg1, %mul3A_66 : i32
    %add3A_68 = arith.constant 0 : i32
    %add3A_69 = arith.addi %mul3A_67, %add3A_68 : i32
    "tpu.region"() ({
      %run_scoped3A_118 = tpu.sem_alloc : memref<!tpu.dma_semaphore, #tpu.memory_space<semaphore_mem>>
      %dma_start3A = arith.constant 0 : i32
      %dma_start3A_119 = tpu.memref_slice %arg7[%add3A_69, %dma_start3A] : memref<6144x128xf32, #tpu.memory_space<vmem_shared>> -> memref<64x128xf32, #tpu.memory_space<vmem_shared>>
      %dma_start3A_120 = arith.constant 0 : i32
      %dma_start3A_121 = tpu.memref_slice %arg7[%add3A_69, %dma_start3A_120] : memref<6144x128xf32, #tpu.memory_space<vmem_shared>> -> memref<64x128xf32, #tpu.memory_space<vmem_shared>>
      tpu.enqueue_dma source(%arg6 : memref<64x128xf32, #tpu.memory_space<vmem>>) target(%dma_start3A_121 : memref<64x128xf32, #tpu.memory_space<vmem_shared>>) target_semaphore(%run_scoped3A_118 : memref<!tpu.dma_semaphore, #tpu.memory_space<semaphore_mem>>)
      %dma_wait3A = arith.constant 0 : i32
      %dma_wait3A_122 = tpu.memref_slice %arg7[%add3A_69, %dma_wait3A] : memref<6144x128xf32, #tpu.memory_space<vmem_shared>> -> memref<64x128xf32, #tpu.memory_space<vmem_shared>>
      %dma_wait3A_123 = arith.constant 0 : i32
      %dma_wait3A_124 = tpu.memref_slice %arg7[%add3A_69, %dma_wait3A_123] : memref<6144x128xf32, #tpu.memory_space<vmem_shared>> -> memref<64x128xf32, #tpu.memory_space<vmem_shared>>
      tpu.wait_dma2 semaphore(%run_scoped3A_118 : memref<!tpu.dma_semaphore, #tpu.memory_space<semaphore_mem>>) src(%arg6 : memref<64x128xf32, #tpu.memory_space<vmem>>) dst(%dma_wait3A_124 : memref<64x128xf32, #tpu.memory_space<vmem_shared>>)
      tpu.yield
    }) : () -> ()
    %mul3A_70 = arith.constant 384 : i32
    %mul3A_71 = arith.muli %arg1, %mul3A_70 : i32
    %add3A_72 = arith.constant 64 : i32
    %add3A_73 = arith.addi %mul3A_71, %add3A_72 : i32
    "tpu.region"() ({
      %run_scoped3A_118 = tpu.sem_alloc : memref<!tpu.dma_semaphore, #tpu.memory_space<semaphore_mem>>
      %dma_start3A = arith.constant 0 : i32
      %dma_start3A_119 = tpu.memref_slice %arg7[%add3A_73, %dma_start3A] : memref<6144x128xf32, #tpu.memory_space<vmem_shared>> -> memref<64x128xf32, #tpu.memory_space<vmem_shared>>
      %dma_start3A_120 = arith.constant 0 : i32
      %dma_start3A_121 = tpu.memref_slice %arg7[%add3A_73, %dma_start3A_120] : memref<6144x128xf32, #tpu.memory_space<vmem_shared>> -> memref<64x128xf32, #tpu.memory_space<vmem_shared>>
      tpu.enqueue_dma source(%arg6 : memref<64x128xf32, #tpu.memory_space<vmem>>) target(%dma_start3A_121 : memref<64x128xf32, #tpu.memory_space<vmem_shared>>) target_semaphore(%run_scoped3A_118 : memref<!tpu.dma_semaphore, #tpu.memory_space<semaphore_mem>>)
      %dma_wait3A = arith.constant 0 : i32
      %dma_wait3A_122 = tpu.memref_slice %arg7[%add3A_73, %dma_wait3A] : memref<6144x128xf32, #tpu.memory_space<vmem_shared>> -> memref<64x128xf32, #tpu.memory_space<vmem_shared>>
      %dma_wait3A_123 = arith.constant 0 : i32
      %dma_wait3A_124 = tpu.memref_slice %arg7[%add3A_73, %dma_wait3A_123] : memref<6144x128xf32, #tpu.memory_space<vmem_shared>> -> memref<64x128xf32, #tpu.memory_space<vmem_shared>>
      tpu.wait_dma2 semaphore(%run_scoped3A_118 : memref<!tpu.dma_semaphore, #tpu.memory_space<semaphore_mem>>) src(%arg6 : memref<64x128xf32, #tpu.memory_space<vmem>>) dst(%dma_wait3A_124 : memref<64x128xf32, #tpu.memory_space<vmem_shared>>)
      tpu.yield
    }) : () -> ()
    %mul3A_74 = arith.constant 384 : i32
    %mul3A_75 = arith.muli %arg1, %mul3A_74 : i32
    %add3A_76 = arith.constant 128 : i32
    %add3A_77 = arith.addi %mul3A_75, %add3A_76 : i32
    "tpu.region"() ({
      %run_scoped3A_118 = tpu.sem_alloc : memref<!tpu.dma_semaphore, #tpu.memory_space<semaphore_mem>>
      %dma_start3A = arith.constant 0 : i32
      %dma_start3A_119 = tpu.memref_slice %arg7[%add3A_77, %dma_start3A] : memref<6144x128xf32, #tpu.memory_space<vmem_shared>> -> memref<64x128xf32, #tpu.memory_space<vmem_shared>>
      %dma_start3A_120 = arith.constant 0 : i32
      %dma_start3A_121 = tpu.memref_slice %arg7[%add3A_77, %dma_start3A_120] : memref<6144x128xf32, #tpu.memory_space<vmem_shared>> -> memref<64x128xf32, #tpu.memory_space<vmem_shared>>
      tpu.enqueue_dma source(%arg6 : memref<64x128xf32, #tpu.memory_space<vmem>>) target(%dma_start3A_121 : memref<64x128xf32, #tpu.memory_space<vmem_shared>>) target_semaphore(%run_scoped3A_118 : memref<!tpu.dma_semaphore, #tpu.memory_space<semaphore_mem>>)
      %dma_wait3A = arith.constant 0 : i32
      %dma_wait3A_122 = tpu.memref_slice %arg7[%add3A_77, %dma_wait3A] : memref<6144x128xf32, #tpu.memory_space<vmem_shared>> -> memref<64x128xf32, #tpu.memory_space<vmem_shared>>
      %dma_wait3A_123 = arith.constant 0 : i32
      %dma_wait3A_124 = tpu.memref_slice %arg7[%add3A_77, %dma_wait3A_123] : memref<6144x128xf32, #tpu.memory_space<vmem_shared>> -> memref<64x128xf32, #tpu.memory_space<vmem_shared>>
      tpu.wait_dma2 semaphore(%run_scoped3A_118 : memref<!tpu.dma_semaphore, #tpu.memory_space<semaphore_mem>>) src(%arg6 : memref<64x128xf32, #tpu.memory_space<vmem>>) dst(%dma_wait3A_124 : memref<64x128xf32, #tpu.memory_space<vmem_shared>>)
      tpu.yield
    }) : () -> ()
    %mul3A_78 = arith.constant 384 : i32
    %mul3A_79 = arith.muli %arg1, %mul3A_78 : i32
    %add3A_80 = arith.constant 192 : i32
    %add3A_81 = arith.addi %mul3A_79, %add3A_80 : i32
    "tpu.region"() ({
      %run_scoped3A_118 = tpu.sem_alloc : memref<!tpu.dma_semaphore, #tpu.memory_space<semaphore_mem>>
      %dma_start3A = arith.constant 0 : i32
      %dma_start3A_119 = tpu.memref_slice %arg7[%add3A_81, %dma_start3A] : memref<6144x128xf32, #tpu.memory_space<vmem_shared>> -> memref<64x128xf32, #tpu.memory_space<vmem_shared>>
      %dma_start3A_120 = arith.constant 0 : i32
      %dma_start3A_121 = tpu.memref_slice %arg7[%add3A_81, %dma_start3A_120] : memref<6144x128xf32, #tpu.memory_space<vmem_shared>> -> memref<64x128xf32, #tpu.memory_space<vmem_shared>>
      tpu.enqueue_dma source(%arg6 : memref<64x128xf32, #tpu.memory_space<vmem>>) target(%dma_start3A_121 : memref<64x128xf32, #tpu.memory_space<vmem_shared>>) target_semaphore(%run_scoped3A_118 : memref<!tpu.dma_semaphore, #tpu.memory_space<semaphore_mem>>)
      %dma_wait3A = arith.constant 0 : i32
      %dma_wait3A_122 = tpu.memref_slice %arg7[%add3A_81, %dma_wait3A] : memref<6144x128xf32, #tpu.memory_space<vmem_shared>> -> memref<64x128xf32, #tpu.memory_space<vmem_shared>>
      %dma_wait3A_123 = arith.constant 0 : i32
      %dma_wait3A_124 = tpu.memref_slice %arg7[%add3A_81, %dma_wait3A_123] : memref<6144x128xf32, #tpu.memory_space<vmem_shared>> -> memref<64x128xf32, #tpu.memory_space<vmem_shared>>
      tpu.wait_dma2 semaphore(%run_scoped3A_118 : memref<!tpu.dma_semaphore, #tpu.memory_space<semaphore_mem>>) src(%arg6 : memref<64x128xf32, #tpu.memory_space<vmem>>) dst(%dma_wait3A_124 : memref<64x128xf32, #tpu.memory_space<vmem_shared>>)
      tpu.yield
    }) : () -> ()
    %mul3A_82 = arith.constant 384 : i32
    %mul3A_83 = arith.muli %arg1, %mul3A_82 : i32
    %add3A_84 = arith.constant 256 : i32
    %add3A_85 = arith.addi %mul3A_83, %add3A_84 : i32
    "tpu.region"() ({
      %run_scoped3A_118 = tpu.sem_alloc : memref<!tpu.dma_semaphore, #tpu.memory_space<semaphore_mem>>
      %dma_start3A = arith.constant 0 : i32
      %dma_start3A_119 = tpu.memref_slice %arg7[%add3A_85, %dma_start3A] : memref<6144x128xf32, #tpu.memory_space<vmem_shared>> -> memref<64x128xf32, #tpu.memory_space<vmem_shared>>
      %dma_start3A_120 = arith.constant 0 : i32
      %dma_start3A_121 = tpu.memref_slice %arg7[%add3A_85, %dma_start3A_120] : memref<6144x128xf32, #tpu.memory_space<vmem_shared>> -> memref<64x128xf32, #tpu.memory_space<vmem_shared>>
      tpu.enqueue_dma source(%arg6 : memref<64x128xf32, #tpu.memory_space<vmem>>) target(%dma_start3A_121 : memref<64x128xf32, #tpu.memory_space<vmem_shared>>) target_semaphore(%run_scoped3A_118 : memref<!tpu.dma_semaphore, #tpu.memory_space<semaphore_mem>>)
      %dma_wait3A = arith.constant 0 : i32
      %dma_wait3A_122 = tpu.memref_slice %arg7[%add3A_85, %dma_wait3A] : memref<6144x128xf32, #tpu.memory_space<vmem_shared>> -> memref<64x128xf32, #tpu.memory_space<vmem_shared>>
      %dma_wait3A_123 = arith.constant 0 : i32
      %dma_wait3A_124 = tpu.memref_slice %arg7[%add3A_85, %dma_wait3A_123] : memref<6144x128xf32, #tpu.memory_space<vmem_shared>> -> memref<64x128xf32, #tpu.memory_space<vmem_shared>>
      tpu.wait_dma2 semaphore(%run_scoped3A_118 : memref<!tpu.dma_semaphore, #tpu.memory_space<semaphore_mem>>) src(%arg6 : memref<64x128xf32, #tpu.memory_space<vmem>>) dst(%dma_wait3A_124 : memref<64x128xf32, #tpu.memory_space<vmem_shared>>)
      tpu.yield
    }) : () -> ()
    %mul3A_86 = arith.constant 384 : i32
    %mul3A_87 = arith.muli %arg1, %mul3A_86 : i32
    %add3A_88 = arith.constant 320 : i32
    %add3A_89 = arith.addi %mul3A_87, %add3A_88 : i32
    "tpu.region"() ({
      %run_scoped3A_118 = tpu.sem_alloc : memref<!tpu.dma_semaphore, #tpu.memory_space<semaphore_mem>>
      %dma_start3A = arith.constant 0 : i32
      %dma_start3A_119 = tpu.memref_slice %arg7[%add3A_89, %dma_start3A] : memref<6144x128xf32, #tpu.memory_space<vmem_shared>> -> memref<64x128xf32, #tpu.memory_space<vmem_shared>>
      %dma_start3A_120 = arith.constant 0 : i32
      %dma_start3A_121 = tpu.memref_slice %arg7[%add3A_89, %dma_start3A_120] : memref<6144x128xf32, #tpu.memory_space<vmem_shared>> -> memref<64x128xf32, #tpu.memory_space<vmem_shared>>
      tpu.enqueue_dma source(%arg6 : memref<64x128xf32, #tpu.memory_space<vmem>>) target(%dma_start3A_121 : memref<64x128xf32, #tpu.memory_space<vmem_shared>>) target_semaphore(%run_scoped3A_118 : memref<!tpu.dma_semaphore, #tpu.memory_space<semaphore_mem>>)
      %dma_wait3A = arith.constant 0 : i32
      %dma_wait3A_122 = tpu.memref_slice %arg7[%add3A_89, %dma_wait3A] : memref<6144x128xf32, #tpu.memory_space<vmem_shared>> -> memref<64x128xf32, #tpu.memory_space<vmem_shared>>
      %dma_wait3A_123 = arith.constant 0 : i32
      %dma_wait3A_124 = tpu.memref_slice %arg7[%add3A_89, %dma_wait3A_123] : memref<6144x128xf32, #tpu.memory_space<vmem_shared>> -> memref<64x128xf32, #tpu.memory_space<vmem_shared>>
      tpu.wait_dma2 semaphore(%run_scoped3A_118 : memref<!tpu.dma_semaphore, #tpu.memory_space<semaphore_mem>>) src(%arg6 : memref<64x128xf32, #tpu.memory_space<vmem>>) dst(%dma_wait3A_124 : memref<64x128xf32, #tpu.memory_space<vmem_shared>>)
      tpu.yield
    }) : () -> ()
    %mul3A_90 = arith.constant 160 : i32
    %mul3A_91 = arith.muli %arg1, %mul3A_90 : i32
    %mul3A_92 = arith.constant 128 : i32
    %mul3A_93 = arith.muli %mul3A_91, %mul3A_92 : i32
    %add3A_94 = arith.constant 327680 : i32
    %add3A_95 = arith.addi %add3A_94, %mul3A_93 : i32
    "tpu.region"() ({
      %run_scoped3A_118 = tpu.sem_alloc : memref<!tpu.dma_semaphore, #tpu.memory_space<semaphore_mem>>
      %dma_start3A = tpu.memref_slice %arg2[%add3A_95] : memref<655360xi32, #tpu.memory_space<hbm>> -> memref<20480xi32, #tpu.memory_space<hbm>>
      %dma_start3A_119 = tpu.memref_slice %arg2[%add3A_95] : memref<655360xi32, #tpu.memory_space<hbm>> -> memref<20480xi32, #tpu.memory_space<hbm>>
      tpu.enqueue_dma source(%dma_start3A_119 : memref<20480xi32, #tpu.memory_space<hbm>>) target(%arg4 : memref<20480xi32, #tpu.memory_space<vmem>>) target_semaphore(%run_scoped3A_118 : memref<!tpu.dma_semaphore, #tpu.memory_space<semaphore_mem>>)
      %dma_wait3A = tpu.memref_slice %arg2[%add3A_95] : memref<655360xi32, #tpu.memory_space<hbm>> -> memref<20480xi32, #tpu.memory_space<hbm>>
      %dma_wait3A_120 = tpu.memref_slice %arg2[%add3A_95] : memref<655360xi32, #tpu.memory_space<hbm>> -> memref<20480xi32, #tpu.memory_space<hbm>>
      tpu.wait_dma2 semaphore(%run_scoped3A_118 : memref<!tpu.dma_semaphore, #tpu.memory_space<semaphore_mem>>) src(%dma_wait3A_120 : memref<20480xi32, #tpu.memory_space<hbm>>) dst(%arg4 : memref<20480xi32, #tpu.memory_space<vmem>>)
      tpu.yield
    }) : () -> ()
    %scan3A_96 = arith.constant 0 : i32
    %scan3A_97 = arith.constant 0 : i32
    %scan3A_98 = arith.constant 1280 : i32
    %scan3A_99 = arith.addi %scan3A_97, %scan3A_98 : i32
    %scan3A_100 = arith.constant 1 : i32
    %scan3A_101 = scf.for %scan3A_118 = %scan3A_97 to %scan3A_99 step %scan3A_100 iter_args(%scan3A_119 = %scan3A_96) -> (i32)  : i32 {
      %mul3A_120 = arith.constant 16 : i32
      %mul3A_121 = arith.muli %scan3A_118, %mul3A_120 : i32
      %get3A = arith.index_cast %mul3A_121 : i32 to index
      %get3A_122 = tpu.vector_load %arg4[%get3A] {strides = array<i32>} : memref<20480xi32, #tpu.memory_space<vmem>>, vector<16xi32>,
      %get3A_123 = vector.shape_cast %get3A_122 : vector<16xi32> to vector<16xi32>
      %sub3A = vector.broadcast %mul3A_16 : i32 to vector<16xi32>
      %sub3A_124 = arith.subi %get3A_123, %sub3A : vector<16xi32>
      %ge3A = arith.constant 0 : i32
      %ge3A_125 = vector.broadcast %ge3A : i32 to vector<16xi32>
      %ge3A_126 = arith.cmpi sge, %sub3A_124, %ge3A_125 : vector<16xi32>
      %lt3A = arith.constant 5120 : i32
      %lt3A_127 = vector.broadcast %lt3A : i32 to vector<16xi32>
      %lt3A_128 = arith.cmpi slt, %sub3A_124, %lt3A_127 : vector<16xi32>
      %and3A = arith.andi %ge3A_126, %lt3A_128 : vector<16xi1>
      %jit3A = arith.constant 5120 : i32
      %broadcast_in_dim3A_129 = vector.broadcast %jit3A : i32 to vector<16xi32>
      %select_n3A = arith.select %and3A, %sub3A_124, %broadcast_in_dim3A_129 : vector<16xi1>, vector<16xi32>
      %mul3A_130 = arith.constant 16 : i32
      %mul3A_131 = arith.muli %scan3A_118, %mul3A_130 : i32
      %swap3A = arith.index_cast %mul3A_131 : i32 to index
      %swap3A_132 = tpu.vector_load %arg4[%swap3A] {strides = array<i32>} : memref<20480xi32, #tpu.memory_space<vmem>>, vector<16xi32>,
      %swap3A_133 = vector.shape_cast %swap3A_132 : vector<16xi32> to vector<16xi32>
      %swap3A_134 = vector.shape_cast %select_n3A : vector<16xi32> to vector<16xi32>
      tpu.vector_store %arg4[%swap3A], %swap3A_134 {strides = array<i32>} : memref<20480xi32, #tpu.memory_space<vmem>>, vector<16xi32>,
      %scan3A_135 = arith.constant 0 : i32
      scf.yield %scan3A_135 : i32
    }
    %scan3A_102 = arith.constant 1280 : i32
    %barrier3A_103 = arith.constant 0 : index
    tpu.barrier barrier_id(%barrier3A_103)
    %scan3A_104 = arith.constant 0 : i32
    %scan3A_105 = arith.constant 0 : i32
    %scan3A_106 = arith.constant 20 : i32
    %scan3A_107 = arith.addi %scan3A_105, %scan3A_106 : i32
    %scan3A_108 = arith.constant 1 : i32
    %scan3A_109 = scf.for %scan3A_118 = %scan3A_105 to %scan3A_107 step %scan3A_108 iter_args(%scan3A_119 = %scan3A_104) -> (i32)  : i32 {
      %mul3A_120 = arith.constant 8 : i32
      %mul3A_121 = arith.muli %scan3A_118, %mul3A_120 : i32
      %add3A_122 = arith.constant 0 : i32
      %add3A_123 = arith.addi %mul3A_121, %add3A_122 : i32
      %mul3A_124 = arith.constant 128 : i32
      %mul3A_125 = arith.muli %add3A_123, %mul3A_124 : i32
      %dma_start3A = tpu.memref_slice %arg4[%mul3A_125] : memref<20480xi32, #tpu.memory_space<vmem>> -> memref<128xi32, #tpu.memory_space<vmem>>
      %dma_start3A_126 = arith.constant 0 : i32
      %dma_start3A_127 = arith.constant 0 : i32
      %dma_start3A_128 = tpu.memref_slice %arg7[%dma_start3A_126, %dma_start3A_127] : memref<6144x128xf32, #tpu.memory_space<vmem_shared>> -> memref<6144x128xf32, #tpu.memory_space<vmem_shared>>
      tpu.enqueue_indirect_dma source(%arg5 : memref<128x128xf32, #tpu.memory_space<vmem>>) target(%dma_start3A_128 : memref<6144x128xf32, #tpu.memory_space<vmem_shared>>) offsets(%dma_start3A : memref<128xi32, #tpu.memory_space<vmem>>) semaphore(%arg8 : memref<!tpu.dma_semaphore, #tpu.memory_space<semaphore_mem>>) {add = true}
      %mul3A_129 = arith.constant 8 : i32
      %mul3A_130 = arith.muli %scan3A_118, %mul3A_129 : i32
      %add3A_131 = arith.constant 1 : i32
      %add3A_132 = arith.addi %mul3A_130, %add3A_131 : i32
      %mul3A_133 = arith.constant 128 : i32
      %mul3A_134 = arith.muli %add3A_132, %mul3A_133 : i32
      %dma_start3A_135 = tpu.memref_slice %arg4[%mul3A_134] : memref<20480xi32, #tpu.memory_space<vmem>> -> memref<128xi32, #tpu.memory_space<vmem>>
      %dma_start3A_136 = arith.constant 0 : i32
      %dma_start3A_137 = arith.constant 0 : i32
      %dma_start3A_138 = tpu.memref_slice %arg7[%dma_start3A_136, %dma_start3A_137] : memref<6144x128xf32, #tpu.memory_space<vmem_shared>> -> memref<6144x128xf32, #tpu.memory_space<vmem_shared>>
      tpu.enqueue_indirect_dma source(%arg5 : memref<128x128xf32, #tpu.memory_space<vmem>>) target(%dma_start3A_138 : memref<6144x128xf32, #tpu.memory_space<vmem_shared>>) offsets(%dma_start3A_135 : memref<128xi32, #tpu.memory_space<vmem>>) semaphore(%arg8 : memref<!tpu.dma_semaphore, #tpu.memory_space<semaphore_mem>>) {add = true}
      %mul3A_139 = arith.constant 8 : i32
      %mul3A_140 = arith.muli %scan3A_118, %mul3A_139 : i32
      %add3A_141 = arith.constant 2 : i32
      %add3A_142 = arith.addi %mul3A_140, %add3A_141 : i32
      %mul3A_143 = arith.constant 128 : i32
      %mul3A_144 = arith.muli %add3A_142, %mul3A_143 : i32
      %dma_start3A_145 = tpu.memref_slice %arg4[%mul3A_144] : memref<20480xi32, #tpu.memory_space<vmem>> -> memref<128xi32, #tpu.memory_space<vmem>>
      %dma_start3A_146 = arith.constant 0 : i32
      %dma_start3A_147 = arith.constant 0 : i32
      %dma_start3A_148 = tpu.memref_slice %arg7[%dma_start3A_146, %dma_start3A_147] : memref<6144x128xf32, #tpu.memory_space<vmem_shared>> -> memref<6144x128xf32, #tpu.memory_space<vmem_shared>>
      tpu.enqueue_indirect_dma source(%arg5 : memref<128x128xf32, #tpu.memory_space<vmem>>) target(%dma_start3A_148 : memref<6144x128xf32, #tpu.memory_space<vmem_shared>>) offsets(%dma_start3A_145 : memref<128xi32, #tpu.memory_space<vmem>>) semaphore(%arg8 : memref<!tpu.dma_semaphore, #tpu.memory_space<semaphore_mem>>) {add = true}
      %mul3A_149 = arith.constant 8 : i32
      %mul3A_150 = arith.muli %scan3A_118, %mul3A_149 : i32
      %add3A_151 = arith.constant 3 : i32
      %add3A_152 = arith.addi %mul3A_150, %add3A_151 : i32
      %mul3A_153 = arith.constant 128 : i32
      %mul3A_154 = arith.muli %add3A_152, %mul3A_153 : i32
      %dma_start3A_155 = tpu.memref_slice %arg4[%mul3A_154] : memref<20480xi32, #tpu.memory_space<vmem>> -> memref<128xi32, #tpu.memory_space<vmem>>
      %dma_start3A_156 = arith.constant 0 : i32
      %dma_start3A_157 = arith.constant 0 : i32
      %dma_start3A_158 = tpu.memref_slice %arg7[%dma_start3A_156, %dma_start3A_157] : memref<6144x128xf32, #tpu.memory_space<vmem_shared>> -> memref<6144x128xf32, #tpu.memory_space<vmem_shared>>
      tpu.enqueue_indirect_dma source(%arg5 : memref<128x128xf32, #tpu.memory_space<vmem>>) target(%dma_start3A_158 : memref<6144x128xf32, #tpu.memory_space<vmem_shared>>) offsets(%dma_start3A_155 : memref<128xi32, #tpu.memory_space<vmem>>) semaphore(%arg8 : memref<!tpu.dma_semaphore, #tpu.memory_space<semaphore_mem>>) {add = true}
      %mul3A_159 = arith.constant 8 : i32
      %mul3A_160 = arith.muli %scan3A_118, %mul3A_159 : i32
      %add3A_161 = arith.constant 4 : i32
      %add3A_162 = arith.addi %mul3A_160, %add3A_161 : i32
      %mul3A_163 = arith.constant 128 : i32
      %mul3A_164 = arith.muli %add3A_162, %mul3A_163 : i32
      %dma_start3A_165 = tpu.memref_slice %arg4[%mul3A_164] : memref<20480xi32, #tpu.memory_space<vmem>> -> memref<128xi32, #tpu.memory_space<vmem>>
      %dma_start3A_166 = arith.constant 0 : i32
      %dma_start3A_167 = arith.constant 0 : i32
      %dma_start3A_168 = tpu.memref_slice %arg7[%dma_start3A_166, %dma_start3A_167] : memref<6144x128xf32, #tpu.memory_space<vmem_shared>> -> memref<6144x128xf32, #tpu.memory_space<vmem_shared>>
      tpu.enqueue_indirect_dma source(%arg5 : memref<128x128xf32, #tpu.memory_space<vmem>>) target(%dma_start3A_168 : memref<6144x128xf32, #tpu.memory_space<vmem_shared>>) offsets(%dma_start3A_165 : memref<128xi32, #tpu.memory_space<vmem>>) semaphore(%arg8 : memref<!tpu.dma_semaphore, #tpu.memory_space<semaphore_mem>>) {add = true}
      %mul3A_169 = arith.constant 8 : i32
      %mul3A_170 = arith.muli %scan3A_118, %mul3A_169 : i32
      %add3A_171 = arith.constant 5 : i32
      %add3A_172 = arith.addi %mul3A_170, %add3A_171 : i32
      %mul3A_173 = arith.constant 128 : i32
      %mul3A_174 = arith.muli %add3A_172, %mul3A_173 : i32
      %dma_start3A_175 = tpu.memref_slice %arg4[%mul3A_174] : memref<20480xi32, #tpu.memory_space<vmem>> -> memref<128xi32, #tpu.memory_space<vmem>>
      %dma_start3A_176 = arith.constant 0 : i32
      %dma_start3A_177 = arith.constant 0 : i32
      %dma_start3A_178 = tpu.memref_slice %arg7[%dma_start3A_176, %dma_start3A_177] : memref<6144x128xf32, #tpu.memory_space<vmem_shared>> -> memref<6144x128xf32, #tpu.memory_space<vmem_shared>>
      tpu.enqueue_indirect_dma source(%arg5 : memref<128x128xf32, #tpu.memory_space<vmem>>) target(%dma_start3A_178 : memref<6144x128xf32, #tpu.memory_space<vmem_shared>>) offsets(%dma_start3A_175 : memref<128xi32, #tpu.memory_space<vmem>>) semaphore(%arg8 : memref<!tpu.dma_semaphore, #tpu.memory_space<semaphore_mem>>) {add = true}
      %mul3A_179 = arith.constant 8 : i32
      %mul3A_180 = arith.muli %scan3A_118, %mul3A_179 : i32
      %add3A_181 = arith.constant 6 : i32
      %add3A_182 = arith.addi %mul3A_180, %add3A_181 : i32
      %mul3A_183 = arith.constant 128 : i32
      %mul3A_184 = arith.muli %add3A_182, %mul3A_183 : i32
      %dma_start3A_185 = tpu.memref_slice %arg4[%mul3A_184] : memref<20480xi32, #tpu.memory_space<vmem>> -> memref<128xi32, #tpu.memory_space<vmem>>
      %dma_start3A_186 = arith.constant 0 : i32
      %dma_start3A_187 = arith.constant 0 : i32
      %dma_start3A_188 = tpu.memref_slice %arg7[%dma_start3A_186, %dma_start3A_187] : memref<6144x128xf32, #tpu.memory_space<vmem_shared>> -> memref<6144x128xf32, #tpu.memory_space<vmem_shared>>
      tpu.enqueue_indirect_dma source(%arg5 : memref<128x128xf32, #tpu.memory_space<vmem>>) target(%dma_start3A_188 : memref<6144x128xf32, #tpu.memory_space<vmem_shared>>) offsets(%dma_start3A_185 : memref<128xi32, #tpu.memory_space<vmem>>) semaphore(%arg8 : memref<!tpu.dma_semaphore, #tpu.memory_space<semaphore_mem>>) {add = true}
      %mul3A_189 = arith.constant 8 : i32
      %mul3A_190 = arith.muli %scan3A_118, %mul3A_189 : i32
      %add3A_191 = arith.constant 7 : i32
      %add3A_192 = arith.addi %mul3A_190, %add3A_191 : i32
      %mul3A_193 = arith.constant 128 : i32
      %mul3A_194 = arith.muli %add3A_192, %mul3A_193 : i32
      %dma_start3A_195 = tpu.memref_slice %arg4[%mul3A_194] : memref<20480xi32, #tpu.memory_space<vmem>> -> memref<128xi32, #tpu.memory_space<vmem>>
      %dma_start3A_196 = arith.constant 0 : i32
      %dma_start3A_197 = arith.constant 0 : i32
      %dma_start3A_198 = tpu.memref_slice %arg7[%dma_start3A_196, %dma_start3A_197] : memref<6144x128xf32, #tpu.memory_space<vmem_shared>> -> memref<6144x128xf32, #tpu.memory_space<vmem_shared>>
      tpu.enqueue_indirect_dma source(%arg5 : memref<128x128xf32, #tpu.memory_space<vmem>>) target(%dma_start3A_198 : memref<6144x128xf32, #tpu.memory_space<vmem_shared>>) offsets(%dma_start3A_195 : memref<128xi32, #tpu.memory_space<vmem>>) semaphore(%arg8 : memref<!tpu.dma_semaphore, #tpu.memory_space<semaphore_mem>>) {add = true}
      %dma_wait3A = tpu.memref_slice %arg4[%mul3A_125] : memref<20480xi32, #tpu.memory_space<vmem>> -> memref<128xi32, #tpu.memory_space<vmem>>
      %dma_wait3A_199 = arith.constant 0 : i32
      %dma_wait3A_200 = arith.constant 0 : i32
      %dma_wait3A_201 = tpu.memref_slice %arg7[%dma_wait3A_199, %dma_wait3A_200] : memref<6144x128xf32, #tpu.memory_space<vmem_shared>> -> memref<6144x128xf32, #tpu.memory_space<vmem_shared>>
      tpu.wait_indirect_dma semaphore(%arg8 : memref<!tpu.dma_semaphore, #tpu.memory_space<semaphore_mem>>) src(%arg5 : memref<128x128xf32, #tpu.memory_space<vmem>>) dst(%dma_wait3A_201 : memref<6144x128xf32, #tpu.memory_space<vmem_shared>>)
      %dma_wait3A_202 = tpu.memref_slice %arg4[%mul3A_134] : memref<20480xi32, #tpu.memory_space<vmem>> -> memref<128xi32, #tpu.memory_space<vmem>>
      %dma_wait3A_203 = arith.constant 0 : i32
      %dma_wait3A_204 = arith.constant 0 : i32
      %dma_wait3A_205 = tpu.memref_slice %arg7[%dma_wait3A_203, %dma_wait3A_204] : memref<6144x128xf32, #tpu.memory_space<vmem_shared>> -> memref<6144x128xf32, #tpu.memory_space<vmem_shared>>
      tpu.wait_indirect_dma semaphore(%arg8 : memref<!tpu.dma_semaphore, #tpu.memory_space<semaphore_mem>>) src(%arg5 : memref<128x128xf32, #tpu.memory_space<vmem>>) dst(%dma_wait3A_205 : memref<6144x128xf32, #tpu.memory_space<vmem_shared>>)
      %dma_wait3A_206 = tpu.memref_slice %arg4[%mul3A_144] : memref<20480xi32, #tpu.memory_space<vmem>> -> memref<128xi32, #tpu.memory_space<vmem>>
      %dma_wait3A_207 = arith.constant 0 : i32
      %dma_wait3A_208 = arith.constant 0 : i32
      %dma_wait3A_209 = tpu.memref_slice %arg7[%dma_wait3A_207, %dma_wait3A_208] : memref<6144x128xf32, #tpu.memory_space<vmem_shared>> -> memref<6144x128xf32, #tpu.memory_space<vmem_shared>>
      tpu.wait_indirect_dma semaphore(%arg8 : memref<!tpu.dma_semaphore, #tpu.memory_space<semaphore_mem>>) src(%arg5 : memref<128x128xf32, #tpu.memory_space<vmem>>) dst(%dma_wait3A_209 : memref<6144x128xf32, #tpu.memory_space<vmem_shared>>)
      %dma_wait3A_210 = tpu.memref_slice %arg4[%mul3A_154] : memref<20480xi32, #tpu.memory_space<vmem>> -> memref<128xi32, #tpu.memory_space<vmem>>
      %dma_wait3A_211 = arith.constant 0 : i32
      %dma_wait3A_212 = arith.constant 0 : i32
      %dma_wait3A_213 = tpu.memref_slice %arg7[%dma_wait3A_211, %dma_wait3A_212] : memref<6144x128xf32, #tpu.memory_space<vmem_shared>> -> memref<6144x128xf32, #tpu.memory_space<vmem_shared>>
      tpu.wait_indirect_dma semaphore(%arg8 : memref<!tpu.dma_semaphore, #tpu.memory_space<semaphore_mem>>) src(%arg5 : memref<128x128xf32, #tpu.memory_space<vmem>>) dst(%dma_wait3A_213 : memref<6144x128xf32, #tpu.memory_space<vmem_shared>>)
      %dma_wait3A_214 = tpu.memref_slice %arg4[%mul3A_164] : memref<20480xi32, #tpu.memory_space<vmem>> -> memref<128xi32, #tpu.memory_space<vmem>>
      %dma_wait3A_215 = arith.constant 0 : i32
      %dma_wait3A_216 = arith.constant 0 : i32
      %dma_wait3A_217 = tpu.memref_slice %arg7[%dma_wait3A_215, %dma_wait3A_216] : memref<6144x128xf32, #tpu.memory_space<vmem_shared>> -> memref<6144x128xf32, #tpu.memory_space<vmem_shared>>
      tpu.wait_indirect_dma semaphore(%arg8 : memref<!tpu.dma_semaphore, #tpu.memory_space<semaphore_mem>>) src(%arg5 : memref<128x128xf32, #tpu.memory_space<vmem>>) dst(%dma_wait3A_217 : memref<6144x128xf32, #tpu.memory_space<vmem_shared>>)
      %dma_wait3A_218 = tpu.memref_slice %arg4[%mul3A_174] : memref<20480xi32, #tpu.memory_space<vmem>> -> memref<128xi32, #tpu.memory_space<vmem>>
      %dma_wait3A_219 = arith.constant 0 : i32
      %dma_wait3A_220 = arith.constant 0 : i32
      %dma_wait3A_221 = tpu.memref_slice %arg7[%dma_wait3A_219, %dma_wait3A_220] : memref<6144x128xf32, #tpu.memory_space<vmem_shared>> -> memref<6144x128xf32, #tpu.memory_space<vmem_shared>>
      tpu.wait_indirect_dma semaphore(%arg8 : memref<!tpu.dma_semaphore, #tpu.memory_space<semaphore_mem>>) src(%arg5 : memref<128x128xf32, #tpu.memory_space<vmem>>) dst(%dma_wait3A_221 : memref<6144x128xf32, #tpu.memory_space<vmem_shared>>)
      %dma_wait3A_222 = tpu.memref_slice %arg4[%mul3A_184] : memref<20480xi32, #tpu.memory_space<vmem>> -> memref<128xi32, #tpu.memory_space<vmem>>
      %dma_wait3A_223 = arith.constant 0 : i32
      %dma_wait3A_224 = arith.constant 0 : i32
      %dma_wait3A_225 = tpu.memref_slice %arg7[%dma_wait3A_223, %dma_wait3A_224] : memref<6144x128xf32, #tpu.memory_space<vmem_shared>> -> memref<6144x128xf32, #tpu.memory_space<vmem_shared>>
      tpu.wait_indirect_dma semaphore(%arg8 : memref<!tpu.dma_semaphore, #tpu.memory_space<semaphore_mem>>) src(%arg5 : memref<128x128xf32, #tpu.memory_space<vmem>>) dst(%dma_wait3A_225 : memref<6144x128xf32, #tpu.memory_space<vmem_shared>>)
      %dma_wait3A_226 = tpu.memref_slice %arg4[%mul3A_194] : memref<20480xi32, #tpu.memory_space<vmem>> -> memref<128xi32, #tpu.memory_space<vmem>>
      %dma_wait3A_227 = arith.constant 0 : i32
      %dma_wait3A_228 = arith.constant 0 : i32
      %dma_wait3A_229 = tpu.memref_slice %arg7[%dma_wait3A_227, %dma_wait3A_228] : memref<6144x128xf32, #tpu.memory_space<vmem_shared>> -> memref<6144x128xf32, #tpu.memory_space<vmem_shared>>
      tpu.wait_indirect_dma semaphore(%arg8 : memref<!tpu.dma_semaphore, #tpu.memory_space<semaphore_mem>>) src(%arg5 : memref<128x128xf32, #tpu.memory_space<vmem>>) dst(%dma_wait3A_229 : memref<6144x128xf32, #tpu.memory_space<vmem_shared>>)
      %scan3A_230 = arith.constant 0 : i32
      scf.yield %scan3A_230 : i32
    }
    %scan3A_110 = arith.constant 20 : i32
    %barrier3A_111 = arith.constant 0 : index
    tpu.barrier barrier_id(%barrier3A_111)
    %mul3A_112 = arith.constant 384 : i32
    %mul3A_113 = arith.muli %arg1, %mul3A_112 : i32
    %mul3A_114 = arith.constant 384 : i32
    %mul3A_115 = arith.muli %arg1, %mul3A_114 : i32
    %run_scoped3A_116 = arith.constant 1 : i32
    "tpu.region"() ({
      %run_scoped3A_118 = tpu.sem_alloc : memref<!tpu.dma_semaphore, #tpu.memory_space<semaphore_mem>>
      %dma_start3A = arith.constant 0 : i32
      %dma_start3A_119 = tpu.memref_slice %arg3[%run_scoped3A_116, %arg0, %mul3A_115, %dma_start3A] : memref<2x2x6144x128xf32, #tpu.memory_space<hbm>> -> memref<1x1x384x128xf32, #tpu.memory_space<hbm>>
      %dma_start3A_120 = tpu.memref_squeeze %dma_start3A_119 : memref<1x1x384x128xf32, #tpu.memory_space<hbm>> -> memref<384x128xf32, #tpu.memory_space<hbm>>
      %dma_start3A_121 = arith.constant 0 : i32
      %dma_start3A_122 = tpu.memref_slice %arg7[%mul3A_113, %dma_start3A_121] : memref<6144x128xf32, #tpu.memory_space<vmem_shared>> -> memref<384x128xf32, #tpu.memory_space<vmem_shared>>
      tpu.enqueue_dma source(%dma_start3A_122 : memref<384x128xf32, #tpu.memory_space<vmem_shared>>) target(%dma_start3A_120 : memref<384x128xf32, #tpu.memory_space<hbm>>) target_semaphore(%run_scoped3A_118 : memref<!tpu.dma_semaphore, #tpu.memory_space<semaphore_mem>>)
      %dma_wait3A = arith.constant 0 : i32
      %dma_wait3A_123 = tpu.memref_slice %arg3[%run_scoped3A_116, %arg0, %mul3A_115, %dma_wait3A] : memref<2x2x6144x128xf32, #tpu.memory_space<hbm>> -> memref<1x1x384x128xf32, #tpu.memory_space<hbm>>
      %dma_wait3A_124 = tpu.memref_squeeze %dma_wait3A_123 : memref<1x1x384x128xf32, #tpu.memory_space<hbm>> -> memref<384x128xf32, #tpu.memory_space<hbm>>
      %dma_wait3A_125 = arith.constant 0 : i32
      %dma_wait3A_126 = tpu.memref_slice %arg7[%mul3A_113, %dma_wait3A_125] : memref<6144x128xf32, #tpu.memory_space<vmem_shared>> -> memref<384x128xf32, #tpu.memory_space<vmem_shared>>
      tpu.wait_dma2 semaphore(%run_scoped3A_118 : memref<!tpu.dma_semaphore, #tpu.memory_space<semaphore_mem>>) src(%dma_wait3A_126 : memref<384x128xf32, #tpu.memory_space<vmem_shared>>) dst(%dma_wait3A_124 : memref<384x128xf32, #tpu.memory_space<hbm>>)
      tpu.yield
    }) : () -> ()
    %barrier3A_117 = arith.constant 0 : index
    tpu.barrier barrier_id(%barrier3A_117)
    return
  }
}

#map = affine_map<(d0, d1) -> (0, 0)>
#map1 = affine_map<(d0, d1) -> (0)>
#map2 = affine_map<(d0, d1) -> (0, 0, 0)>
module attributes {stable_mosaic.version = 14 : i64} {
  func.func @agg_kernel(%arg0: i32, %arg1: i32, %arg2: memref<10000x128xf32, #tpu.memory_space<hbm>>, %arg3: memref<327680xi32, #tpu.memory_space<hbm>>, %arg4: memref<327680xi32, #tpu.memory_space<hbm>>, %arg5: memref<2x6144x128xf32, #tpu.memory_space<hbm>>, %arg6: memref<20480xi32, #tpu.memory_space<vmem>>, %arg7: memref<20480xi32, #tpu.memory_space<vmem>>, %arg8: memref<64x128xf32, #tpu.memory_space<vmem>>, %arg9: memref<64x128xf32, #tpu.memory_space<vmem>>, %arg10: memref<64x128xf32, #tpu.memory_space<vmem>>, %arg11: memref<64x128xf32, #tpu.memory_space<vmem>>, %arg12: memref<64x128xf32, #tpu.memory_space<vmem>>, %arg13: memref<6144x128xf32, #tpu.memory_space<vmem_shared>>, %arg14: memref<!tpu.dma_semaphore, #tpu.memory_space<semaphore_mem>>, %arg15: memref<!tpu.dma_semaphore, #tpu.memory_space<semaphore_mem>>, %arg16: memref<!tpu.dma_semaphore, #tpu.memory_space<semaphore_mem>>, %arg17: memref<!tpu.dma_semaphore, #tpu.memory_space<semaphore_mem>>, %arg18: memref<!tpu.dma_semaphore, #tpu.memory_space<semaphore_mem>>, %arg19: memref<!tpu.dma_semaphore, #tpu.memory_space<semaphore_mem>>, %arg20: memref<!tpu.dma_semaphore, #tpu.memory_space<semaphore_mem>>, %arg21: memref<!tpu.dma_semaphore, #tpu.memory_space<semaphore_mem>>) attributes {dimension_semantics = [#tpu.dimension_semantics<core_parallel>, #tpu.dimension_semantics<subcore_parallel>], iteration_bounds = array<i64: 2, 16>, scalar_prefetch = 0 : i64, scratch_operands = 16 : i64, tpu.core_type = #tpu.core_type<sc_vector_subcore>, window_params = [{transform_indices = #map}, {transform_indices = #map1}, {transform_indices = #map1}, {transform_indices = #map2}]} {
    %broadcast_in_dim3A = arith.constant 0.000000e+00 : f32
    %broadcast_in_dim3A_0 = vector.broadcast %broadcast_in_dim3A : f32 to vector<16xf32>
    %scan3A = arith.constant 0 : i32
    %scan3A_1 = arith.constant 0 : i32
    %scan3A_2 = arith.constant 512 : i32
    %scan3A_3 = arith.addi %scan3A_1, %scan3A_2 : i32
    %scan3A_4 = arith.constant 1 : i32
    %scan3A_5 = scf.for %scan3A_73 = %scan3A_1 to %scan3A_3 step %scan3A_4 iter_args(%scan3A_74 = %scan3A) -> (i32)  : i32 {
      %jit3A = arith.constant 8 : i32
      %div3A = arith.divsi %scan3A_73, %jit3A : i32
      %sign3A = arith.constant 0 : i32
      %sign3A_75 = arith.cmpi sgt, %scan3A_73, %sign3A : i32
      %sign3A_76 = arith.extui %sign3A_75 : i1 to i32
      %sign3A_77 = arith.constant 0 : i32
      %sign3A_78 = arith.cmpi slt, %scan3A_73, %sign3A_77 : i32
      %sign3A_79 = arith.extui %sign3A_78 : i1 to i32
      %sign3A_80 = arith.subi %sign3A_76, %sign3A_79 : i32
      %sign3A_81 = arith.constant 0 : i32
      %sign3A_82 = arith.cmpi sgt, %jit3A, %sign3A_81 : i32
      %sign3A_83 = arith.extui %sign3A_82 : i1 to i32
      %sign3A_84 = arith.constant 0 : i32
      %sign3A_85 = arith.cmpi slt, %jit3A, %sign3A_84 : i32
      %sign3A_86 = arith.extui %sign3A_85 : i1 to i32
      %sign3A_87 = arith.subi %sign3A_83, %sign3A_86 : i32
      %ne3A = arith.cmpi ne, %sign3A_80, %sign3A_87 : i32
      %rem3A = arith.remsi %scan3A_73, %jit3A : i32
      %ne3A_88 = arith.constant 0 : i32
      %ne3A_89 = arith.cmpi ne, %rem3A, %ne3A_88 : i32
      %and3A = arith.andi %ne3A, %ne3A_89 : i1
      %sub3A = arith.constant 1 : i32
      %sub3A_90 = arith.subi %div3A, %sub3A : i32
      %select_n3A = arith.select %and3A, %sub3A_90, %div3A : i32
      %jit3A_91 = arith.constant 8 : i32
      %eq3A = arith.constant 0 : i32
      %eq3A_92 = arith.cmpi eq, %jit3A_91, %eq3A : i32
      %jit3A_93 = arith.constant 1 : i32
      %select_n3A_94 = arith.select %eq3A_92, %jit3A_93, %jit3A_91 : i32
      %rem3A_95 = arith.remsi %scan3A_73, %select_n3A_94 : i32
      %ne3A_96 = arith.constant 0 : i32
      %ne3A_97 = arith.cmpi ne, %rem3A_95, %ne3A_96 : i32
      %lt3A = arith.constant 0 : i32
      %lt3A_98 = arith.cmpi slt, %rem3A_95, %lt3A : i32
      %lt3A_99 = arith.constant 0 : i32
      %lt3A_100 = arith.cmpi slt, %select_n3A_94, %lt3A_99 : i32
      %ne3A_101 = arith.xori %lt3A_98, %lt3A_100 : i1
      %and3A_102 = arith.andi %ne3A_101, %ne3A_97 : i1
      %add3A_103 = arith.addi %rem3A_95, %select_n3A_94 : i32
      %select_n3A_104 = arith.select %and3A_102, %add3A_103, %rem3A_95 : i32
      %mul3A_105 = arith.constant 16 : i32
      %mul3A_106 = arith.muli %select_n3A_104, %mul3A_105 : i32
      %swap3A = arith.index_cast %select_n3A : i32 to index
      %swap3A_107 = arith.index_cast %mul3A_106 : i32 to index
      %swap3A_108 = tpu.vector_load %arg12[%swap3A, %swap3A_107] {strides = array<i32>} : memref<64x128xf32, #tpu.memory_space<vmem>>, vector<1x16xf32>,
      %swap3A_109 = vector.shape_cast %swap3A_108 : vector<1x16xf32> to vector<16xf32>
      %swap3A_110 = vector.shape_cast %broadcast_in_dim3A_0 : vector<16xf32> to vector<1x16xf32>
      tpu.vector_store %arg12[%swap3A, %swap3A_107], %swap3A_110 {strides = array<i32>} : memref<64x128xf32, #tpu.memory_space<vmem>>, vector<1x16xf32>,
      %scan3A_111 = arith.constant 0 : i32
      scf.yield %scan3A_111 : i32
    }
    %scan3A_6 = arith.constant 512 : i32
    %mul3A = arith.constant 384 : i32
    %mul3A_7 = arith.muli %arg1, %mul3A : i32
    %add3A = arith.constant 0 : i32
    %add3A_8 = arith.addi %mul3A_7, %add3A : i32
    "tpu.region"() ({
      %run_scoped3A = tpu.sem_alloc : memref<!tpu.dma_semaphore, #tpu.memory_space<semaphore_mem>>
      %dma_start3A_73 = arith.constant 0 : i32
      %dma_start3A_74 = tpu.memref_slice %arg13[%add3A_8, %dma_start3A_73] : memref<6144x128xf32, #tpu.memory_space<vmem_shared>> -> memref<64x128xf32, #tpu.memory_space<vmem_shared>>
      %dma_start3A_75 = arith.constant 0 : i32
      %dma_start3A_76 = tpu.memref_slice %arg13[%add3A_8, %dma_start3A_75] : memref<6144x128xf32, #tpu.memory_space<vmem_shared>> -> memref<64x128xf32, #tpu.memory_space<vmem_shared>>
      tpu.enqueue_dma source(%arg12 : memref<64x128xf32, #tpu.memory_space<vmem>>) target(%dma_start3A_76 : memref<64x128xf32, #tpu.memory_space<vmem_shared>>) target_semaphore(%run_scoped3A : memref<!tpu.dma_semaphore, #tpu.memory_space<semaphore_mem>>)
      %dma_wait3A = arith.constant 0 : i32
      %dma_wait3A_77 = tpu.memref_slice %arg13[%add3A_8, %dma_wait3A] : memref<6144x128xf32, #tpu.memory_space<vmem_shared>> -> memref<64x128xf32, #tpu.memory_space<vmem_shared>>
      %dma_wait3A_78 = arith.constant 0 : i32
      %dma_wait3A_79 = tpu.memref_slice %arg13[%add3A_8, %dma_wait3A_78] : memref<6144x128xf32, #tpu.memory_space<vmem_shared>> -> memref<64x128xf32, #tpu.memory_space<vmem_shared>>
      tpu.wait_dma2 semaphore(%run_scoped3A : memref<!tpu.dma_semaphore, #tpu.memory_space<semaphore_mem>>) src(%arg12 : memref<64x128xf32, #tpu.memory_space<vmem>>) dst(%dma_wait3A_79 : memref<64x128xf32, #tpu.memory_space<vmem_shared>>)
      tpu.yield
    }) : () -> ()
    %mul3A_9 = arith.constant 384 : i32
    %mul3A_10 = arith.muli %arg1, %mul3A_9 : i32
    %add3A_11 = arith.constant 64 : i32
    %add3A_12 = arith.addi %mul3A_10, %add3A_11 : i32
    "tpu.region"() ({
      %run_scoped3A = tpu.sem_alloc : memref<!tpu.dma_semaphore, #tpu.memory_space<semaphore_mem>>
      %dma_start3A_73 = arith.constant 0 : i32
      %dma_start3A_74 = tpu.memref_slice %arg13[%add3A_12, %dma_start3A_73] : memref<6144x128xf32, #tpu.memory_space<vmem_shared>> -> memref<64x128xf32, #tpu.memory_space<vmem_shared>>
      %dma_start3A_75 = arith.constant 0 : i32
      %dma_start3A_76 = tpu.memref_slice %arg13[%add3A_12, %dma_start3A_75] : memref<6144x128xf32, #tpu.memory_space<vmem_shared>> -> memref<64x128xf32, #tpu.memory_space<vmem_shared>>
      tpu.enqueue_dma source(%arg12 : memref<64x128xf32, #tpu.memory_space<vmem>>) target(%dma_start3A_76 : memref<64x128xf32, #tpu.memory_space<vmem_shared>>) target_semaphore(%run_scoped3A : memref<!tpu.dma_semaphore, #tpu.memory_space<semaphore_mem>>)
      %dma_wait3A = arith.constant 0 : i32
      %dma_wait3A_77 = tpu.memref_slice %arg13[%add3A_12, %dma_wait3A] : memref<6144x128xf32, #tpu.memory_space<vmem_shared>> -> memref<64x128xf32, #tpu.memory_space<vmem_shared>>
      %dma_wait3A_78 = arith.constant 0 : i32
      %dma_wait3A_79 = tpu.memref_slice %arg13[%add3A_12, %dma_wait3A_78] : memref<6144x128xf32, #tpu.memory_space<vmem_shared>> -> memref<64x128xf32, #tpu.memory_space<vmem_shared>>
      tpu.wait_dma2 semaphore(%run_scoped3A : memref<!tpu.dma_semaphore, #tpu.memory_space<semaphore_mem>>) src(%arg12 : memref<64x128xf32, #tpu.memory_space<vmem>>) dst(%dma_wait3A_79 : memref<64x128xf32, #tpu.memory_space<vmem_shared>>)
      tpu.yield
    }) : () -> ()
    %mul3A_13 = arith.constant 384 : i32
    %mul3A_14 = arith.muli %arg1, %mul3A_13 : i32
    %add3A_15 = arith.constant 128 : i32
    %add3A_16 = arith.addi %mul3A_14, %add3A_15 : i32
    "tpu.region"() ({
      %run_scoped3A = tpu.sem_alloc : memref<!tpu.dma_semaphore, #tpu.memory_space<semaphore_mem>>
      %dma_start3A_73 = arith.constant 0 : i32
      %dma_start3A_74 = tpu.memref_slice %arg13[%add3A_16, %dma_start3A_73] : memref<6144x128xf32, #tpu.memory_space<vmem_shared>> -> memref<64x128xf32, #tpu.memory_space<vmem_shared>>
      %dma_start3A_75 = arith.constant 0 : i32
      %dma_start3A_76 = tpu.memref_slice %arg13[%add3A_16, %dma_start3A_75] : memref<6144x128xf32, #tpu.memory_space<vmem_shared>> -> memref<64x128xf32, #tpu.memory_space<vmem_shared>>
      tpu.enqueue_dma source(%arg12 : memref<64x128xf32, #tpu.memory_space<vmem>>) target(%dma_start3A_76 : memref<64x128xf32, #tpu.memory_space<vmem_shared>>) target_semaphore(%run_scoped3A : memref<!tpu.dma_semaphore, #tpu.memory_space<semaphore_mem>>)
      %dma_wait3A = arith.constant 0 : i32
      %dma_wait3A_77 = tpu.memref_slice %arg13[%add3A_16, %dma_wait3A] : memref<6144x128xf32, #tpu.memory_space<vmem_shared>> -> memref<64x128xf32, #tpu.memory_space<vmem_shared>>
      %dma_wait3A_78 = arith.constant 0 : i32
      %dma_wait3A_79 = tpu.memref_slice %arg13[%add3A_16, %dma_wait3A_78] : memref<6144x128xf32, #tpu.memory_space<vmem_shared>> -> memref<64x128xf32, #tpu.memory_space<vmem_shared>>
      tpu.wait_dma2 semaphore(%run_scoped3A : memref<!tpu.dma_semaphore, #tpu.memory_space<semaphore_mem>>) src(%arg12 : memref<64x128xf32, #tpu.memory_space<vmem>>) dst(%dma_wait3A_79 : memref<64x128xf32, #tpu.memory_space<vmem_shared>>)
      tpu.yield
    }) : () -> ()
    %mul3A_17 = arith.constant 384 : i32
    %mul3A_18 = arith.muli %arg1, %mul3A_17 : i32
    %add3A_19 = arith.constant 192 : i32
    %add3A_20 = arith.addi %mul3A_18, %add3A_19 : i32
    "tpu.region"() ({
      %run_scoped3A = tpu.sem_alloc : memref<!tpu.dma_semaphore, #tpu.memory_space<semaphore_mem>>
      %dma_start3A_73 = arith.constant 0 : i32
      %dma_start3A_74 = tpu.memref_slice %arg13[%add3A_20, %dma_start3A_73] : memref<6144x128xf32, #tpu.memory_space<vmem_shared>> -> memref<64x128xf32, #tpu.memory_space<vmem_shared>>
      %dma_start3A_75 = arith.constant 0 : i32
      %dma_start3A_76 = tpu.memref_slice %arg13[%add3A_20, %dma_start3A_75] : memref<6144x128xf32, #tpu.memory_space<vmem_shared>> -> memref<64x128xf32, #tpu.memory_space<vmem_shared>>
      tpu.enqueue_dma source(%arg12 : memref<64x128xf32, #tpu.memory_space<vmem>>) target(%dma_start3A_76 : memref<64x128xf32, #tpu.memory_space<vmem_shared>>) target_semaphore(%run_scoped3A : memref<!tpu.dma_semaphore, #tpu.memory_space<semaphore_mem>>)
      %dma_wait3A = arith.constant 0 : i32
      %dma_wait3A_77 = tpu.memref_slice %arg13[%add3A_20, %dma_wait3A] : memref<6144x128xf32, #tpu.memory_space<vmem_shared>> -> memref<64x128xf32, #tpu.memory_space<vmem_shared>>
      %dma_wait3A_78 = arith.constant 0 : i32
      %dma_wait3A_79 = tpu.memref_slice %arg13[%add3A_20, %dma_wait3A_78] : memref<6144x128xf32, #tpu.memory_space<vmem_shared>> -> memref<64x128xf32, #tpu.memory_space<vmem_shared>>
      tpu.wait_dma2 semaphore(%run_scoped3A : memref<!tpu.dma_semaphore, #tpu.memory_space<semaphore_mem>>) src(%arg12 : memref<64x128xf32, #tpu.memory_space<vmem>>) dst(%dma_wait3A_79 : memref<64x128xf32, #tpu.memory_space<vmem_shared>>)
      tpu.yield
    }) : () -> ()
    %mul3A_21 = arith.constant 384 : i32
    %mul3A_22 = arith.muli %arg1, %mul3A_21 : i32
    %add3A_23 = arith.constant 256 : i32
    %add3A_24 = arith.addi %mul3A_22, %add3A_23 : i32
    "tpu.region"() ({
      %run_scoped3A = tpu.sem_alloc : memref<!tpu.dma_semaphore, #tpu.memory_space<semaphore_mem>>
      %dma_start3A_73 = arith.constant 0 : i32
      %dma_start3A_74 = tpu.memref_slice %arg13[%add3A_24, %dma_start3A_73] : memref<6144x128xf32, #tpu.memory_space<vmem_shared>> -> memref<64x128xf32, #tpu.memory_space<vmem_shared>>
      %dma_start3A_75 = arith.constant 0 : i32
      %dma_start3A_76 = tpu.memref_slice %arg13[%add3A_24, %dma_start3A_75] : memref<6144x128xf32, #tpu.memory_space<vmem_shared>> -> memref<64x128xf32, #tpu.memory_space<vmem_shared>>
      tpu.enqueue_dma source(%arg12 : memref<64x128xf32, #tpu.memory_space<vmem>>) target(%dma_start3A_76 : memref<64x128xf32, #tpu.memory_space<vmem_shared>>) target_semaphore(%run_scoped3A : memref<!tpu.dma_semaphore, #tpu.memory_space<semaphore_mem>>)
      %dma_wait3A = arith.constant 0 : i32
      %dma_wait3A_77 = tpu.memref_slice %arg13[%add3A_24, %dma_wait3A] : memref<6144x128xf32, #tpu.memory_space<vmem_shared>> -> memref<64x128xf32, #tpu.memory_space<vmem_shared>>
      %dma_wait3A_78 = arith.constant 0 : i32
      %dma_wait3A_79 = tpu.memref_slice %arg13[%add3A_24, %dma_wait3A_78] : memref<6144x128xf32, #tpu.memory_space<vmem_shared>> -> memref<64x128xf32, #tpu.memory_space<vmem_shared>>
      tpu.wait_dma2 semaphore(%run_scoped3A : memref<!tpu.dma_semaphore, #tpu.memory_space<semaphore_mem>>) src(%arg12 : memref<64x128xf32, #tpu.memory_space<vmem>>) dst(%dma_wait3A_79 : memref<64x128xf32, #tpu.memory_space<vmem_shared>>)
      tpu.yield
    }) : () -> ()
    %mul3A_25 = arith.constant 384 : i32
    %mul3A_26 = arith.muli %arg1, %mul3A_25 : i32
    %add3A_27 = arith.constant 320 : i32
    %add3A_28 = arith.addi %mul3A_26, %add3A_27 : i32
    "tpu.region"() ({
      %run_scoped3A = tpu.sem_alloc : memref<!tpu.dma_semaphore, #tpu.memory_space<semaphore_mem>>
      %dma_start3A_73 = arith.constant 0 : i32
      %dma_start3A_74 = tpu.memref_slice %arg13[%add3A_28, %dma_start3A_73] : memref<6144x128xf32, #tpu.memory_space<vmem_shared>> -> memref<64x128xf32, #tpu.memory_space<vmem_shared>>
      %dma_start3A_75 = arith.constant 0 : i32
      %dma_start3A_76 = tpu.memref_slice %arg13[%add3A_28, %dma_start3A_75] : memref<6144x128xf32, #tpu.memory_space<vmem_shared>> -> memref<64x128xf32, #tpu.memory_space<vmem_shared>>
      tpu.enqueue_dma source(%arg12 : memref<64x128xf32, #tpu.memory_space<vmem>>) target(%dma_start3A_76 : memref<64x128xf32, #tpu.memory_space<vmem_shared>>) target_semaphore(%run_scoped3A : memref<!tpu.dma_semaphore, #tpu.memory_space<semaphore_mem>>)
      %dma_wait3A = arith.constant 0 : i32
      %dma_wait3A_77 = tpu.memref_slice %arg13[%add3A_28, %dma_wait3A] : memref<6144x128xf32, #tpu.memory_space<vmem_shared>> -> memref<64x128xf32, #tpu.memory_space<vmem_shared>>
      %dma_wait3A_78 = arith.constant 0 : i32
      %dma_wait3A_79 = tpu.memref_slice %arg13[%add3A_28, %dma_wait3A_78] : memref<6144x128xf32, #tpu.memory_space<vmem_shared>> -> memref<64x128xf32, #tpu.memory_space<vmem_shared>>
      tpu.wait_dma2 semaphore(%run_scoped3A : memref<!tpu.dma_semaphore, #tpu.memory_space<semaphore_mem>>) src(%arg12 : memref<64x128xf32, #tpu.memory_space<vmem>>) dst(%dma_wait3A_79 : memref<64x128xf32, #tpu.memory_space<vmem_shared>>)
      tpu.yield
    }) : () -> ()
    %mul3A_29 = arith.constant 320 : i32
    %mul3A_30 = arith.muli %arg1, %mul3A_29 : i32
    %mul3A_31 = arith.constant 64 : i32
    %mul3A_32 = arith.muli %mul3A_30, %mul3A_31 : i32
    %mul3A_33 = arith.constant 5120 : i32
    %mul3A_34 = arith.muli %arg0, %mul3A_33 : i32
    "tpu.region"() ({
      %run_scoped3A = tpu.sem_alloc : memref<!tpu.dma_semaphore, #tpu.memory_space<semaphore_mem>>
      %dma_start3A_73 = tpu.memref_slice %arg3[%mul3A_32] : memref<327680xi32, #tpu.memory_space<hbm>> -> memref<20480xi32, #tpu.memory_space<hbm>>
      %dma_start3A_74 = tpu.memref_slice %arg3[%mul3A_32] : memref<327680xi32, #tpu.memory_space<hbm>> -> memref<20480xi32, #tpu.memory_space<hbm>>
      tpu.enqueue_dma source(%dma_start3A_74 : memref<20480xi32, #tpu.memory_space<hbm>>) target(%arg6 : memref<20480xi32, #tpu.memory_space<vmem>>) target_semaphore(%run_scoped3A : memref<!tpu.dma_semaphore, #tpu.memory_space<semaphore_mem>>)
      %dma_wait3A = tpu.memref_slice %arg3[%mul3A_32] : memref<327680xi32, #tpu.memory_space<hbm>> -> memref<20480xi32, #tpu.memory_space<hbm>>
      %dma_wait3A_75 = tpu.memref_slice %arg3[%mul3A_32] : memref<327680xi32, #tpu.memory_space<hbm>> -> memref<20480xi32, #tpu.memory_space<hbm>>
      tpu.wait_dma2 semaphore(%run_scoped3A : memref<!tpu.dma_semaphore, #tpu.memory_space<semaphore_mem>>) src(%dma_wait3A_75 : memref<20480xi32, #tpu.memory_space<hbm>>) dst(%arg6 : memref<20480xi32, #tpu.memory_space<vmem>>)
      tpu.yield
    }) : () -> ()
    "tpu.region"() ({
      %run_scoped3A = tpu.sem_alloc : memref<!tpu.dma_semaphore, #tpu.memory_space<semaphore_mem>>
      %dma_start3A_73 = tpu.memref_slice %arg4[%mul3A_32] : memref<327680xi32, #tpu.memory_space<hbm>> -> memref<20480xi32, #tpu.memory_space<hbm>>
      %dma_start3A_74 = tpu.memref_slice %arg4[%mul3A_32] : memref<327680xi32, #tpu.memory_space<hbm>> -> memref<20480xi32, #tpu.memory_space<hbm>>
      tpu.enqueue_dma source(%dma_start3A_74 : memref<20480xi32, #tpu.memory_space<hbm>>) target(%arg7 : memref<20480xi32, #tpu.memory_space<vmem>>) target_semaphore(%run_scoped3A : memref<!tpu.dma_semaphore, #tpu.memory_space<semaphore_mem>>)
      %dma_wait3A = tpu.memref_slice %arg4[%mul3A_32] : memref<327680xi32, #tpu.memory_space<hbm>> -> memref<20480xi32, #tpu.memory_space<hbm>>
      %dma_wait3A_75 = tpu.memref_slice %arg4[%mul3A_32] : memref<327680xi32, #tpu.memory_space<hbm>> -> memref<20480xi32, #tpu.memory_space<hbm>>
      tpu.wait_dma2 semaphore(%run_scoped3A : memref<!tpu.dma_semaphore, #tpu.memory_space<semaphore_mem>>) src(%dma_wait3A_75 : memref<20480xi32, #tpu.memory_space<hbm>>) dst(%arg7 : memref<20480xi32, #tpu.memory_space<vmem>>)
      tpu.yield
    }) : () -> ()
    %scan3A_35 = arith.constant 0 : i32
    %scan3A_36 = arith.constant 0 : i32
    %scan3A_37 = arith.constant 1280 : i32
    %scan3A_38 = arith.addi %scan3A_36, %scan3A_37 : i32
    %scan3A_39 = arith.constant 1 : i32
    %scan3A_40 = scf.for %scan3A_73 = %scan3A_36 to %scan3A_38 step %scan3A_39 iter_args(%scan3A_74 = %scan3A_35) -> (i32)  : i32 {
      %mul3A_75 = arith.constant 16 : i32
      %mul3A_76 = arith.muli %scan3A_73, %mul3A_75 : i32
      %get3A = arith.index_cast %mul3A_76 : i32 to index
      %get3A_77 = tpu.vector_load %arg7[%get3A] {strides = array<i32>} : memref<20480xi32, #tpu.memory_space<vmem>>, vector<16xi32>,
      %get3A_78 = vector.shape_cast %get3A_77 : vector<16xi32> to vector<16xi32>
      %sub3A = vector.broadcast %mul3A_34 : i32 to vector<16xi32>
      %sub3A_79 = arith.subi %get3A_78, %sub3A : vector<16xi32>
      %ge3A = arith.constant 0 : i32
      %ge3A_80 = vector.broadcast %ge3A : i32 to vector<16xi32>
      %ge3A_81 = arith.cmpi sge, %sub3A_79, %ge3A_80 : vector<16xi32>
      %lt3A = arith.constant 5120 : i32
      %lt3A_82 = vector.broadcast %lt3A : i32 to vector<16xi32>
      %lt3A_83 = arith.cmpi slt, %sub3A_79, %lt3A_82 : vector<16xi32>
      %and3A = arith.andi %ge3A_81, %lt3A_83 : vector<16xi1>
      %jit3A = arith.constant 5120 : i32
      %broadcast_in_dim3A_84 = vector.broadcast %jit3A : i32 to vector<16xi32>
      %select_n3A = arith.select %and3A, %sub3A_79, %broadcast_in_dim3A_84 : vector<16xi1>, vector<16xi32>
      %mul3A_85 = arith.constant 16 : i32
      %mul3A_86 = arith.muli %scan3A_73, %mul3A_85 : i32
      %swap3A = arith.index_cast %mul3A_86 : i32 to index
      %swap3A_87 = tpu.vector_load %arg7[%swap3A] {strides = array<i32>} : memref<20480xi32, #tpu.memory_space<vmem>>, vector<16xi32>,
      %swap3A_88 = vector.shape_cast %swap3A_87 : vector<16xi32> to vector<16xi32>
      %swap3A_89 = vector.shape_cast %select_n3A : vector<16xi32> to vector<16xi32>
      tpu.vector_store %arg7[%swap3A], %swap3A_89 {strides = array<i32>} : memref<20480xi32, #tpu.memory_space<vmem>>, vector<16xi32>,
      %scan3A_90 = arith.constant 0 : i32
      scf.yield %scan3A_90 : i32
    }
    %scan3A_41 = arith.constant 1280 : i32
    %barrier3A = arith.constant 0 : index
    tpu.barrier barrier_id(%barrier3A)
    %dma_start3A = arith.constant 0 : i32
    %dma_start3A_42 = tpu.memref_slice %arg6[%dma_start3A] : memref<20480xi32, #tpu.memory_space<vmem>> -> memref<64xi32, #tpu.memory_space<vmem>>
    %dma_start3A_43 = arith.constant 0 : i32
    %dma_start3A_44 = arith.constant 0 : i32
    %dma_start3A_45 = tpu.memref_slice %arg2[%dma_start3A_43, %dma_start3A_44] : memref<10000x128xf32, #tpu.memory_space<hbm>> -> memref<10000x128xf32, #tpu.memory_space<hbm>>
    tpu.enqueue_indirect_dma source(%dma_start3A_45 : memref<10000x128xf32, #tpu.memory_space<hbm>>) target(%arg8 : memref<64x128xf32, #tpu.memory_space<vmem>>) offsets(%dma_start3A_42 : memref<64xi32, #tpu.memory_space<vmem>>) semaphore(%arg14 : memref<!tpu.dma_semaphore, #tpu.memory_space<semaphore_mem>>)
    %dma_start3A_46 = arith.constant 64 : i32
    %dma_start3A_47 = tpu.memref_slice %arg6[%dma_start3A_46] : memref<20480xi32, #tpu.memory_space<vmem>> -> memref<64xi32, #tpu.memory_space<vmem>>
    %dma_start3A_48 = arith.constant 0 : i32
    %dma_start3A_49 = arith.constant 0 : i32
    %dma_start3A_50 = tpu.memref_slice %arg2[%dma_start3A_48, %dma_start3A_49] : memref<10000x128xf32, #tpu.memory_space<hbm>> -> memref<10000x128xf32, #tpu.memory_space<hbm>>
    tpu.enqueue_indirect_dma source(%dma_start3A_50 : memref<10000x128xf32, #tpu.memory_space<hbm>>) target(%arg9 : memref<64x128xf32, #tpu.memory_space<vmem>>) offsets(%dma_start3A_47 : memref<64xi32, #tpu.memory_space<vmem>>) semaphore(%arg15 : memref<!tpu.dma_semaphore, #tpu.memory_space<semaphore_mem>>)
    %dma_start3A_51 = arith.constant 128 : i32
    %dma_start3A_52 = tpu.memref_slice %arg6[%dma_start3A_51] : memref<20480xi32, #tpu.memory_space<vmem>> -> memref<64xi32, #tpu.memory_space<vmem>>
    %dma_start3A_53 = arith.constant 0 : i32
    %dma_start3A_54 = arith.constant 0 : i32
    %dma_start3A_55 = tpu.memref_slice %arg2[%dma_start3A_53, %dma_start3A_54] : memref<10000x128xf32, #tpu.memory_space<hbm>> -> memref<10000x128xf32, #tpu.memory_space<hbm>>
    tpu.enqueue_indirect_dma source(%dma_start3A_55 : memref<10000x128xf32, #tpu.memory_space<hbm>>) target(%arg10 : memref<64x128xf32, #tpu.memory_space<vmem>>) offsets(%dma_start3A_52 : memref<64xi32, #tpu.memory_space<vmem>>) semaphore(%arg16 : memref<!tpu.dma_semaphore, #tpu.memory_space<semaphore_mem>>)
    %dma_start3A_56 = arith.constant 192 : i32
    %dma_start3A_57 = tpu.memref_slice %arg6[%dma_start3A_56] : memref<20480xi32, #tpu.memory_space<vmem>> -> memref<64xi32, #tpu.memory_space<vmem>>
    %dma_start3A_58 = arith.constant 0 : i32
    %dma_start3A_59 = arith.constant 0 : i32
    %dma_start3A_60 = tpu.memref_slice %arg2[%dma_start3A_58, %dma_start3A_59] : memref<10000x128xf32, #tpu.memory_space<hbm>> -> memref<10000x128xf32, #tpu.memory_space<hbm>>
    tpu.enqueue_indirect_dma source(%dma_start3A_60 : memref<10000x128xf32, #tpu.memory_space<hbm>>) target(%arg11 : memref<64x128xf32, #tpu.memory_space<vmem>>) offsets(%dma_start3A_57 : memref<64xi32, #tpu.memory_space<vmem>>) semaphore(%arg17 : memref<!tpu.dma_semaphore, #tpu.memory_space<semaphore_mem>>)
    %scan3A_61 = arith.constant 0 : i32
    %scan3A_62 = arith.constant 0 : i32
    %scan3A_63 = arith.constant 80 : i32
    %scan3A_64 = arith.addi %scan3A_62, %scan3A_63 : i32
    %scan3A_65 = arith.constant 1 : i32
    %scan3A_66 = scf.for %scan3A_73 = %scan3A_62 to %scan3A_64 step %scan3A_65 iter_args(%scan3A_74 = %scan3A_61) -> (i32)  : i32 {
      %mul3A_75 = arith.constant 4 : i32
      %mul3A_76 = arith.muli %scan3A_73, %mul3A_75 : i32
      %add3A_77 = arith.constant 0 : i32
      %add3A_78 = arith.addi %mul3A_76, %add3A_77 : i32
      %dma_wait3A = arith.constant 0 : i32
      %dma_wait3A_79 = tpu.memref_slice %arg6[%dma_wait3A] : memref<20480xi32, #tpu.memory_space<vmem>> -> memref<64xi32, #tpu.memory_space<vmem>>
      %dma_wait3A_80 = arith.constant 0 : i32
      %dma_wait3A_81 = arith.constant 0 : i32
      %dma_wait3A_82 = tpu.memref_slice %arg2[%dma_wait3A_80, %dma_wait3A_81] : memref<10000x128xf32, #tpu.memory_space<hbm>> -> memref<10000x128xf32, #tpu.memory_space<hbm>>
      tpu.wait_indirect_dma semaphore(%arg14 : memref<!tpu.dma_semaphore, #tpu.memory_space<semaphore_mem>>) src(%dma_wait3A_82 : memref<10000x128xf32, #tpu.memory_space<hbm>>) dst(%arg8 : memref<64x128xf32, #tpu.memory_space<vmem>>)
      %mul3A_83 = arith.constant 64 : i32
      %mul3A_84 = arith.muli %add3A_78, %mul3A_83 : i32
      %dma_start3A_85 = tpu.memref_slice %arg7[%mul3A_84] : memref<20480xi32, #tpu.memory_space<vmem>> -> memref<64xi32, #tpu.memory_space<vmem>>
      %dma_start3A_86 = arith.constant 0 : i32
      %dma_start3A_87 = arith.constant 0 : i32
      %dma_start3A_88 = tpu.memref_slice %arg13[%dma_start3A_86, %dma_start3A_87] : memref<6144x128xf32, #tpu.memory_space<vmem_shared>> -> memref<6144x128xf32, #tpu.memory_space<vmem_shared>>
      tpu.enqueue_indirect_dma source(%arg8 : memref<64x128xf32, #tpu.memory_space<vmem>>) target(%dma_start3A_88 : memref<6144x128xf32, #tpu.memory_space<vmem_shared>>) offsets(%dma_start3A_85 : memref<64xi32, #tpu.memory_space<vmem>>) semaphore(%arg18 : memref<!tpu.dma_semaphore, #tpu.memory_space<semaphore_mem>>) {add = true}
      %mul3A_89 = arith.constant 4 : i32
      %mul3A_90 = arith.muli %scan3A_73, %mul3A_89 : i32
      %add3A_91 = arith.constant 1 : i32
      %add3A_92 = arith.addi %mul3A_90, %add3A_91 : i32
      %dma_wait3A_93 = arith.constant 0 : i32
      %dma_wait3A_94 = tpu.memref_slice %arg6[%dma_wait3A_93] : memref<20480xi32, #tpu.memory_space<vmem>> -> memref<64xi32, #tpu.memory_space<vmem>>
      %dma_wait3A_95 = arith.constant 0 : i32
      %dma_wait3A_96 = arith.constant 0 : i32
      %dma_wait3A_97 = tpu.memref_slice %arg2[%dma_wait3A_95, %dma_wait3A_96] : memref<10000x128xf32, #tpu.memory_space<hbm>> -> memref<10000x128xf32, #tpu.memory_space<hbm>>
      tpu.wait_indirect_dma semaphore(%arg15 : memref<!tpu.dma_semaphore, #tpu.memory_space<semaphore_mem>>) src(%dma_wait3A_97 : memref<10000x128xf32, #tpu.memory_space<hbm>>) dst(%arg9 : memref<64x128xf32, #tpu.memory_space<vmem>>)
      %mul3A_98 = arith.constant 64 : i32
      %mul3A_99 = arith.muli %add3A_92, %mul3A_98 : i32
      %dma_start3A_100 = tpu.memref_slice %arg7[%mul3A_99] : memref<20480xi32, #tpu.memory_space<vmem>> -> memref<64xi32, #tpu.memory_space<vmem>>
      %dma_start3A_101 = arith.constant 0 : i32
      %dma_start3A_102 = arith.constant 0 : i32
      %dma_start3A_103 = tpu.memref_slice %arg13[%dma_start3A_101, %dma_start3A_102] : memref<6144x128xf32, #tpu.memory_space<vmem_shared>> -> memref<6144x128xf32, #tpu.memory_space<vmem_shared>>
      tpu.enqueue_indirect_dma source(%arg9 : memref<64x128xf32, #tpu.memory_space<vmem>>) target(%dma_start3A_103 : memref<6144x128xf32, #tpu.memory_space<vmem_shared>>) offsets(%dma_start3A_100 : memref<64xi32, #tpu.memory_space<vmem>>) semaphore(%arg19 : memref<!tpu.dma_semaphore, #tpu.memory_space<semaphore_mem>>) {add = true}
      %mul3A_104 = arith.constant 4 : i32
      %mul3A_105 = arith.muli %scan3A_73, %mul3A_104 : i32
      %add3A_106 = arith.constant 2 : i32
      %add3A_107 = arith.addi %mul3A_105, %add3A_106 : i32
      %dma_wait3A_108 = arith.constant 0 : i32
      %dma_wait3A_109 = tpu.memref_slice %arg6[%dma_wait3A_108] : memref<20480xi32, #tpu.memory_space<vmem>> -> memref<64xi32, #tpu.memory_space<vmem>>
      %dma_wait3A_110 = arith.constant 0 : i32
      %dma_wait3A_111 = arith.constant 0 : i32
      %dma_wait3A_112 = tpu.memref_slice %arg2[%dma_wait3A_110, %dma_wait3A_111] : memref<10000x128xf32, #tpu.memory_space<hbm>> -> memref<10000x128xf32, #tpu.memory_space<hbm>>
      tpu.wait_indirect_dma semaphore(%arg16 : memref<!tpu.dma_semaphore, #tpu.memory_space<semaphore_mem>>) src(%dma_wait3A_112 : memref<10000x128xf32, #tpu.memory_space<hbm>>) dst(%arg10 : memref<64x128xf32, #tpu.memory_space<vmem>>)
      %mul3A_113 = arith.constant 64 : i32
      %mul3A_114 = arith.muli %add3A_107, %mul3A_113 : i32
      %dma_start3A_115 = tpu.memref_slice %arg7[%mul3A_114] : memref<20480xi32, #tpu.memory_space<vmem>> -> memref<64xi32, #tpu.memory_space<vmem>>
      %dma_start3A_116 = arith.constant 0 : i32
      %dma_start3A_117 = arith.constant 0 : i32
      %dma_start3A_118 = tpu.memref_slice %arg13[%dma_start3A_116, %dma_start3A_117] : memref<6144x128xf32, #tpu.memory_space<vmem_shared>> -> memref<6144x128xf32, #tpu.memory_space<vmem_shared>>
      tpu.enqueue_indirect_dma source(%arg10 : memref<64x128xf32, #tpu.memory_space<vmem>>) target(%dma_start3A_118 : memref<6144x128xf32, #tpu.memory_space<vmem_shared>>) offsets(%dma_start3A_115 : memref<64xi32, #tpu.memory_space<vmem>>) semaphore(%arg20 : memref<!tpu.dma_semaphore, #tpu.memory_space<semaphore_mem>>) {add = true}
      %mul3A_119 = arith.constant 4 : i32
      %mul3A_120 = arith.muli %scan3A_73, %mul3A_119 : i32
      %add3A_121 = arith.constant 3 : i32
      %add3A_122 = arith.addi %mul3A_120, %add3A_121 : i32
      %dma_wait3A_123 = arith.constant 0 : i32
      %dma_wait3A_124 = tpu.memref_slice %arg6[%dma_wait3A_123] : memref<20480xi32, #tpu.memory_space<vmem>> -> memref<64xi32, #tpu.memory_space<vmem>>
      %dma_wait3A_125 = arith.constant 0 : i32
      %dma_wait3A_126 = arith.constant 0 : i32
      %dma_wait3A_127 = tpu.memref_slice %arg2[%dma_wait3A_125, %dma_wait3A_126] : memref<10000x128xf32, #tpu.memory_space<hbm>> -> memref<10000x128xf32, #tpu.memory_space<hbm>>
      tpu.wait_indirect_dma semaphore(%arg17 : memref<!tpu.dma_semaphore, #tpu.memory_space<semaphore_mem>>) src(%dma_wait3A_127 : memref<10000x128xf32, #tpu.memory_space<hbm>>) dst(%arg11 : memref<64x128xf32, #tpu.memory_space<vmem>>)
      %mul3A_128 = arith.constant 64 : i32
      %mul3A_129 = arith.muli %add3A_122, %mul3A_128 : i32
      %dma_start3A_130 = tpu.memref_slice %arg7[%mul3A_129] : memref<20480xi32, #tpu.memory_space<vmem>> -> memref<64xi32, #tpu.memory_space<vmem>>
      %dma_start3A_131 = arith.constant 0 : i32
      %dma_start3A_132 = arith.constant 0 : i32
      %dma_start3A_133 = tpu.memref_slice %arg13[%dma_start3A_131, %dma_start3A_132] : memref<6144x128xf32, #tpu.memory_space<vmem_shared>> -> memref<6144x128xf32, #tpu.memory_space<vmem_shared>>
      tpu.enqueue_indirect_dma source(%arg11 : memref<64x128xf32, #tpu.memory_space<vmem>>) target(%dma_start3A_133 : memref<6144x128xf32, #tpu.memory_space<vmem_shared>>) offsets(%dma_start3A_130 : memref<64xi32, #tpu.memory_space<vmem>>) semaphore(%arg21 : memref<!tpu.dma_semaphore, #tpu.memory_space<semaphore_mem>>) {add = true}
      %dma_wait3A_134 = tpu.memref_slice %arg7[%mul3A_84] : memref<20480xi32, #tpu.memory_space<vmem>> -> memref<64xi32, #tpu.memory_space<vmem>>
      %dma_wait3A_135 = arith.constant 0 : i32
      %dma_wait3A_136 = arith.constant 0 : i32
      %dma_wait3A_137 = tpu.memref_slice %arg13[%dma_wait3A_135, %dma_wait3A_136] : memref<6144x128xf32, #tpu.memory_space<vmem_shared>> -> memref<6144x128xf32, #tpu.memory_space<vmem_shared>>
      tpu.wait_indirect_dma semaphore(%arg18 : memref<!tpu.dma_semaphore, #tpu.memory_space<semaphore_mem>>) src(%arg8 : memref<64x128xf32, #tpu.memory_space<vmem>>) dst(%dma_wait3A_137 : memref<6144x128xf32, #tpu.memory_space<vmem_shared>>)
      %add3A_138 = arith.constant 1 : i32
      %add3A_139 = arith.addi %scan3A_73, %add3A_138 : i32
      %lt3A = arith.constant 80 : i32
      %lt3A_140 = arith.cmpi slt, %add3A_139, %lt3A : i32
      %convert_element_type3A = arith.extui %lt3A_140 : i1 to i32
      %cond3A = arith.constant 0 : i32
      %cond3A_141 = arith.cmpi ne, %convert_element_type3A, %cond3A : i32
      scf.if %cond3A_141 {
        %mul3A_176 = arith.constant 4 : i32
        %mul3A_177 = arith.muli %scan3A_73, %mul3A_176 : i32
        %add3A_178 = arith.constant 4 : i32
        %add3A_179 = arith.addi %mul3A_177, %add3A_178 : i32
        %add3A_180 = arith.constant 0 : i32
        %add3A_181 = arith.addi %add3A_179, %add3A_180 : i32
        %mul3A_182 = arith.constant 64 : i32
        %mul3A_183 = arith.muli %add3A_181, %mul3A_182 : i32
        %dma_start3A_184 = tpu.memref_slice %arg6[%mul3A_183] : memref<20480xi32, #tpu.memory_space<vmem>> -> memref<64xi32, #tpu.memory_space<vmem>>
        %dma_start3A_185 = arith.constant 0 : i32
        %dma_start3A_186 = arith.constant 0 : i32
        %dma_start3A_187 = tpu.memref_slice %arg2[%dma_start3A_185, %dma_start3A_186] : memref<10000x128xf32, #tpu.memory_space<hbm>> -> memref<10000x128xf32, #tpu.memory_space<hbm>>
        tpu.enqueue_indirect_dma source(%dma_start3A_187 : memref<10000x128xf32, #tpu.memory_space<hbm>>) target(%arg8 : memref<64x128xf32, #tpu.memory_space<vmem>>) offsets(%dma_start3A_184 : memref<64xi32, #tpu.memory_space<vmem>>) semaphore(%arg14 : memref<!tpu.dma_semaphore, #tpu.memory_space<semaphore_mem>>)
      } else {
      }
      %dma_wait3A_142 = tpu.memref_slice %arg7[%mul3A_99] : memref<20480xi32, #tpu.memory_space<vmem>> -> memref<64xi32, #tpu.memory_space<vmem>>
      %dma_wait3A_143 = arith.constant 0 : i32
      %dma_wait3A_144 = arith.constant 0 : i32
      %dma_wait3A_145 = tpu.memref_slice %arg13[%dma_wait3A_143, %dma_wait3A_144] : memref<6144x128xf32, #tpu.memory_space<vmem_shared>> -> memref<6144x128xf32, #tpu.memory_space<vmem_shared>>
      tpu.wait_indirect_dma semaphore(%arg19 : memref<!tpu.dma_semaphore, #tpu.memory_space<semaphore_mem>>) src(%arg9 : memref<64x128xf32, #tpu.memory_space<vmem>>) dst(%dma_wait3A_145 : memref<6144x128xf32, #tpu.memory_space<vmem_shared>>)
      %add3A_146 = arith.constant 1 : i32
      %add3A_147 = arith.addi %scan3A_73, %add3A_146 : i32
      %lt3A_148 = arith.constant 80 : i32
      %lt3A_149 = arith.cmpi slt, %add3A_147, %lt3A_148 : i32
      %convert_element_type3A_150 = arith.extui %lt3A_149 : i1 to i32
      %cond3A_151 = arith.constant 0 : i32
      %cond3A_152 = arith.cmpi ne, %convert_element_type3A_150, %cond3A_151 : i32
      scf.if %cond3A_152 {
        %mul3A_176 = arith.constant 4 : i32
        %mul3A_177 = arith.muli %scan3A_73, %mul3A_176 : i32
        %add3A_178 = arith.constant 4 : i32
        %add3A_179 = arith.addi %mul3A_177, %add3A_178 : i32
        %add3A_180 = arith.constant 1 : i32
        %add3A_181 = arith.addi %add3A_179, %add3A_180 : i32
        %mul3A_182 = arith.constant 64 : i32
        %mul3A_183 = arith.muli %add3A_181, %mul3A_182 : i32
        %dma_start3A_184 = tpu.memref_slice %arg6[%mul3A_183] : memref<20480xi32, #tpu.memory_space<vmem>> -> memref<64xi32, #tpu.memory_space<vmem>>
        %dma_start3A_185 = arith.constant 0 : i32
        %dma_start3A_186 = arith.constant 0 : i32
        %dma_start3A_187 = tpu.memref_slice %arg2[%dma_start3A_185, %dma_start3A_186] : memref<10000x128xf32, #tpu.memory_space<hbm>> -> memref<10000x128xf32, #tpu.memory_space<hbm>>
        tpu.enqueue_indirect_dma source(%dma_start3A_187 : memref<10000x128xf32, #tpu.memory_space<hbm>>) target(%arg9 : memref<64x128xf32, #tpu.memory_space<vmem>>) offsets(%dma_start3A_184 : memref<64xi32, #tpu.memory_space<vmem>>) semaphore(%arg15 : memref<!tpu.dma_semaphore, #tpu.memory_space<semaphore_mem>>)
      } else {
      }
      %dma_wait3A_153 = tpu.memref_slice %arg7[%mul3A_114] : memref<20480xi32, #tpu.memory_space<vmem>> -> memref<64xi32, #tpu.memory_space<vmem>>
      %dma_wait3A_154 = arith.constant 0 : i32
      %dma_wait3A_155 = arith.constant 0 : i32
      %dma_wait3A_156 = tpu.memref_slice %arg13[%dma_wait3A_154, %dma_wait3A_155] : memref<6144x128xf32, #tpu.memory_space<vmem_shared>> -> memref<6144x128xf32, #tpu.memory_space<vmem_shared>>
      tpu.wait_indirect_dma semaphore(%arg20 : memref<!tpu.dma_semaphore, #tpu.memory_space<semaphore_mem>>) src(%arg10 : memref<64x128xf32, #tpu.memory_space<vmem>>) dst(%dma_wait3A_156 : memref<6144x128xf32, #tpu.memory_space<vmem_shared>>)
      %add3A_157 = arith.constant 1 : i32
      %add3A_158 = arith.addi %scan3A_73, %add3A_157 : i32
      %lt3A_159 = arith.constant 80 : i32
      %lt3A_160 = arith.cmpi slt, %add3A_158, %lt3A_159 : i32
      %convert_element_type3A_161 = arith.extui %lt3A_160 : i1 to i32
      %cond3A_162 = arith.constant 0 : i32
      %cond3A_163 = arith.cmpi ne, %convert_element_type3A_161, %cond3A_162 : i32
      scf.if %cond3A_163 {
        %mul3A_176 = arith.constant 4 : i32
        %mul3A_177 = arith.muli %scan3A_73, %mul3A_176 : i32
        %add3A_178 = arith.constant 4 : i32
        %add3A_179 = arith.addi %mul3A_177, %add3A_178 : i32
        %add3A_180 = arith.constant 2 : i32
        %add3A_181 = arith.addi %add3A_179, %add3A_180 : i32
        %mul3A_182 = arith.constant 64 : i32
        %mul3A_183 = arith.muli %add3A_181, %mul3A_182 : i32
        %dma_start3A_184 = tpu.memref_slice %arg6[%mul3A_183] : memref<20480xi32, #tpu.memory_space<vmem>> -> memref<64xi32, #tpu.memory_space<vmem>>
        %dma_start3A_185 = arith.constant 0 : i32
        %dma_start3A_186 = arith.constant 0 : i32
        %dma_start3A_187 = tpu.memref_slice %arg2[%dma_start3A_185, %dma_start3A_186] : memref<10000x128xf32, #tpu.memory_space<hbm>> -> memref<10000x128xf32, #tpu.memory_space<hbm>>
        tpu.enqueue_indirect_dma source(%dma_start3A_187 : memref<10000x128xf32, #tpu.memory_space<hbm>>) target(%arg10 : memref<64x128xf32, #tpu.memory_space<vmem>>) offsets(%dma_start3A_184 : memref<64xi32, #tpu.memory_space<vmem>>) semaphore(%arg16 : memref<!tpu.dma_semaphore, #tpu.memory_space<semaphore_mem>>)
      } else {
      }
      %dma_wait3A_164 = tpu.memref_slice %arg7[%mul3A_129] : memref<20480xi32, #tpu.memory_space<vmem>> -> memref<64xi32, #tpu.memory_space<vmem>>
      %dma_wait3A_165 = arith.constant 0 : i32
      %dma_wait3A_166 = arith.constant 0 : i32
      %dma_wait3A_167 = tpu.memref_slice %arg13[%dma_wait3A_165, %dma_wait3A_166] : memref<6144x128xf32, #tpu.memory_space<vmem_shared>> -> memref<6144x128xf32, #tpu.memory_space<vmem_shared>>
      tpu.wait_indirect_dma semaphore(%arg21 : memref<!tpu.dma_semaphore, #tpu.memory_space<semaphore_mem>>) src(%arg11 : memref<64x128xf32, #tpu.memory_space<vmem>>) dst(%dma_wait3A_167 : memref<6144x128xf32, #tpu.memory_space<vmem_shared>>)
      %add3A_168 = arith.constant 1 : i32
      %add3A_169 = arith.addi %scan3A_73, %add3A_168 : i32
      %lt3A_170 = arith.constant 80 : i32
      %lt3A_171 = arith.cmpi slt, %add3A_169, %lt3A_170 : i32
      %convert_element_type3A_172 = arith.extui %lt3A_171 : i1 to i32
      %cond3A_173 = arith.constant 0 : i32
      %cond3A_174 = arith.cmpi ne, %convert_element_type3A_172, %cond3A_173 : i32
      scf.if %cond3A_174 {
        %mul3A_176 = arith.constant 4 : i32
        %mul3A_177 = arith.muli %scan3A_73, %mul3A_176 : i32
        %add3A_178 = arith.constant 4 : i32
        %add3A_179 = arith.addi %mul3A_177, %add3A_178 : i32
        %add3A_180 = arith.constant 3 : i32
        %add3A_181 = arith.addi %add3A_179, %add3A_180 : i32
        %mul3A_182 = arith.constant 64 : i32
        %mul3A_183 = arith.muli %add3A_181, %mul3A_182 : i32
        %dma_start3A_184 = tpu.memref_slice %arg6[%mul3A_183] : memref<20480xi32, #tpu.memory_space<vmem>> -> memref<64xi32, #tpu.memory_space<vmem>>
        %dma_start3A_185 = arith.constant 0 : i32
        %dma_start3A_186 = arith.constant 0 : i32
        %dma_start3A_187 = tpu.memref_slice %arg2[%dma_start3A_185, %dma_start3A_186] : memref<10000x128xf32, #tpu.memory_space<hbm>> -> memref<10000x128xf32, #tpu.memory_space<hbm>>
        tpu.enqueue_indirect_dma source(%dma_start3A_187 : memref<10000x128xf32, #tpu.memory_space<hbm>>) target(%arg11 : memref<64x128xf32, #tpu.memory_space<vmem>>) offsets(%dma_start3A_184 : memref<64xi32, #tpu.memory_space<vmem>>) semaphore(%arg17 : memref<!tpu.dma_semaphore, #tpu.memory_space<semaphore_mem>>)
      } else {
      }
      %scan3A_175 = arith.constant 0 : i32
      scf.yield %scan3A_175 : i32
    }
    %scan3A_67 = arith.constant 80 : i32
    %barrier3A_68 = arith.constant 0 : index
    tpu.barrier barrier_id(%barrier3A_68)
    %mul3A_69 = arith.constant 384 : i32
    %mul3A_70 = arith.muli %arg1, %mul3A_69 : i32
    %mul3A_71 = arith.constant 384 : i32
    %mul3A_72 = arith.muli %arg1, %mul3A_71 : i32
    "tpu.region"() ({
      %run_scoped3A = tpu.sem_alloc : memref<!tpu.dma_semaphore, #tpu.memory_space<semaphore_mem>>
      %dma_start3A_73 = arith.constant 0 : i32
      %dma_start3A_74 = tpu.memref_slice %arg5[%arg0, %mul3A_72, %dma_start3A_73] : memref<2x6144x128xf32, #tpu.memory_space<hbm>> -> memref<1x384x128xf32, #tpu.memory_space<hbm>>
      %dma_start3A_75 = tpu.memref_squeeze %dma_start3A_74 : memref<1x384x128xf32, #tpu.memory_space<hbm>> -> memref<384x128xf32, #tpu.memory_space<hbm>>
      %dma_start3A_76 = arith.constant 0 : i32
      %dma_start3A_77 = tpu.memref_slice %arg13[%mul3A_70, %dma_start3A_76] : memref<6144x128xf32, #tpu.memory_space<vmem_shared>> -> memref<384x128xf32, #tpu.memory_space<vmem_shared>>
      tpu.enqueue_dma source(%dma_start3A_77 : memref<384x128xf32, #tpu.memory_space<vmem_shared>>) target(%dma_start3A_75 : memref<384x128xf32, #tpu.memory_space<hbm>>) target_semaphore(%run_scoped3A : memref<!tpu.dma_semaphore, #tpu.memory_space<semaphore_mem>>)
      %dma_wait3A = arith.constant 0 : i32
      %dma_wait3A_78 = tpu.memref_slice %arg5[%arg0, %mul3A_72, %dma_wait3A] : memref<2x6144x128xf32, #tpu.memory_space<hbm>> -> memref<1x384x128xf32, #tpu.memory_space<hbm>>
      %dma_wait3A_79 = tpu.memref_squeeze %dma_wait3A_78 : memref<1x384x128xf32, #tpu.memory_space<hbm>> -> memref<384x128xf32, #tpu.memory_space<hbm>>
      %dma_wait3A_80 = arith.constant 0 : i32
      %dma_wait3A_81 = tpu.memref_slice %arg13[%mul3A_70, %dma_wait3A_80] : memref<6144x128xf32, #tpu.memory_space<vmem_shared>> -> memref<384x128xf32, #tpu.memory_space<vmem_shared>>
      tpu.wait_dma2 semaphore(%run_scoped3A : memref<!tpu.dma_semaphore, #tpu.memory_space<semaphore_mem>>) src(%dma_wait3A_81 : memref<384x128xf32, #tpu.memory_space<vmem_shared>>) dst(%dma_wait3A_79 : memref<384x128xf32, #tpu.memory_space<hbm>>)
      tpu.yield
    }) : () -> ()
    return
  }
}

module attributes {stable_mosaic.version = 14 : i64} {
  func.func @_tc1_body(%arg0: i32, %arg1: memref<1024x128xf32, #tpu.memory_space<vmem>>, %arg2: memref<128x128xf32, #tpu.memory_space<vmem>>, %arg3: memref<1x1x1024x128xf32, #tpu.memory_space<vmem>>, %arg4: memref<1024x128xf32, #tpu.memory_space<vmem>>) attributes {dimension_semantics = [#tpu.dimension_semantics<arbitrary>], iteration_bounds = array<i64: 10>, scalar_prefetch = 0 : i64, scratch_operands = 0 : i64, tpu.core_type = #tpu.core_type<tc>, window_params = [{transform_indices = @transform_0, window_bounds = array<i64: 1024, 128>}, {pipeline_mode = #tpu.pipeline_mode<synchronous>, transform_indices = @transform_1, window_bounds = array<i64: 128, 128>}, {transform_indices = @transform_2, window_bounds = array<i64: 1, 1, 1024, 128>}, {transform_indices = @transform_3, window_bounds = array<i64: 1024, 128>}]} {
    %get3A = arith.constant 0 : index
    %get3A_0 = arith.constant 0 : index
    %get3A_1 = arith.constant 0 : index
    %get3A_2 = arith.constant 0 : index
    %get3A_3 = vector.load %arg3[%get3A, %get3A_0, %get3A_1, %get3A_2] : memref<1x1x1024x128xf32, #tpu.memory_space<vmem>>, vector<1x1x1024x1xf32>
    %get3A_4 = vector.shape_cast %get3A_3 : vector<1x1x1024x1xf32> to vector<1024x1xf32>
    %gt3A = arith.constant 0.000000e+00 : f32
    %gt3A_5 = vector.broadcast %gt3A : f32 to vector<1024x1xf32>
    %gt3A_6 = arith.cmpf ogt, %get3A_4, %gt3A_5 : vector<1024x1xf32>
    %max3A = arith.constant 1.000000e+00 : f32
    %max3A_7 = vector.broadcast %max3A : f32 to vector<1024x1xf32>
    %max3A_8 = arith.maximumf %get3A_4, %max3A_7 : vector<1024x1xf32>
    %rsqrt3A = math.rsqrt %max3A_8 : vector<1024x1xf32>
    %jit3A = arith.constant 0.000000e+00 : f32
    %broadcast_in_dim3A = vector.broadcast %jit3A : f32 to vector<1024x1xf32>
    %select_n3A = arith.select %gt3A_6, %rsqrt3A, %broadcast_in_dim3A : vector<1024x1xi1>, vector<1024x1xf32>
    %get3A_9 = arith.constant 0 : index
    %get3A_10 = arith.constant 0 : index
    %get3A_11 = vector.load %arg1[%get3A_9, %get3A_10] : memref<1024x128xf32, #tpu.memory_space<vmem>>, vector<1024x128xf32>
    %mul3A = vector.broadcast %select_n3A : vector<1024x1xf32> to vector<1024x128xf32>
    %mul3A_12 = arith.mulf %get3A_11, %mul3A : vector<1024x128xf32>
    %get3A_13 = arith.constant 0 : index
    %get3A_14 = arith.constant 0 : index
    %get3A_15 = vector.load %arg2[%get3A_13, %get3A_14] : memref<128x128xf32, #tpu.memory_space<vmem>>, vector<128x128xf32>
    %dot_general3A = arith.constant dense<0.000000e+00> : vector<1024x128xf32>
    %dot_general3A_16 = tpu.matmul %mul3A_12, %get3A_15, %dot_general3A {dimension_numbers = #tpu.dot_dimension_numbers<[1], [0], [0], [1], [0, 0, 1, 1], [], []>, transpose_lhs_hint = false} : vector<1024x128xf32>, vector<128x128xf32>, vector<1024x128xf32> -> vector<1024x128xf32>
    %swap3A = arith.constant 0 : index
    %swap3A_17 = arith.constant 0 : index
    %swap3A_18 = vector.load %arg4[%swap3A, %swap3A_17] : memref<1024x128xf32, #tpu.memory_space<vmem>>, vector<1024x128xf32>
    tpu.vector_store %arg4[%swap3A, %swap3A_17], %dot_general3A_16 {strides = array<i32>} : memref<1024x128xf32, #tpu.memory_space<vmem>>, vector<1024x128xf32>,
    return
  }
  func.func @transform_0(%arg0: i32) -> (i32, i32) {
    %c0_i32 = arith.constant 0 : i32
    %c0_i32_0 = arith.constant 0 : i32
    return %arg0, %c0_i32 : i32, i32
  }
  func.func @transform_1(%arg0: i32) -> (i32, i32) {
    %c0_i32 = arith.constant 0 : i32
    %c0_i32_0 = arith.constant 0 : i32
    %c0_i32_1 = arith.constant 0 : i32
    return %c0_i32, %c0_i32_0 : i32, i32
  }
  func.func @transform_2(%arg0: i32) -> (i32, i32, i32, i32) {
    %jit3A = arith.constant 5 : i32
    %div3A = arith.divsi %arg0, %jit3A : i32
    %sign3A = arith.constant 0 : i32
    %sign3A_0 = arith.cmpi sgt, %arg0, %sign3A : i32
    %sign3A_1 = arith.extui %sign3A_0 : i1 to i32
    %sign3A_2 = arith.constant 0 : i32
    %sign3A_3 = arith.cmpi slt, %arg0, %sign3A_2 : i32
    %sign3A_4 = arith.extui %sign3A_3 : i1 to i32
    %sign3A_5 = arith.subi %sign3A_1, %sign3A_4 : i32
    %sign3A_6 = arith.constant 0 : i32
    %sign3A_7 = arith.cmpi sgt, %jit3A, %sign3A_6 : i32
    %sign3A_8 = arith.extui %sign3A_7 : i1 to i32
    %sign3A_9 = arith.constant 0 : i32
    %sign3A_10 = arith.cmpi slt, %jit3A, %sign3A_9 : i32
    %sign3A_11 = arith.extui %sign3A_10 : i1 to i32
    %sign3A_12 = arith.subi %sign3A_8, %sign3A_11 : i32
    %ne3A = arith.cmpi ne, %sign3A_5, %sign3A_12 : i32
    %rem3A = arith.remsi %arg0, %jit3A : i32
    %ne3A_13 = arith.constant 0 : i32
    %ne3A_14 = arith.cmpi ne, %rem3A, %ne3A_13 : i32
    %and3A = arith.andi %ne3A, %ne3A_14 : i1
    %sub3A = arith.constant 1 : i32
    %sub3A_15 = arith.subi %div3A, %sub3A : i32
    %select_n3A = arith.select %and3A, %sub3A_15, %div3A : i32
    %jit3A_16 = arith.constant 5 : i32
    %eq3A = arith.constant 0 : i32
    %eq3A_17 = arith.cmpi eq, %jit3A_16, %eq3A : i32
    %jit3A_18 = arith.constant 1 : i32
    %select_n3A_19 = arith.select %eq3A_17, %jit3A_18, %jit3A_16 : i32
    %rem3A_20 = arith.remsi %arg0, %select_n3A_19 : i32
    %ne3A_21 = arith.constant 0 : i32
    %ne3A_22 = arith.cmpi ne, %rem3A_20, %ne3A_21 : i32
    %lt3A = arith.constant 0 : i32
    %lt3A_23 = arith.cmpi slt, %rem3A_20, %lt3A : i32
    %lt3A_24 = arith.constant 0 : i32
    %lt3A_25 = arith.cmpi slt, %select_n3A_19, %lt3A_24 : i32
    %ne3A_26 = arith.xori %lt3A_23, %lt3A_25 : i1
    %and3A_27 = arith.andi %ne3A_26, %ne3A_22 : i1
    %add3A = arith.addi %rem3A_20, %select_n3A_19 : i32
    %select_n3A_28 = arith.select %and3A_27, %add3A, %rem3A_20 : i32
    %c0_i32 = arith.constant 0 : i32
    %c0_i32_29 = arith.constant 0 : i32
    %c0_i32_30 = arith.constant 0 : i32
    return %c0_i32, %select_n3A, %select_n3A_28, %c0_i32_29 : i32, i32, i32, i32
  }
  func.func @transform_3(%arg0: i32) -> (i32, i32) {
    %c0_i32 = arith.constant 0 : i32
    %c0_i32_0 = arith.constant 0 : i32
    return %arg0, %c0_i32 : i32, i32
  }
}

module attributes {stable_mosaic.version = 14 : i64} {
  func.func @_tc2_body(%arg0: i32, %arg1: memref<1x1024x128xf32, #tpu.memory_space<vmem>>, %arg2: memref<1x1x1024x128xf32, #tpu.memory_space<vmem>>, %arg3: memref<1x1x1024x128xf32, #tpu.memory_space<vmem>>, %arg4: memref<1x128xf32, #tpu.memory_space<vmem>>, %arg5: memref<128x128xf32, #tpu.memory_space<vmem>>, %arg6: memref<1024x128xf32, #tpu.memory_space<vmem>>) attributes {dimension_semantics = [#tpu.dimension_semantics<arbitrary>], iteration_bounds = array<i64: 10>, scalar_prefetch = 0 : i64, scratch_operands = 0 : i64, tpu.core_type = #tpu.core_type<tc>, window_params = [{transform_indices = @transform_0, window_bounds = array<i64: 1, 1024, 128>}, {transform_indices = @transform_1, window_bounds = array<i64: 1, 1, 1024, 128>}, {transform_indices = @transform_2, window_bounds = array<i64: 1, 1, 1024, 128>}, {pipeline_mode = #tpu.pipeline_mode<synchronous>, transform_indices = @transform_3, window_bounds = array<i64: 1, 128>}, {pipeline_mode = #tpu.pipeline_mode<synchronous>, transform_indices = @transform_4, window_bounds = array<i64: 128, 128>}, {transform_indices = @transform_5, window_bounds = array<i64: 1024, 128>}]} {
    %get3A = arith.constant 0 : index
    %get3A_0 = arith.constant 0 : index
    %get3A_1 = arith.constant 0 : index
    %get3A_2 = arith.constant 0 : index
    %get3A_3 = vector.load %arg2[%get3A, %get3A_0, %get3A_1, %get3A_2] : memref<1x1x1024x128xf32, #tpu.memory_space<vmem>>, vector<1x1x1024x1xf32>
    %get3A_4 = vector.shape_cast %get3A_3 : vector<1x1x1024x1xf32> to vector<1024x1xf32>
    %gt3A = arith.constant 0.000000e+00 : f32
    %gt3A_5 = vector.broadcast %gt3A : f32 to vector<1024x1xf32>
    %gt3A_6 = arith.cmpf ogt, %get3A_4, %gt3A_5 : vector<1024x1xf32>
    %max3A = arith.constant 1.000000e+00 : f32
    %max3A_7 = vector.broadcast %max3A : f32 to vector<1024x1xf32>
    %max3A_8 = arith.maximumf %get3A_4, %max3A_7 : vector<1024x1xf32>
    %rsqrt3A = math.rsqrt %max3A_8 : vector<1024x1xf32>
    %jit3A = arith.constant 0.000000e+00 : f32
    %broadcast_in_dim3A = vector.broadcast %jit3A : f32 to vector<1024x1xf32>
    %select_n3A = arith.select %gt3A_6, %rsqrt3A, %broadcast_in_dim3A : vector<1024x1xi1>, vector<1024x1xf32>
    %get3A_9 = arith.constant 0 : index
    %get3A_10 = arith.constant 0 : index
    %get3A_11 = arith.constant 0 : index
    %get3A_12 = arith.constant 0 : index
    %get3A_13 = vector.load %arg3[%get3A_9, %get3A_10, %get3A_11, %get3A_12] : memref<1x1x1024x128xf32, #tpu.memory_space<vmem>>, vector<1x1x1024x1xf32>
    %get3A_14 = vector.shape_cast %get3A_13 : vector<1x1x1024x1xf32> to vector<1024x1xf32>
    %gt3A_15 = arith.constant 0.000000e+00 : f32
    %gt3A_16 = vector.broadcast %gt3A_15 : f32 to vector<1024x1xf32>
    %gt3A_17 = arith.cmpf ogt, %get3A_14, %gt3A_16 : vector<1024x1xf32>
    %max3A_18 = arith.constant 1.000000e+00 : f32
    %max3A_19 = vector.broadcast %max3A_18 : f32 to vector<1024x1xf32>
    %max3A_20 = arith.maximumf %get3A_14, %max3A_19 : vector<1024x1xf32>
    %rsqrt3A_21 = math.rsqrt %max3A_20 : vector<1024x1xf32>
    %jit3A_22 = arith.constant 0.000000e+00 : f32
    %broadcast_in_dim3A_23 = vector.broadcast %jit3A_22 : f32 to vector<1024x1xf32>
    %select_n3A_24 = arith.select %gt3A_17, %rsqrt3A_21, %broadcast_in_dim3A_23 : vector<1024x1xi1>, vector<1024x1xf32>
    %get3A_25 = arith.constant 0 : index
    %get3A_26 = arith.constant 0 : index
    %get3A_27 = arith.constant 0 : index
    %get3A_28 = vector.load %arg1[%get3A_25, %get3A_26, %get3A_27] : memref<1x1024x128xf32, #tpu.memory_space<vmem>>, vector<1x1024x128xf32>
    %get3A_29 = vector.shape_cast %get3A_28 : vector<1x1024x128xf32> to vector<1024x128xf32>
    %mul3A = vector.broadcast %select_n3A : vector<1024x1xf32> to vector<1024x128xf32>
    %mul3A_30 = arith.mulf %get3A_29, %mul3A : vector<1024x128xf32>
    %get3A_31 = arith.constant 0 : index
    %get3A_32 = arith.constant 0 : index
    %get3A_33 = vector.load %arg4[%get3A_31, %get3A_32] : memref<1x128xf32, #tpu.memory_space<vmem>>, vector<1x128xf32>
    %add3A = vector.broadcast %get3A_33 : vector<1x128xf32> to vector<1024x128xf32>
    %add3A_34 = arith.addf %mul3A_30, %add3A : vector<1024x128xf32>
    %max3A_35 = arith.constant 0.000000e+00 : f32
    %max3A_36 = vector.broadcast %max3A_35 : f32 to vector<1024x128xf32>
    %max3A_37 = arith.maximumf %add3A_34, %max3A_36 : vector<1024x128xf32>
    %mul3A_38 = vector.broadcast %select_n3A_24 : vector<1024x1xf32> to vector<1024x128xf32>
    %mul3A_39 = arith.mulf %max3A_37, %mul3A_38 : vector<1024x128xf32>
    %get3A_40 = arith.constant 0 : index
    %get3A_41 = arith.constant 0 : index
    %get3A_42 = vector.load %arg5[%get3A_40, %get3A_41] : memref<128x128xf32, #tpu.memory_space<vmem>>, vector<128x128xf32>
    %dot_general3A = arith.constant dense<0.000000e+00> : vector<1024x128xf32>
    %dot_general3A_43 = tpu.matmul %mul3A_39, %get3A_42, %dot_general3A {dimension_numbers = #tpu.dot_dimension_numbers<[1], [0], [0], [1], [0, 0, 1, 1], [], []>, transpose_lhs_hint = false} : vector<1024x128xf32>, vector<128x128xf32>, vector<1024x128xf32> -> vector<1024x128xf32>
    %swap3A = arith.constant 0 : index
    %swap3A_44 = arith.constant 0 : index
    %swap3A_45 = vector.load %arg6[%swap3A, %swap3A_44] : memref<1024x128xf32, #tpu.memory_space<vmem>>, vector<1024x128xf32>
    tpu.vector_store %arg6[%swap3A, %swap3A_44], %dot_general3A_43 {strides = array<i32>} : memref<1024x128xf32, #tpu.memory_space<vmem>>, vector<1024x128xf32>,
    return
  }
  func.func @transform_0(%arg0: i32) -> (i32, i32, i32) {
    %jit3A = arith.constant 5 : i32
    %div3A = arith.divsi %arg0, %jit3A : i32
    %sign3A = arith.constant 0 : i32
    %sign3A_0 = arith.cmpi sgt, %arg0, %sign3A : i32
    %sign3A_1 = arith.extui %sign3A_0 : i1 to i32
    %sign3A_2 = arith.constant 0 : i32
    %sign3A_3 = arith.cmpi slt, %arg0, %sign3A_2 : i32
    %sign3A_4 = arith.extui %sign3A_3 : i1 to i32
    %sign3A_5 = arith.subi %sign3A_1, %sign3A_4 : i32
    %sign3A_6 = arith.constant 0 : i32
    %sign3A_7 = arith.cmpi sgt, %jit3A, %sign3A_6 : i32
    %sign3A_8 = arith.extui %sign3A_7 : i1 to i32
    %sign3A_9 = arith.constant 0 : i32
    %sign3A_10 = arith.cmpi slt, %jit3A, %sign3A_9 : i32
    %sign3A_11 = arith.extui %sign3A_10 : i1 to i32
    %sign3A_12 = arith.subi %sign3A_8, %sign3A_11 : i32
    %ne3A = arith.cmpi ne, %sign3A_5, %sign3A_12 : i32
    %rem3A = arith.remsi %arg0, %jit3A : i32
    %ne3A_13 = arith.constant 0 : i32
    %ne3A_14 = arith.cmpi ne, %rem3A, %ne3A_13 : i32
    %and3A = arith.andi %ne3A, %ne3A_14 : i1
    %sub3A = arith.constant 1 : i32
    %sub3A_15 = arith.subi %div3A, %sub3A : i32
    %select_n3A = arith.select %and3A, %sub3A_15, %div3A : i32
    %jit3A_16 = arith.constant 5 : i32
    %eq3A = arith.constant 0 : i32
    %eq3A_17 = arith.cmpi eq, %jit3A_16, %eq3A : i32
    %jit3A_18 = arith.constant 1 : i32
    %select_n3A_19 = arith.select %eq3A_17, %jit3A_18, %jit3A_16 : i32
    %rem3A_20 = arith.remsi %arg0, %select_n3A_19 : i32
    %ne3A_21 = arith.constant 0 : i32
    %ne3A_22 = arith.cmpi ne, %rem3A_20, %ne3A_21 : i32
    %lt3A = arith.constant 0 : i32
    %lt3A_23 = arith.cmpi slt, %rem3A_20, %lt3A : i32
    %lt3A_24 = arith.constant 0 : i32
    %lt3A_25 = arith.cmpi slt, %select_n3A_19, %lt3A_24 : i32
    %ne3A_26 = arith.xori %lt3A_23, %lt3A_25 : i1
    %and3A_27 = arith.andi %ne3A_26, %ne3A_22 : i1
    %add3A = arith.addi %rem3A_20, %select_n3A_19 : i32
    %select_n3A_28 = arith.select %and3A_27, %add3A, %rem3A_20 : i32
    %c0_i32 = arith.constant 0 : i32
    %c0_i32_29 = arith.constant 0 : i32
    return %select_n3A, %select_n3A_28, %c0_i32 : i32, i32, i32
  }
  func.func @transform_1(%arg0: i32) -> (i32, i32, i32, i32) {
    %jit3A = arith.constant 5 : i32
    %div3A = arith.divsi %arg0, %jit3A : i32
    %sign3A = arith.constant 0 : i32
    %sign3A_0 = arith.cmpi sgt, %arg0, %sign3A : i32
    %sign3A_1 = arith.extui %sign3A_0 : i1 to i32
    %sign3A_2 = arith.constant 0 : i32
    %sign3A_3 = arith.cmpi slt, %arg0, %sign3A_2 : i32
    %sign3A_4 = arith.extui %sign3A_3 : i1 to i32
    %sign3A_5 = arith.subi %sign3A_1, %sign3A_4 : i32
    %sign3A_6 = arith.constant 0 : i32
    %sign3A_7 = arith.cmpi sgt, %jit3A, %sign3A_6 : i32
    %sign3A_8 = arith.extui %sign3A_7 : i1 to i32
    %sign3A_9 = arith.constant 0 : i32
    %sign3A_10 = arith.cmpi slt, %jit3A, %sign3A_9 : i32
    %sign3A_11 = arith.extui %sign3A_10 : i1 to i32
    %sign3A_12 = arith.subi %sign3A_8, %sign3A_11 : i32
    %ne3A = arith.cmpi ne, %sign3A_5, %sign3A_12 : i32
    %rem3A = arith.remsi %arg0, %jit3A : i32
    %ne3A_13 = arith.constant 0 : i32
    %ne3A_14 = arith.cmpi ne, %rem3A, %ne3A_13 : i32
    %and3A = arith.andi %ne3A, %ne3A_14 : i1
    %sub3A = arith.constant 1 : i32
    %sub3A_15 = arith.subi %div3A, %sub3A : i32
    %select_n3A = arith.select %and3A, %sub3A_15, %div3A : i32
    %jit3A_16 = arith.constant 5 : i32
    %eq3A = arith.constant 0 : i32
    %eq3A_17 = arith.cmpi eq, %jit3A_16, %eq3A : i32
    %jit3A_18 = arith.constant 1 : i32
    %select_n3A_19 = arith.select %eq3A_17, %jit3A_18, %jit3A_16 : i32
    %rem3A_20 = arith.remsi %arg0, %select_n3A_19 : i32
    %ne3A_21 = arith.constant 0 : i32
    %ne3A_22 = arith.cmpi ne, %rem3A_20, %ne3A_21 : i32
    %lt3A = arith.constant 0 : i32
    %lt3A_23 = arith.cmpi slt, %rem3A_20, %lt3A : i32
    %lt3A_24 = arith.constant 0 : i32
    %lt3A_25 = arith.cmpi slt, %select_n3A_19, %lt3A_24 : i32
    %ne3A_26 = arith.xori %lt3A_23, %lt3A_25 : i1
    %and3A_27 = arith.andi %ne3A_26, %ne3A_22 : i1
    %add3A = arith.addi %rem3A_20, %select_n3A_19 : i32
    %select_n3A_28 = arith.select %and3A_27, %add3A, %rem3A_20 : i32
    %c1_i32 = arith.constant 1 : i32
    %c0_i32 = arith.constant 0 : i32
    %c0_i32_29 = arith.constant 0 : i32
    return %c1_i32, %select_n3A, %select_n3A_28, %c0_i32 : i32, i32, i32, i32
  }
  func.func @transform_2(%arg0: i32) -> (i32, i32, i32, i32) {
    %jit3A = arith.constant 5 : i32
    %div3A = arith.divsi %arg0, %jit3A : i32
    %sign3A = arith.constant 0 : i32
    %sign3A_0 = arith.cmpi sgt, %arg0, %sign3A : i32
    %sign3A_1 = arith.extui %sign3A_0 : i1 to i32
    %sign3A_2 = arith.constant 0 : i32
    %sign3A_3 = arith.cmpi slt, %arg0, %sign3A_2 : i32
    %sign3A_4 = arith.extui %sign3A_3 : i1 to i32
    %sign3A_5 = arith.subi %sign3A_1, %sign3A_4 : i32
    %sign3A_6 = arith.constant 0 : i32
    %sign3A_7 = arith.cmpi sgt, %jit3A, %sign3A_6 : i32
    %sign3A_8 = arith.extui %sign3A_7 : i1 to i32
    %sign3A_9 = arith.constant 0 : i32
    %sign3A_10 = arith.cmpi slt, %jit3A, %sign3A_9 : i32
    %sign3A_11 = arith.extui %sign3A_10 : i1 to i32
    %sign3A_12 = arith.subi %sign3A_8, %sign3A_11 : i32
    %ne3A = arith.cmpi ne, %sign3A_5, %sign3A_12 : i32
    %rem3A = arith.remsi %arg0, %jit3A : i32
    %ne3A_13 = arith.constant 0 : i32
    %ne3A_14 = arith.cmpi ne, %rem3A, %ne3A_13 : i32
    %and3A = arith.andi %ne3A, %ne3A_14 : i1
    %sub3A = arith.constant 1 : i32
    %sub3A_15 = arith.subi %div3A, %sub3A : i32
    %select_n3A = arith.select %and3A, %sub3A_15, %div3A : i32
    %jit3A_16 = arith.constant 5 : i32
    %eq3A = arith.constant 0 : i32
    %eq3A_17 = arith.cmpi eq, %jit3A_16, %eq3A : i32
    %jit3A_18 = arith.constant 1 : i32
    %select_n3A_19 = arith.select %eq3A_17, %jit3A_18, %jit3A_16 : i32
    %rem3A_20 = arith.remsi %arg0, %select_n3A_19 : i32
    %ne3A_21 = arith.constant 0 : i32
    %ne3A_22 = arith.cmpi ne, %rem3A_20, %ne3A_21 : i32
    %lt3A = arith.constant 0 : i32
    %lt3A_23 = arith.cmpi slt, %rem3A_20, %lt3A : i32
    %lt3A_24 = arith.constant 0 : i32
    %lt3A_25 = arith.cmpi slt, %select_n3A_19, %lt3A_24 : i32
    %ne3A_26 = arith.xori %lt3A_23, %lt3A_25 : i1
    %and3A_27 = arith.andi %ne3A_26, %ne3A_22 : i1
    %add3A = arith.addi %rem3A_20, %select_n3A_19 : i32
    %select_n3A_28 = arith.select %and3A_27, %add3A, %rem3A_20 : i32
    %c0_i32 = arith.constant 0 : i32
    %c0_i32_29 = arith.constant 0 : i32
    %c0_i32_30 = arith.constant 0 : i32
    return %c0_i32, %select_n3A, %select_n3A_28, %c0_i32_29 : i32, i32, i32, i32
  }
  func.func @transform_3(%arg0: i32) -> (i32, i32) {
    %c0_i32 = arith.constant 0 : i32
    %c0_i32_0 = arith.constant 0 : i32
    %c0_i32_1 = arith.constant 0 : i32
    return %c0_i32, %c0_i32_0 : i32, i32
  }
  func.func @transform_4(%arg0: i32) -> (i32, i32) {
    %c0_i32 = arith.constant 0 : i32
    %c0_i32_0 = arith.constant 0 : i32
    %c0_i32_1 = arith.constant 0 : i32
    return %c0_i32, %c0_i32_0 : i32, i32
  }
  func.func @transform_5(%arg0: i32) -> (i32, i32) {
    %c0_i32 = arith.constant 0 : i32
    %c0_i32_0 = arith.constant 0 : i32
    return %arg0, %c0_i32 : i32, i32
  }
}

module attributes {stable_mosaic.version = 14 : i64} {
  func.func @_tc3_body(%arg0: i32, %arg1: memref<1x1024x128xf32, #tpu.memory_space<vmem>>, %arg2: memref<1x1x1024x128xf32, #tpu.memory_space<vmem>>, %arg3: memref<1x128xf32, #tpu.memory_space<vmem>>, %arg4: memref<3x128x64xf32, #tpu.memory_space<vmem>>, %arg5: memref<3x64xf32, #tpu.memory_space<vmem>>, %arg6: memref<3x1xf32, #tpu.memory_space<vmem>>, %arg7: memref<1024x64xf32, #tpu.memory_space<vmem>>) attributes {dimension_semantics = [#tpu.dimension_semantics<arbitrary>], iteration_bounds = array<i64: 10>, scalar_prefetch = 0 : i64, scratch_operands = 0 : i64, tpu.core_type = #tpu.core_type<tc>, window_params = [{transform_indices = @transform_0, window_bounds = array<i64: 1, 1024, 128>}, {transform_indices = @transform_1, window_bounds = array<i64: 1, 1, 1024, 128>}, {pipeline_mode = #tpu.pipeline_mode<synchronous>, transform_indices = @transform_2, window_bounds = array<i64: 1, 128>}, {pipeline_mode = #tpu.pipeline_mode<synchronous>, transform_indices = @transform_3, window_bounds = array<i64: 3, 128, 64>}, {pipeline_mode = #tpu.pipeline_mode<synchronous>, transform_indices = @transform_4, window_bounds = array<i64: 3, 64>}, {pipeline_mode = #tpu.pipeline_mode<synchronous>, transform_indices = @transform_5, window_bounds = array<i64: 3, 1>}, {transform_indices = @transform_6, window_bounds = array<i64: 1024, 64>}]} {
    %get3A = arith.constant 0 : index
    %get3A_0 = arith.constant 0 : index
    %get3A_1 = arith.constant 0 : index
    %get3A_2 = arith.constant 0 : index
    %get3A_3 = vector.load %arg2[%get3A, %get3A_0, %get3A_1, %get3A_2] : memref<1x1x1024x128xf32, #tpu.memory_space<vmem>>, vector<1x1x1024x1xf32>
    %get3A_4 = vector.shape_cast %get3A_3 : vector<1x1x1024x1xf32> to vector<1024x1xf32>
    %gt3A = arith.constant 0.000000e+00 : f32
    %gt3A_5 = vector.broadcast %gt3A : f32 to vector<1024x1xf32>
    %gt3A_6 = arith.cmpf ogt, %get3A_4, %gt3A_5 : vector<1024x1xf32>
    %max3A = arith.constant 1.000000e+00 : f32
    %max3A_7 = vector.broadcast %max3A : f32 to vector<1024x1xf32>
    %max3A_8 = arith.maximumf %get3A_4, %max3A_7 : vector<1024x1xf32>
    %rsqrt3A = math.rsqrt %max3A_8 : vector<1024x1xf32>
    %jit3A = arith.constant 0.000000e+00 : f32
    %broadcast_in_dim3A = vector.broadcast %jit3A : f32 to vector<1024x1xf32>
    %select_n3A = arith.select %gt3A_6, %rsqrt3A, %broadcast_in_dim3A : vector<1024x1xi1>, vector<1024x1xf32>
    %get3A_9 = arith.constant 0 : index
    %get3A_10 = arith.constant 0 : index
    %get3A_11 = arith.constant 0 : index
    %get3A_12 = vector.load %arg1[%get3A_9, %get3A_10, %get3A_11] : memref<1x1024x128xf32, #tpu.memory_space<vmem>>, vector<1x1024x128xf32>
    %get3A_13 = vector.shape_cast %get3A_12 : vector<1x1024x128xf32> to vector<1024x128xf32>
    %mul3A = vector.broadcast %select_n3A : vector<1024x1xf32> to vector<1024x128xf32>
    %mul3A_14 = arith.mulf %get3A_13, %mul3A : vector<1024x128xf32>
    %get3A_15 = arith.constant 0 : index
    %get3A_16 = arith.constant 0 : index
    %get3A_17 = vector.load %arg3[%get3A_15, %get3A_16] : memref<1x128xf32, #tpu.memory_space<vmem>>, vector<1x128xf32>
    %add3A = vector.broadcast %get3A_17 : vector<1x128xf32> to vector<1024x128xf32>
    %add3A_18 = arith.addf %mul3A_14, %add3A : vector<1024x128xf32>
    %max3A_19 = arith.constant 0.000000e+00 : f32
    %max3A_20 = vector.broadcast %max3A_19 : f32 to vector<1024x128xf32>
    %max3A_21 = arith.maximumf %add3A_18, %max3A_20 : vector<1024x128xf32>
    %get3A_22 = arith.constant 0 : index
    %get3A_23 = arith.constant 0 : index
    %get3A_24 = vector.load %arg6[%get3A_22, %get3A_23] : memref<3x1xf32, #tpu.memory_space<vmem>>, vector<3x1xf32>
    %reduce_max3A = arith.constant dense<0xFF800000> : vector<1xf32>
    %reduce_max3A_25 = vector.multi_reduction <maximumf>, %get3A_24, %reduce_max3A [0] : vector<3x1xf32> to vector<1xf32>
    %broadcast_in_dim3A_26 = vector.shape_cast %reduce_max3A_25 : vector<1xf32> to vector<1x1xf32>
    %sub3A = vector.broadcast %broadcast_in_dim3A_26 : vector<1x1xf32> to vector<3x1xf32>
    %sub3A_27 = arith.subf %get3A_24, %sub3A : vector<3x1xf32>
    %exp3A = math.exp %sub3A_27 : vector<3x1xf32>
    %reduce_sum3A = arith.constant dense<0.000000e+00> : vector<1xf32>
    %reduce_sum3A_28 = vector.multi_reduction <add>, %exp3A, %reduce_sum3A [0] : vector<3x1xf32> to vector<1xf32>
    %broadcast_in_dim3A_29 = vector.shape_cast %reduce_sum3A_28 : vector<1xf32> to vector<1x1xf32>
    %div3A = vector.broadcast %broadcast_in_dim3A_29 : vector<1x1xf32> to vector<3x1xf32>
    %div3A_30 = arith.divf %exp3A, %div3A : vector<3x1xf32>
    %get3A_31 = arith.constant 0 : index
    %get3A_32 = arith.constant 0 : index
    %get3A_33 = arith.constant 0 : index
    %get3A_34 = vector.load %arg4[%get3A_31, %get3A_32, %get3A_33] : memref<3x128x64xf32, #tpu.memory_space<vmem>>, vector<3x128x64xf32>
    %broadcast_in_dim3A_35 = vector.shape_cast %div3A_30 : vector<3x1xf32> to vector<3x1x1xf32>
    %mul3A_36 = vector.broadcast %broadcast_in_dim3A_35 : vector<3x1x1xf32> to vector<3x128x64xf32>
    %mul3A_37 = arith.mulf %get3A_34, %mul3A_36 : vector<3x128x64xf32>
    %reduce_sum3A_38 = arith.constant dense<0.000000e+00> : vector<128x64xf32>
    %reduce_sum3A_39 = vector.multi_reduction <add>, %mul3A_37, %reduce_sum3A_38 [0] : vector<3x128x64xf32> to vector<128x64xf32>
    %get3A_40 = arith.constant 0 : index
    %get3A_41 = arith.constant 0 : index
    %get3A_42 = vector.load %arg5[%get3A_40, %get3A_41] : memref<3x64xf32, #tpu.memory_space<vmem>>, vector<3x64xf32>
    %mul3A_43 = vector.broadcast %div3A_30 : vector<3x1xf32> to vector<3x64xf32>
    %mul3A_44 = arith.mulf %get3A_42, %mul3A_43 : vector<3x64xf32>
    %reduce_sum3A_45 = arith.constant dense<0.000000e+00> : vector<64xf32>
    %reduce_sum3A_46 = vector.multi_reduction <add>, %mul3A_44, %reduce_sum3A_45 [0] : vector<3x64xf32> to vector<64xf32>
    %broadcast_in_dim3A_47 = vector.shape_cast %reduce_sum3A_46 : vector<64xf32> to vector<1x64xf32>
    %dot_general3A = arith.constant dense<0.000000e+00> : vector<1024x64xf32>
    %dot_general3A_48 = tpu.matmul %max3A_21, %reduce_sum3A_39, %dot_general3A {dimension_numbers = #tpu.dot_dimension_numbers<[1], [0], [0], [1], [0, 0, 1, 1], [], []>, transpose_lhs_hint = false} : vector<1024x128xf32>, vector<128x64xf32>, vector<1024x64xf32> -> vector<1024x64xf32>
    %add3A_49 = vector.broadcast %broadcast_in_dim3A_47 : vector<1x64xf32> to vector<1024x64xf32>
    %add3A_50 = arith.addf %dot_general3A_48, %add3A_49 : vector<1024x64xf32>
    %reduce_max3A_51 = arith.constant dense<0xFF800000> : vector<1024xf32>
    %reduce_max3A_52 = vector.multi_reduction <maximumf>, %add3A_50, %reduce_max3A_51 [1] : vector<1024x64xf32> to vector<1024xf32>
    %broadcast_in_dim3A_53 = vector.shape_cast %reduce_max3A_52 : vector<1024xf32> to vector<1024x1xf32>
    %sub3A_54 = vector.broadcast %broadcast_in_dim3A_53 : vector<1024x1xf32> to vector<1024x64xf32>
    %sub3A_55 = arith.subf %add3A_50, %sub3A_54 : vector<1024x64xf32>
    %exp3A_56 = math.exp %sub3A_55 : vector<1024x64xf32>
    %reduce_sum3A_57 = arith.constant dense<0.000000e+00> : vector<1024xf32>
    %reduce_sum3A_58 = vector.multi_reduction <add>, %exp3A_56, %reduce_sum3A_57 [1] : vector<1024x64xf32> to vector<1024xf32>
    %broadcast_in_dim3A_59 = vector.shape_cast %reduce_sum3A_58 : vector<1024xf32> to vector<1024x1xf32>
    %log3A = math.log %broadcast_in_dim3A_59 : vector<1024x1xf32>
    %add3A_60 = arith.addf %broadcast_in_dim3A_53, %log3A : vector<1024x1xf32>
    %sub3A_61 = vector.broadcast %add3A_60 : vector<1024x1xf32> to vector<1024x64xf32>
    %sub3A_62 = arith.subf %add3A_50, %sub3A_61 : vector<1024x64xf32>
    %swap3A = arith.constant 0 : index
    %swap3A_63 = arith.constant 0 : index
    %swap3A_64 = vector.load %arg7[%swap3A, %swap3A_63] : memref<1024x64xf32, #tpu.memory_space<vmem>>, vector<1024x64xf32>
    tpu.vector_store %arg7[%swap3A, %swap3A_63], %sub3A_62 {strides = array<i32>} : memref<1024x64xf32, #tpu.memory_space<vmem>>, vector<1024x64xf32>,
    return
  }
  func.func @transform_0(%arg0: i32) -> (i32, i32, i32) {
    %jit3A = arith.constant 5 : i32
    %div3A = arith.divsi %arg0, %jit3A : i32
    %sign3A = arith.constant 0 : i32
    %sign3A_0 = arith.cmpi sgt, %arg0, %sign3A : i32
    %sign3A_1 = arith.extui %sign3A_0 : i1 to i32
    %sign3A_2 = arith.constant 0 : i32
    %sign3A_3 = arith.cmpi slt, %arg0, %sign3A_2 : i32
    %sign3A_4 = arith.extui %sign3A_3 : i1 to i32
    %sign3A_5 = arith.subi %sign3A_1, %sign3A_4 : i32
    %sign3A_6 = arith.constant 0 : i32
    %sign3A_7 = arith.cmpi sgt, %jit3A, %sign3A_6 : i32
    %sign3A_8 = arith.extui %sign3A_7 : i1 to i32
    %sign3A_9 = arith.constant 0 : i32
    %sign3A_10 = arith.cmpi slt, %jit3A, %sign3A_9 : i32
    %sign3A_11 = arith.extui %sign3A_10 : i1 to i32
    %sign3A_12 = arith.subi %sign3A_8, %sign3A_11 : i32
    %ne3A = arith.cmpi ne, %sign3A_5, %sign3A_12 : i32
    %rem3A = arith.remsi %arg0, %jit3A : i32
    %ne3A_13 = arith.constant 0 : i32
    %ne3A_14 = arith.cmpi ne, %rem3A, %ne3A_13 : i32
    %and3A = arith.andi %ne3A, %ne3A_14 : i1
    %sub3A = arith.constant 1 : i32
    %sub3A_15 = arith.subi %div3A, %sub3A : i32
    %select_n3A = arith.select %and3A, %sub3A_15, %div3A : i32
    %jit3A_16 = arith.constant 5 : i32
    %eq3A = arith.constant 0 : i32
    %eq3A_17 = arith.cmpi eq, %jit3A_16, %eq3A : i32
    %jit3A_18 = arith.constant 1 : i32
    %select_n3A_19 = arith.select %eq3A_17, %jit3A_18, %jit3A_16 : i32
    %rem3A_20 = arith.remsi %arg0, %select_n3A_19 : i32
    %ne3A_21 = arith.constant 0 : i32
    %ne3A_22 = arith.cmpi ne, %rem3A_20, %ne3A_21 : i32
    %lt3A = arith.constant 0 : i32
    %lt3A_23 = arith.cmpi slt, %rem3A_20, %lt3A : i32
    %lt3A_24 = arith.constant 0 : i32
    %lt3A_25 = arith.cmpi slt, %select_n3A_19, %lt3A_24 : i32
    %ne3A_26 = arith.xori %lt3A_23, %lt3A_25 : i1
    %and3A_27 = arith.andi %ne3A_26, %ne3A_22 : i1
    %add3A = arith.addi %rem3A_20, %select_n3A_19 : i32
    %select_n3A_28 = arith.select %and3A_27, %add3A, %rem3A_20 : i32
    %c0_i32 = arith.constant 0 : i32
    %c0_i32_29 = arith.constant 0 : i32
    return %select_n3A, %select_n3A_28, %c0_i32 : i32, i32, i32
  }
  func.func @transform_1(%arg0: i32) -> (i32, i32, i32, i32) {
    %jit3A = arith.constant 5 : i32
    %div3A = arith.divsi %arg0, %jit3A : i32
    %sign3A = arith.constant 0 : i32
    %sign3A_0 = arith.cmpi sgt, %arg0, %sign3A : i32
    %sign3A_1 = arith.extui %sign3A_0 : i1 to i32
    %sign3A_2 = arith.constant 0 : i32
    %sign3A_3 = arith.cmpi slt, %arg0, %sign3A_2 : i32
    %sign3A_4 = arith.extui %sign3A_3 : i1 to i32
    %sign3A_5 = arith.subi %sign3A_1, %sign3A_4 : i32
    %sign3A_6 = arith.constant 0 : i32
    %sign3A_7 = arith.cmpi sgt, %jit3A, %sign3A_6 : i32
    %sign3A_8 = arith.extui %sign3A_7 : i1 to i32
    %sign3A_9 = arith.constant 0 : i32
    %sign3A_10 = arith.cmpi slt, %jit3A, %sign3A_9 : i32
    %sign3A_11 = arith.extui %sign3A_10 : i1 to i32
    %sign3A_12 = arith.subi %sign3A_8, %sign3A_11 : i32
    %ne3A = arith.cmpi ne, %sign3A_5, %sign3A_12 : i32
    %rem3A = arith.remsi %arg0, %jit3A : i32
    %ne3A_13 = arith.constant 0 : i32
    %ne3A_14 = arith.cmpi ne, %rem3A, %ne3A_13 : i32
    %and3A = arith.andi %ne3A, %ne3A_14 : i1
    %sub3A = arith.constant 1 : i32
    %sub3A_15 = arith.subi %div3A, %sub3A : i32
    %select_n3A = arith.select %and3A, %sub3A_15, %div3A : i32
    %jit3A_16 = arith.constant 5 : i32
    %eq3A = arith.constant 0 : i32
    %eq3A_17 = arith.cmpi eq, %jit3A_16, %eq3A : i32
    %jit3A_18 = arith.constant 1 : i32
    %select_n3A_19 = arith.select %eq3A_17, %jit3A_18, %jit3A_16 : i32
    %rem3A_20 = arith.remsi %arg0, %select_n3A_19 : i32
    %ne3A_21 = arith.constant 0 : i32
    %ne3A_22 = arith.cmpi ne, %rem3A_20, %ne3A_21 : i32
    %lt3A = arith.constant 0 : i32
    %lt3A_23 = arith.cmpi slt, %rem3A_20, %lt3A : i32
    %lt3A_24 = arith.constant 0 : i32
    %lt3A_25 = arith.cmpi slt, %select_n3A_19, %lt3A_24 : i32
    %ne3A_26 = arith.xori %lt3A_23, %lt3A_25 : i1
    %and3A_27 = arith.andi %ne3A_26, %ne3A_22 : i1
    %add3A = arith.addi %rem3A_20, %select_n3A_19 : i32
    %select_n3A_28 = arith.select %and3A_27, %add3A, %rem3A_20 : i32
    %c1_i32 = arith.constant 1 : i32
    %c0_i32 = arith.constant 0 : i32
    %c0_i32_29 = arith.constant 0 : i32
    return %c1_i32, %select_n3A, %select_n3A_28, %c0_i32 : i32, i32, i32, i32
  }
  func.func @transform_2(%arg0: i32) -> (i32, i32) {
    %c0_i32 = arith.constant 0 : i32
    %c0_i32_0 = arith.constant 0 : i32
    %c0_i32_1 = arith.constant 0 : i32
    return %c0_i32, %c0_i32_0 : i32, i32
  }
  func.func @transform_3(%arg0: i32) -> (i32, i32, i32) {
    %c0_i32 = arith.constant 0 : i32
    %c0_i32_0 = arith.constant 0 : i32
    %c0_i32_1 = arith.constant 0 : i32
    %c0_i32_2 = arith.constant 0 : i32
    return %c0_i32, %c0_i32_0, %c0_i32_1 : i32, i32, i32
  }
  func.func @transform_4(%arg0: i32) -> (i32, i32) {
    %c0_i32 = arith.constant 0 : i32
    %c0_i32_0 = arith.constant 0 : i32
    %c0_i32_1 = arith.constant 0 : i32
    return %c0_i32, %c0_i32_0 : i32, i32
  }
  func.func @transform_5(%arg0: i32) -> (i32, i32) {
    %c0_i32 = arith.constant 0 : i32
    %c0_i32_0 = arith.constant 0 : i32
    %c0_i32_1 = arith.constant 0 : i32
    return %c0_i32, %c0_i32_0 : i32, i32
  }
  func.func @transform_6(%arg0: i32) -> (i32, i32) {
    %c0_i32 = arith.constant 0 : i32
    %c0_i32_0 = arith.constant 0 : i32
    return %arg0, %c0_i32 : i32, i32
  }
}

</mosaic_0001>

<sc_bundles>
// kernel: kernel.11.cloned.1.call-start
scs
__scs_entry_jumppad:
0x0: {  	(pc) =	sbr.rel $0x88, $3  }
0x1: {  	(tag) =	ssettag $0x0;
	lr =	simm.s32 $0x1  }
0x2: {  	[smem:$0x3F98] =	sst lr;
	_ =	strace $0xD0000000  }
0x3: {  	_ = 	snop  }
0x4: {  	_ = 	snop  }
0x5: {  	_ = 	snop  }
0x6: {  	_ = 	snop  }
0x7: {  	_ = 	snop  }
__scs_overlays_trampoline_lowered:
0x8: {  	[smem:$0x3FA7] =	sst s0  }
0x9: {  	[smem:$0x3FA8] =	sst s1  }
0xa: {  	[smem:$0x3FA9] =	sst s2  }
0xb: {  	[smem:$0x3FAA] =	sst s3  }
0xc: {  	[smem:$0x3FAB] =	sst s4  }
0xd: {  	[smem:$0x3FAC] =	sst s5  }
0xe: {  	[smem:$0x3FAD] =	sst s6  }
0xf: {  	[smem:$0x3FAE] =	sst s7  }
0x10: {  	[smem:$0x3FAF] =	sst s8  }
0x11: {  	[smem:$0x3FB0] =	sst s9;
	s0 =	simm.s32 @!p0 $0x0  }
0x12: {  	s1 =	sld [smem:$0x3F96];
	s0 =	simm.s32 @p0 $0x1  }
0x13: {  	[smem:$0x3FB1] =	sst s0;
	s0 =	simm.s32 @!p1 $0x0  }
0x14: {  	s2 =	sld [smem:$0x3F95];
	s0 =	simm.s32 @p1 $0x1  }
0x15: {  	[smem:$0x3FB2] =	sst s0;
	s0 =	simm.s32 @!p2 $0x0  }
0x16: {  	s3 =	sld [smem:$0x3FDB];
	s0 =	simm.s32 @p2 $0x1  }
0x17: {  	s4 =	simm.s32 $0x1BF5;
	[smem:$0x3FB4] =	sst s0  }
0x18: {  	s0 =	sld [smem:$0x3F97];
	_ =	swait.ge [sflag:s4], $0x0  }
0x19: {  	s7 =	sld [smem:$0x3F98]  }
0x1a: {  	s8 =	sadd.s32 $0xFFFFE003, lr  }
0x1b: {  	s9 =	sadd.s32 $0xFFFFFEF7, lr;
	s5 =	simm.s32 $0xFFFFFFFF;
	p2 =	slt.u32 s8, $0xFFFFF086  }
0x1c: {  	p1 =	slt.u32 s9, $0xF7A;
	s5 =	simm.s32 @!p2 $0x0  }
0x1d: {  	s5 =	simm.s32 @p1 $0x1;
	p0 =	seq.s32 s7, s2  }
0x1e: {  	s7 =	smul.u32 @!p0 $0xF7A, s2;
	p2 =	seq.s32 @!p0 s5, $0x0  }
0x1f: {  	s9 =	smul.u32 $0xF7A, s1;
	s8 =	simm.s32 @!p0 $0x1BF5;
	p2 =	por !p2, p0  }
0x20: {  	[sflag:s8] =	ssyncset.s32 @!p0 $0xFFFFF086;
	s6 =	sadd.s32 @!p0 s3, s7;
	s7 =	simm.s32 @!p0 $0x108  }
0x21: {  	s3 =	sadd.s32 s3, s9;
	s6 =	sadd.s32 @!p0 $0x88, s6;
	s7 =	simm.s32 @p2 $0x1082  }
0x22: {  	[simem:s7], [sflag:s8] =	dma.local @!p0 [hbm:s6], $0xF7A  }
0x23: {  	s9 =	sor.u32 $0xD0000000, s2;
	s6 =	simm.s32 $0x108;
	_ =	swait.ge @!p0 [sflag:s8], $0x0  }
0x24: {  	s3 =	sadd.s32 $0x88, s3;
	s6 =	simm.s32 @!p1 $0x1082;
	[sflag:s4] =	ssyncset.s32 $0xFFFFF086  }
0x25: {  	[simem:s6], [sflag:s4] =	dma.local [hbm:s3], $0xF7A  }
0x26: {  	[smem:$0x3F98] =	sst s1;
	(tag) =	ssettag s2;
	_ =	strace s9  }
0x27: {  	s1 =	sld [smem:$0x3FA8]  }
0x28: {  	s2 =	sld [smem:$0x3FA9]  }
0x29: {  	s4 =	sld [smem:$0x3FAB]  }
0x2a: {  	p0 =	seq.s32 s5, $0x0;
	s5 =	sld [smem:$0x3FAC]  }
0x2b: {  	s6 =	sld [smem:$0x3FAD]  }
0x2c: {  	s7 =	sld [smem:$0x3FAE]  }
0x2d: {  	s3 =	simm.s32 $0x108;
	s8 =	sld [smem:$0x3FAF]  }
0x2e: {  	s3 =	simm.s32 @!p0 $0x1082;
	s9 =	sld [smem:$0x3FB0]  }
0x2f: {  	lr =	sadd.s32 s0, s3;
	s0 =	sld [smem:$0x3FA7]  }
0x30: {  	s3 =	sld [smem:$0x3FAA]  }
0x31: {  	[smem:$0x3FB3] =	sst s10  }
0x32: {  	s10 =	sld [smem:$0x3FB1];
	_ =	sdelay $0x3  }
0x33: {  	p0 =	seq.s32 s10, $0x1;
	s10 =	sld [smem:$0x3FB3];
	_ =	sdelay $0x3  }
0x34: {  	[smem:$0x3FB3] =	sst s10  }
0x35: {  	s10 =	sld [smem:$0x3FB2];
	_ =	sdelay $0x3  }
0x36: {  	p1 =	seq.s32 s10, $0x1;
	s10 =	sld [smem:$0x3FB3];
	_ =	sdelay $0x3  }
0x37: {  	[smem:$0x3FB3] =	sst s10  }
0x38: {  	s10 =	sld [smem:$0x3FB4]  }
0x39: {  	_ = 	snop;
	(pc) =	sbr.ind lr, $3  }
0x3a: {  	_ = 	snop  }
0x3b: {  	_ = 	snop  }
0x3c: {  	p2 =	seq.s32 s10, $0x1;
	s10 =	sld [smem:$0x3FB3]  }
0x3d: {  	_ =	shalt  }
0x3e: {  	_ =	shalt  }
0x3f: {  	_ =	shalt  }
0x40: {  	_ =	shalt  }
0x41: {  	_ =	shalt  }
0x42: {  	_ =	shalt  }
0x43: {  	_ =	shalt  }
0x44: {  	_ =	shalt  }
0x45: {  	_ =	shalt  }
0x46: {  	_ =	shalt  }
0x47: {  	_ =	shalt  }
0x48: {  	_ =	shalt  }
0x49: {  	_ =	shalt  }
0x4a: {  	_ =	shalt  }
0x4b: {  	_ =	shalt  }
0x4c: {  	_ =	shalt  }
0x4d: {  	_ =	shalt  }
0x4e: {  	_ =	shalt  }
0x4f: {  	_ =	shalt  }
0x50: {  	_ =	shalt  }
0x51: {  	_ =	shalt  }
0x52: {  	_ =	shalt  }
0x53: {  	_ =	shalt  }
0x54: {  	_ =	shalt  }
0x55: {  	_ =	shalt  }
0x56: {  	_ =	shalt  }
0x57: {  	_ =	shalt  }
0x58: {  	_ =	shalt  }
0x59: {  	_ =	shalt  }
0x5a: {  	_ =	shalt  }
0x5b: {  	_ =	shalt  }
0x5c: {  	_ =	shalt  }
0x5d: {  	_ =	shalt  }
0x5e: {  	_ =	shalt  }
0x5f: {  	_ =	shalt  }
0x60: {  	_ =	shalt  }
0x61: {  	_ =	shalt  }
0x62: {  	_ =	shalt  }
0x63: {  	_ =	shalt  }
0x64: {  	_ =	shalt  }
0x65: {  	_ =	shalt  }
0x66: {  	_ =	shalt  }
0x67: {  	_ =	shalt  }
0x68: {  	_ =	shalt  }
0x69: {  	_ =	shalt  }
0x6a: {  	_ =	shalt  }
0x6b: {  	_ =	shalt  }
0x6c: {  	_ =	shalt  }
0x6d: {  	_ =	shalt  }
0x6e: {  	_ =	shalt  }
0x6f: {  	_ =	shalt  }
0x70: {  	_ =	shalt  }
0x71: {  	_ =	shalt  }
0x72: {  	_ =	shalt  }
0x73: {  	_ =	shalt  }
0x74: {  	_ =	shalt  }
0x75: {  	_ =	shalt  }
0x76: {  	_ =	shalt  }
0x77: {  	_ =	shalt  }
0x78: {  	_ =	shalt  }
0x79: {  	_ =	shalt  }
0x7a: {  	_ =	shalt  }
0x7b: {  	_ =	shalt  }
0x7c: {  	_ =	shalt  }
0x7d: {  	_ =	shalt  }
0x7e: {  	_ =	shalt  }
0x7f: {  	_ =	shalt  }
0x80: {  	_ =	shalt  }
0x81: {  	_ =	shalt  }
0x82: {  	_ =	shalt  }
0x83: {  	_ =	shalt  }
0x84: {  	_ =	shalt  }
0x85: {  	_ =	shalt  }
0x86: {  	_ =	shalt  }
0x87: {  	_ =	shalt  }
.Lfunc_end0:
.L_simem_size_0:
called_computation.1_lowered:
.L_overlay_start_0:
0x88: {  	s2 =	sld [smem:$0x3FD9]  }
0x89: {  	s3 =	sld [smem:$0x3FFE];
	_ =	sdelay $0x1  }
0x8a: {  	s1 =	srdreg.scid  }
0x8b: {  	s0 =	sand.u32 $0x1, s1  }
0x8c: {  	s17 =	sshll.u32 s0, $0xA;
	s2 =	sadd.s32 s3, s2  }
0x8d: {  	s2 =	sadd.s32 s2, s17  }
0x8e: {  	[smem:$0x3FBF] =	sst s2  }
0x8f: {  	_ = 	snop  }
0x90: {  	s2 =	sld [smem:$0x3FD0];
	(tm) =	ssettm $0x1  }
0x91: {  	s18 =	sld [smem:$0x3FFB];
	_ =	sdelay $0x3  }
0x92: {  	_ =	strace s18  }
0x93: {  	s3 =	sld [smem:$0x3FFC];
	_ =	sdelay $0x3  }
0x94: {  	_ =	strace s3  }
0x95: {  	s3 =	sld [smem:$0x3FFD];
	_ =	sdelay $0x3  }
0x96: {  	_ =	strace s3  }
0x97: {  	_ =	strace $0x8FFFFFFF  }
0x98: {  	s19 =	sld [smem:$0x3FDB];
	_ =	sdelay $0x1  }
0x99: {  	s4 =	simm.s32 $_scs_section_size  }
0x9a: {  	s5 =	simm.s32 $_size__tile_overlayer_lowered;
	s6 =	simm.s32 $_tile_overlayer_lowered  }
0x9b: {  	s22 =	simm.s32 $0x1BFF;
	s21 =	sshll.u32 s6, $0x1;
	s3 =	sadd.s32 s4, s19  }
0x9c: {  	s7 =	simm.s32 $0x0;
	s20 =	sshll.u32 s5, $0x1;
	s5 =	sadd.s32 s21, s3  }
0x9d: {  	[timem:s7], [sflag:s22] =	dma.local [hbm:s5], s20  }
0x9e: {  	_ =	swait.ge [sflag:s22], s20  }
0x9f: {  	s4 =	ssub.s32 $0x0, s20;
	[sflag:s22] =	ssyncset.done $0x0  }
0xa0: {  	[sflag:s22] =	ssyncadd.s32 s4;
	_ =	sdelay $0x1  }
0xa1: {  	s23 =	simm.s32 $0x1B8B  }
0xa2: {  	_ =	swait.ge [sflag:s23], $0x1  }
0xa3: {  	[sflag:s23] =	ssyncset.done $0x0  }
0xa4: {  	s25 =	simm.s32 $0x1B8E;
	s24 =	sld [smem:$0x3FFE];
	[sflag:s23] =	ssyncadd.s32 $0xFFFFFFFF  }
0xa5: {  	s26 =	simm.s32 $execute0_lowered;
	[smem:$0x3FD2] =	sst s25  }
0xa6: {  	s5 =	sshll.u32 s26, $0x1;
	_ =	strace $0x80000049;
	[dreg:$0x1] =	wrdreg $0xFFFFFFFF  }
0xa7: {  	s28 =	simm.s32 $_size_execute0_lowered;
	s3 =	sadd.s32 s3, s5;
	[dreg:$0x0] =	wrdreg $0x0  }
0xa8: {  	s5 =	sshll.u32 s28, $0x1;
	[dreg:$0x2] =	wrdreg s3  }
0xa9: {  	[dreg:$0x3] =	wrdreg s5  }
0xaa: {  	[dreg:$0x4] =	wrdreg $0xC0  }
0xab: {  	_ =	task [dreg:s7], $0x5FFFF  }
0xac: {  	[dreg:$0x1] =	wrdreg $0xFFFFFFFF  }
0xad: {  	[dreg:$0x0] =	wrdreg $0x60  }
0xae: {  	[dreg:$0x2] =	wrdreg s24  }
0xaf: {  	[dreg:$0x3] =	wrdreg s2  }
0xb0: {  	[dreg:$0x4] =	wrdreg $0x140000  }
0xb1: {  	[dreg:$0x5] =	wrdreg $0x9  }
0xb2: {  	_ =	task.clear_ibuf [dreg:s7], $0x6FFFF;
	_ =	strace $0x90000049  }
0xb3: {  	s29 =	simm.s32 $0x9;
	_ =	strace $0x8000004B  }
0xb4: {  	_ =	swait.ge [sflag:s29], $0x1  }
0xb5: {  	[sflag:s29] =	ssyncadd.s32 $0xFFFFFFFF  }
0xb6: {  	_ =	strace $0x9000004B  }
0xb7: {  	_ =	sfence  }
0xb8: {  	s30 =	sld [smem:$0x0];
	_ =	sdelay $0x2  }
0xb9: {  	s31 =	sshll.u32 s1, $0xD;
	s1 =	sshrl.u32 s1, $0x2  }
0xba: {  	s3 =	sand.u32 $0x4000, s31;
	s1 =	sadd.s32 s1, s30  }
0xbb: {  	s0 =	sor.u32 s3, s0;
	s1 =	sshll.u32 s1, $0x11  }
0xbc: {  	s0 =	sor.u32 s1, s0  }
0xbd: {  	s0 =	sadd.s32 $0x8F2B, s0  }
0xbe: {  	[sflag:s0] =	ssyncadd.remote.s32 $0x1  }
0xbf: {  	_ =	sfence.sel $0xFFFF  }
0xc0: {  	[dreg:$0x0] =	wrdreg $0xFFFFFFFF;
	(pc) =	sbr.abs _section_cstart, $3  }
0xc1: {  	[dreg:$0x1] =	wrdreg $0xFFFFFFFF  }
0xc2: {  	_ =	task.clear_ibuf [dreg:s7], $0x2FFFF;
	_ =	strace $0x9FFFFFFF  }
0xc3: {  	(tm) =	ssettm $0x7FFFFFFF  }
tec
execute0_lowered:
.L_overlay_start_1:
0x0: {  	(tag) =	ssettag $0x1  }
0x1: {  	s0 =	rddreg [dreg:$0x0]  }
0x2: {  	s1 =	rddreg [dreg:$0x1];
	s7 =	stileid.u32  }
0x3: {  	s3 =	srdreg.scid;
	s2 =	rddreg [dreg:$0x2]  }
0x4: {  	s4 =	simm.s32 $0x0;
	s15 =	simm.s32 $0x12000;
	s16 =	simm.s32 $0x9  }
0x5: {  	s18 =	simm.s32 $0x40;
	s19 =	simm.s32 $0xA000;
	s20 =	simm.s32 $0xC000  }
0x6: {  	s22 =	simm.s32 $0xE000;
	s24 =	simm.s32 $0x10000;
	s28 =	simm.s32 $0x3  }
0x7: {  	s29 =	simm.s32 $0x4;
	s30 =	simm.s32 $0x5;
	s11 =	smul.u32 $0xA00, s7  }
0x8: {  	s31 =	simm.s32 $0x6;
	s21 =	simm.s32 $0x0;
	s6 =	smul.u32 $0xC000, s7  }
0x9: {  	s3 =	sand.u32 $0x1, s3;
	[smem:$0x7FF] =	sst s4;
	s7 =	smul.u32 $0x30000, s7  }
0xa: {  	s4 =	sadd.s32 $0x80400, s0;
	s5 =	smul.u32 $0xC0000, s3;
	_ =	strace $0x8000004A  }
0xb: {  	s25 =	ssub.s32 $0x2, s3;
	s3 =	smul.u32 $0xFFFFEC00, s3;
	s12 =	sadd.s32 s11, s0  }
0xc: {  	s8 =	sshrl.u32 s25, $0x1;
	s7 =	sshrl.u32 s7, $0x2;
	s11 =	sadd.s32 s1, s11  }
0xd: {  	s1 =	simm.s32 $0x7;
	s5 =	sadd.s32 s6, s5;
	s14 =	ssub.s32 s25, s8  }
0xe: {  	s12 =	sadd.s32 $0x76400, s12;
	s25 =	simm.s32 $0x1;
	s5 =	sshrl.u32 s5, $0x3  }
0xf: {  	s14 =	smax.u32 s14, $0x1;
	s0 =	sadd.s32 s5, s0;
	s5 =	sadd.s32 s7, s2  }
0x10: {  	s26 =	sadd.s32 $0x2000, s5;
	s7 =	sadd.s32 $0x4000, s5;
	s8 =	sadd.s32 $0x6000, s5  }
0x11: {  	s9 =	sadd.s32 $0x8000, s5;
	s10 =	sadd.s32 $0xA000, s5;
	s13 =	sadd.s32 $0xA7600, s0  }
0x12: {  	v1 =	vimm.f32 $0.0e+00;
	v0 =	vmov s3;
	s0 =	simm.s32 $0x8;
	[dreg:$0x4] =	wrdreg s26;
	s26 =	simm.s32 $0x2  }
.LBB2_1:
0x13: {  	s6 =	simm.s32 $0x0  }
0x14: {  	s3 =	sand.u32 $0x7E00, s6  }
0x15: {  	s23 =	sand.u32 $0x70, s6;
	s3 =	sshrl.u32 s3, $0x2  }
0x16: {  	s17 =	simm.s32 $0x40;
	s3 =	sor.u32 s23, s3;
	s23 =	simm.s32 $0x0  }
.LBB2_2:
0x17: {  	p0 =	sne.s32 s17, $0x7FC0  }
0x18: {  	[tilespmem:s3+$0x12000] =	vst v1;
	s23 =	sadd.s32 $0x10, s23;
	s3 =	smov.u32 s17;
	s17 =	sadd.s32 $0x40, s17  }
.Ltmp0:
0x19: {  	(pc) =	sbr.rel @p0 .LBB2_2-.Ltmp0, $4  }
0x1a: {  	_ = 	snop  }
0x1b: {  	s3 =	sand.u32 $0x7E00, s3  }
0x1c: {  	s6 =	sand.u32 $0x70, s23;
	s3 =	sshrl.u32 s3, $0x2  }
0x1d: {  	s3 =	sor.u32 s6, s3  }
0x1e: {  	[tilespmem:s3+$0x12000] =	vst v1  }
0x1f: {  	[spmem:s5] =	stream.linear.scatter [tilespmem:s15], [sflag:$0x9], $0x2000, $0x38;
	v63 =	vld [tilespmem:$0x0]  }
0x20: {  	_ =	swait.ge [sflag:s16], $0x2000  }
0x21: {  	[sflag:s16] =	ssyncset.done $0x0  }
0x22: {  	s17 =	rddreg [dreg:$0x4];
	[sflag:s16] =	ssyncadd.s32 $0xFFFFE000  }
0x23: {  	[spmem:s17] =	stream.linear.scatter [tilespmem:s15], [sflag:$0x9], $0x2000, $0x38;
	v63 =	vld [tilespmem:$0x0]  }
0x24: {  	_ =	swait.ge [sflag:s16], $0x2000  }
0x25: {  	[sflag:s16] =	ssyncset.done $0x0  }
0x26: {  	[sflag:s16] =	ssyncadd.s32 $0xFFFFE000  }
0x27: {  	[spmem:s7] =	stream.linear.scatter [tilespmem:s15], [sflag:$0x9], $0x2000, $0x38;
	v63 =	vld [tilespmem:$0x0]  }
0x28: {  	_ =	swait.ge [sflag:s16], $0x2000  }
0x29: {  	[sflag:s16] =	ssyncset.done $0x0  }
0x2a: {  	[sflag:s16] =	ssyncadd.s32 $0xFFFFE000  }
0x2b: {  	[spmem:s8] =	stream.linear.scatter [tilespmem:s15], [sflag:$0x9], $0x2000, $0x38;
	v63 =	vld [tilespmem:$0x0]  }
0x2c: {  	_ =	swait.ge [sflag:s16], $0x2000  }
0x2d: {  	[sflag:s16] =	ssyncset.done $0x0  }
0x2e: {  	[sflag:s16] =	ssyncadd.s32 $0xFFFFE000  }
0x2f: {  	[spmem:s9] =	stream.linear.scatter [tilespmem:s15], [sflag:$0x9], $0x2000, $0x38;
	v63 =	vld [tilespmem:$0x0]  }
0x30: {  	_ =	swait.ge [sflag:s16], $0x2000  }
0x31: {  	[sflag:s16] =	ssyncset.done $0x0  }
0x32: {  	[sflag:s16] =	ssyncadd.s32 $0xFFFFE000  }
0x33: {  	[spmem:s10] =	stream.linear.scatter [tilespmem:s15], [sflag:$0x9], $0x2000, $0x38;
	v63 =	vld [tilespmem:$0x0]  }
0x34: {  	_ =	swait.ge [sflag:s16], $0x2000  }
0x35: {  	[sflag:s16] =	ssyncset.done $0x0  }
0x36: {  	s23 =	simm.s32 $0x0;
	[sflag:s16] =	ssyncadd.s32 $0xFFFFE000  }
0x37: {  	[tilespmem:s23], [sflag:$0x9] =	stream.linear.gather [hbm4b:s11+s23], $0x5000, $0x38;
	v63 =	vld [tilespmem:$0x0]  }
0x38: {  	_ =	swait.ge [sflag:s16], $0x5000  }
0x39: {  	[sflag:s16] =	ssyncset.done $0x0  }
0x3a: {  	s6 =	simm.s32 $0x5000;
	[sflag:s16] =	ssyncadd.s32 $0xFFFFB000  }
0x3b: {  	[tilespmem:s6], [sflag:$0x9] =	stream.linear.gather [hbm4b:s12+s23], $0x5000, $0x38;
	v63 =	vld [tilespmem:$0x0]  }
0x3c: {  	_ =	swait.ge [sflag:s16], $0x5000  }
0x3d: {  	[sflag:s16] =	ssyncset.done $0x0  }
0x3e: {  	s17 =	simm.s32 $0x0;
	s23 =	simm.s32 $0x40;
	[sflag:s16] =	ssyncadd.s32 $0xFFFFB000  }
.LBB2_4:
0x3f: {  	p0 =	sne.s32 s23, $0x13FC0;
	v2 =	vld [tilespmem:s17+$0x5000];
	_ =	sdelay $0x2  }
.Ltmp1:
0x40: {  	(pc) =	sbr.rel @p0 .LBB2_4-.Ltmp1, $4  }
0x41: {  	_ = 	snop  }
0x42: {  	v2 =	vadd.s32 v0, v2  }
0x43: {  	v2 =	vmin.u32 v2, $0x1400  }
0x44: {  	[tilespmem:s17+$0x5000] =	vst v2;
	s17 =	sshra.s32 s23, $0x2;
	s23 =	sadd.s32 $0x40, s23  }
0x45: {  	v2 =	vld [tilespmem:s17+$0x5000];
	_ =	sdelay $0x4  }
0x46: {  	v2 =	vadd.s32 v0, v2  }
0x47: {  	v2 =	vmin.u32 v2, $0x1400  }
0x48: {  	[tilespmem:s17+$0x5000] =	vst v2  }
0x49: {  	s3 =	simm.s32 $0x0;
	[bflag:$0x0] =	sbarrier.arrive $0xFFFF  }
0x4a: {  	[tilespmem:s19], [sflag:$0x1] =	stream.indirect.gather [hbm4b:s4+s18], $0x80, s3, s18, $0xb8;
	v63 =	vld [tilespmem:$0x0]  }
0x4b: {  	_ = 	snop  }
0x4c: {  	[tilespmem:s20], [sflag:$0x2] =	stream.indirect.gather [hbm4b:s4+s18], $0x80, s18, s18, $0xb8;
	v63 =	vld [tilespmem:$0x0]  }
0x4d: {  	s6 =	simm.s32 $0x80  }
0x4e: {  	[tilespmem:s22], [sflag:$0x3] =	stream.indirect.gather [hbm4b:s4+s18], $0x80, s6, s18, $0xb8;
	v63 =	vld [tilespmem:$0x0]  }
0x4f: {  	s17 =	simm.s32 $0xC0  }
0x50: {  	[tilespmem:s24], [sflag:$0x4] =	stream.indirect.gather [hbm4b:s4+s18], $0x80, s17, s18, $0xb8;
	v63 =	vld [tilespmem:$0x0]  }
0x51: {  	_ =	swait.ge [sflag:s25], $0x2000  }
0x52: {  	[sflag:s25] =	ssyncset.done $0x0  }
0x53: {  	s23 =	simm.s32 $0x5000;
	[sflag:s25] =	ssyncadd.s32 $0xFFFFE000  }
0x54: {  	[spmem:s2] =	stream.indirect.scatter.add.f32 [tilespmem:s19], [sflag:$0x5], $0x80, s23, s18, $0xb8;
	v63 =	vld [tilespmem:$0x0]  }
0x55: {  	_ =	swait.ge [sflag:s26], $0x2000  }
0x56: {  	[sflag:s26] =	ssyncset.done $0x0  }
0x57: {  	s6 =	simm.s32 $0x5040;
	[sflag:s26] =	ssyncadd.s32 $0xFFFFE000  }
0x58: {  	[spmem:s2] =	stream.indirect.scatter.add.f32 [tilespmem:s20], [sflag:$0x6], $0x80, s6, s18, $0xb8;
	v63 =	vld [tilespmem:$0x0]  }
0x59: {  	_ =	swait.ge [sflag:s28], $0x2000  }
0x5a: {  	[sflag:s28] =	ssyncset.done $0x0  }
0x5b: {  	s17 =	simm.s32 $0x5080;
	[sflag:s28] =	ssyncadd.s32 $0xFFFFE000  }
0x5c: {  	[spmem:s2] =	stream.indirect.scatter.add.f32 [tilespmem:s22], [sflag:$0x7], $0x80, s17, s18, $0xb8;
	v63 =	vld [tilespmem:$0x0]  }
0x5d: {  	_ =	swait.ge [sflag:s29], $0x2000  }
0x5e: {  	[sflag:s29] =	ssyncset.done $0x0  }
0x5f: {  	s23 =	simm.s32 $0x50C0;
	[sflag:s29] =	ssyncadd.s32 $0xFFFFE000  }
0x60: {  	[spmem:s2] =	stream.indirect.scatter.add.f32 [tilespmem:s24], [sflag:$0x8], $0x80, s23, s18, $0xb8;
	v63 =	vld [tilespmem:$0x0]  }
0x61: {  	_ =	swait.ge [sflag:s30], $0x2000  }
0x62: {  	[sflag:s30] =	ssyncset.done $0x0  }
0x63: {  	s6 =	simm.s32 $0x100;
	[sflag:s30] =	ssyncadd.s32 $0xFFFFE000  }
0x64: {  	[tilespmem:s19], [sflag:$0x1] =	stream.indirect.gather [hbm4b:s4+s18], $0x80, s6, s18, $0xb8;
	v63 =	vld [tilespmem:$0x0]  }
0x65: {  	_ =	swait.ge [sflag:s31], $0x2000  }
0x66: {  	[sflag:s31] =	ssyncset.done $0x0  }
0x67: {  	s17 =	simm.s32 $0x140;
	[sflag:s31] =	ssyncadd.s32 $0xFFFFE000  }
0x68: {  	[tilespmem:s20], [sflag:$0x2] =	stream.indirect.gather [hbm4b:s4+s18], $0x80, s17, s18, $0xb8;
	v63 =	vld [tilespmem:$0x0]  }
0x69: {  	_ =	swait.ge [sflag:s1], $0x2000  }
0x6a: {  	[sflag:s1] =	ssyncset.done $0x0  }
0x6b: {  	s23 =	simm.s32 $0x180;
	[sflag:s1] =	ssyncadd.s32 $0xFFFFE000  }
0x6c: {  	[tilespmem:s22], [sflag:$0x3] =	stream.indirect.gather [hbm4b:s4+s18], $0x80, s23, s18, $0xb8;
	v63 =	vld [tilespmem:$0x0]  }
0x6d: {  	_ =	swait.ge [sflag:s0], $0x2000  }
0x6e: {  	[sflag:s0] =	ssyncset.done $0x0  }
0x6f: {  	s3 =	simm.s32 $0x1C0;
	s23 =	simm.s32 $0x400;
	[sflag:s0] =	ssyncadd.s32 $0xFFFFE000  }
.LBB2_6:
0x70: {  	[tilespmem:s24], [sflag:$0x4] =	stream.indirect.gather [hbm4b:s4+s18], $0x80, s3, s18, $0xb8;
	v63 =	vld [tilespmem:$0x0]  }
0x71: {  	s3 =	smov.u32 s23  }
0x72: {  	p0 =	sne.s32 s23, $0x13800;
	s23 =	sadd.s32 $0x400, s23;
	_ =	swait.ge [sflag:s25], $0x2000  }
0x73: {  	s17 =	sshra.s32 s3, $0x2;
	[sflag:s25] =	ssyncset.done $0x0  }
0x74: {  	s3 =	sadd.s32 $0x5000, s17;
	[sflag:s25] =	ssyncadd.s32 $0xFFFFE000  }
0x75: {  	[spmem:s2] =	stream.indirect.scatter.add.f32 [tilespmem:s19], [sflag:$0x5], $0x80, s3, s18, $0xb8;
	v63 =	vld [tilespmem:$0x0]  }
0x76: {  	_ =	swait.ge [sflag:s26], $0x2000  }
0x77: {  	[sflag:s26] =	ssyncset.done $0x0  }
0x78: {  	s3 =	sadd.s32 $0x5040, s17;
	[sflag:s26] =	ssyncadd.s32 $0xFFFFE000  }
0x79: {  	[spmem:s2] =	stream.indirect.scatter.add.f32 [tilespmem:s20], [sflag:$0x6], $0x80, s3, s18, $0xb8;
	v63 =	vld [tilespmem:$0x0]  }
0x7a: {  	_ =	swait.ge [sflag:s28], $0x2000  }
0x7b: {  	[sflag:s28] =	ssyncset.done $0x0  }
0x7c: {  	s3 =	sadd.s32 $0x5080, s17;
	[sflag:s28] =	ssyncadd.s32 $0xFFFFE000  }
0x7d: {  	[spmem:s2] =	stream.indirect.scatter.add.f32 [tilespmem:s22], [sflag:$0x7], $0x80, s3, s18, $0xb8;
	v63 =	vld [tilespmem:$0x0]  }
0x7e: {  	_ =	swait.ge [sflag:s29], $0x2000  }
0x7f: {  	[sflag:s29] =	ssyncset.done $0x0  }
0x80: {  	s3 =	sadd.s32 $0x50C0, s17;
	[sflag:s29] =	ssyncadd.s32 $0xFFFFE000  }
0x81: {  	[spmem:s2] =	stream.indirect.scatter.add.f32 [tilespmem:s24], [sflag:$0x8], $0x80, s3, s18, $0xb8;
	v63 =	vld [tilespmem:$0x0]  }
0x82: {  	_ =	swait.ge [sflag:s30], $0x2000  }
0x83: {  	[sflag:s30] =	ssyncset.done $0x0  }
0x84: {  	s3 =	sadd.s32 $0x100, s17;
	[sflag:s30] =	ssyncadd.s32 $0xFFFFE000  }
0x85: {  	[tilespmem:s19], [sflag:$0x1] =	stream.indirect.gather [hbm4b:s4+s18], $0x80, s3, s18, $0xb8;
	v63 =	vld [tilespmem:$0x0]  }
0x86: {  	_ =	swait.ge [sflag:s31], $0x2000  }
0x87: {  	[sflag:s31] =	ssyncset.done $0x0  }
0x88: {  	s3 =	sadd.s32 $0x140, s17;
	[sflag:s31] =	ssyncadd.s32 $0xFFFFE000  }
0x89: {  	[tilespmem:s20], [sflag:$0x2] =	stream.indirect.gather [hbm4b:s4+s18], $0x80, s3, s18, $0xb8;
	v63 =	vld [tilespmem:$0x0]  }
0x8a: {  	_ =	swait.ge [sflag:s1], $0x2000  }
0x8b: {  	[sflag:s1] =	ssyncset.done $0x0  }
.Ltmp2:
0x8c: {  	s3 =	sadd.s32 $0x180, s17;
	[sflag:s1] =	ssyncadd.s32 $0xFFFFE000;
	(pc) =	sbr.rel @p0 .LBB2_6-.Ltmp2, $4  }
0x8d: {  	[tilespmem:s22], [sflag:$0x3] =	stream.indirect.gather [hbm4b:s4+s18], $0x80, s3, s18, $0xb8;
	v63 =	vld [tilespmem:$0x0]  }
0x8e: {  	_ =	swait.ge [sflag:s0], $0x2000  }
0x8f: {  	[sflag:s0] =	ssyncset.done $0x0  }
0x90: {  	s3 =	sadd.s32 $0x1C0, s17;
	[sflag:s0] =	ssyncadd.s32 $0xFFFFE000  }
0x91: {  	[tilespmem:s24], [sflag:$0x4] =	stream.indirect.gather [hbm4b:s4+s18], $0x80, s3, s18, $0xb8;
	v63 =	vld [tilespmem:$0x0]  }
0x92: {  	_ =	swait.ge [sflag:s25], $0x2000  }
0x93: {  	[sflag:s25] =	ssyncset.done $0x0  }
0x94: {  	s17 =	simm.s32 $0x9F00;
	[sflag:s25] =	ssyncadd.s32 $0xFFFFE000  }
0x95: {  	[spmem:s2] =	stream.indirect.scatter.add.f32 [tilespmem:s19], [sflag:$0x5], $0x80, s17, s18, $0xb8;
	v63 =	vld [tilespmem:$0x0]  }
0x96: {  	_ =	swait.ge [sflag:s26], $0x2000  }
0x97: {  	[sflag:s26] =	ssyncset.done $0x0  }
0x98: {  	s23 =	simm.s32 $0x9F40;
	[sflag:s26] =	ssyncadd.s32 $0xFFFFE000  }
0x99: {  	[spmem:s2] =	stream.indirect.scatter.add.f32 [tilespmem:s20], [sflag:$0x6], $0x80, s23, s18, $0xb8;
	v63 =	vld [tilespmem:$0x0]  }
0x9a: {  	_ =	swait.ge [sflag:s28], $0x2000  }
0x9b: {  	[sflag:s28] =	ssyncset.done $0x0  }
0x9c: {  	s6 =	simm.s32 $0x9F80;
	[sflag:s28] =	ssyncadd.s32 $0xFFFFE000  }
0x9d: {  	[spmem:s2] =	stream.indirect.scatter.add.f32 [tilespmem:s22], [sflag:$0x7], $0x80, s6, s18, $0xb8;
	v63 =	vld [tilespmem:$0x0]  }
0x9e: {  	_ =	swait.ge [sflag:s29], $0x2000  }
0x9f: {  	[sflag:s29] =	ssyncset.done $0x0  }
0xa0: {  	s17 =	simm.s32 $0x9FC0;
	[sflag:s29] =	ssyncadd.s32 $0xFFFFE000  }
0xa1: {  	[spmem:s2] =	stream.indirect.scatter.add.f32 [tilespmem:s24], [sflag:$0x8], $0x80, s17, s18, $0xb8;
	v63 =	vld [tilespmem:$0x0]  }
0xa2: {  	_ =	swait.ge [sflag:s30], $0x2000  }
0xa3: {  	[sflag:s30] =	ssyncset.done $0x0  }
0xa4: {  	[sflag:s30] =	ssyncadd.s32 $0xFFFFE000  }
0xa5: {  	_ =	swait.ge [sflag:s31], $0x2000  }
0xa6: {  	[sflag:s31] =	ssyncset.done $0x0  }
0xa7: {  	[sflag:s31] =	ssyncadd.s32 $0xFFFFE000  }
0xa8: {  	_ =	swait.ge [sflag:s1], $0x2000  }
0xa9: {  	[sflag:s1] =	ssyncset.done $0x0  }
0xaa: {  	[sflag:s1] =	ssyncadd.s32 $0xFFFFE000  }
0xab: {  	s23 =	stileid.u32;
	_ =	swait.ge [sflag:s0], $0x2000  }
0xac: {  	s21 =	sadd.s32 $0x1, s21;
	s3 =	sshll.u32 s23, $0x6;
	[sflag:s0] =	ssyncset.done $0x0  }
0xad: {  	p0 =	sne.s32 s21, s14;
	s3 =	sor.u32 $0x1C09, s3;
	[sflag:s0] =	ssyncadd.s32 $0xFFFFE000  }
.Ltmp3:
0xae: {  	s6 =	sshrl.u32 s5, $0x3;
	[bflag:$0x0] =	sbarrier.arrive $0xFFFF;
	(pc) =	sbr.rel @p0 .LBB2_1-.Ltmp3, $4  }
0xaf: {  	[hbm:s13], [sflag:s3] =	dma.local [spmem:s6], $0x1800  }
0xb0: {  	_ =	swait.ge [sflag:s16], $0x1800  }
0xb1: {  	[sflag:s16] =	ssyncset.done $0x0  }
0xb2: {  	[sflag:s16] =	ssyncadd.s32 $0xFFFFE800  }
0xb3: {  	_ =	sfence.sel $0x180000  }
0xb4: {  	[bflag:$0x0] =	sbarrier.arrive $0xFFFF  }
0xb5: {  	_ =	strace $0x9000004A  }
0xb6: {  	s0 =	stileid.u32;
	[bflag:$0x2] =	sbarrier.arrive $0xFFFF  }
0xb7: {  	p0 =	sne.s32 s0, $0x0;
	s0 =	rddreg [dreg:$0x3]  }
0xb8: {  	s0 =	sadd.s32 @!p0 $0x100000, s0  }
0xb9: {  	[sflag:s0] =	ssyncadd.tile.s32 @!p0 $0x1;
	_ =	shalt  }
.Lfunc_end2:
_tile_overlayer_lowered:
.L_overlay_start_2:
0xba: {  	(tag) =	ssettag $0x2  }
0xbb: {  	s0 =	rddreg [dreg:$0x0];
	s2 =	stileid.u32  }
0xbc: {  	s1 =	rddreg [dreg:$0x1];
	p0 =	sne.s32 s2, $0x0  }
0xbd: {  	s3 =	rddreg [dreg:$0x2];
	[bflag:$0x3] =	sbarrier.arrive $0xFFFF;
	s2 =	simm.s32 @!p0 $0x1C09  }
0xbe: {  	[timem:s3], [sflag:s2] =	dma.local @!p0 [hbm:s0], s1  }
0xbf: {  	s0 =	simm.s32 @!p0 $0x9  }
0xc0: {  	_ =	swait.ge @!p0 [sflag:s0], s1  }
0xc1: {  	s1 =	ssub.s32 @!p0 $0x0, s1;
	[sflag:s0] =	ssyncset.done @!p0 $0x0  }
0xc2: {  	[sflag:s0] =	ssyncadd.s32 @!p0 s1  }
0xc3: {  	[bflag:$0x3] =	sbarrier.arrive $0xFFFF  }
0xc4: {  	_ =	shalt  }

// kernel: kernel.14.cloned.1.call-start
scs
__scs_entry_jumppad:
0x0: {  	(pc) =	sbr.rel $0x88, $3  }
0x1: {  	(tag) =	ssettag $0x0;
	lr =	simm.s32 $0x1  }
0x2: {  	[smem:$0x3F98] =	sst lr;
	_ =	strace $0xD0000000  }
0x3: {  	_ = 	snop  }
0x4: {  	_ = 	snop  }
0x5: {  	_ = 	snop  }
0x6: {  	_ = 	snop  }
0x7: {  	_ = 	snop  }
__scs_overlays_trampoline_lowered:
0x8: {  	[smem:$0x3FA7] =	sst s0  }
0x9: {  	[smem:$0x3FA8] =	sst s1  }
0xa: {  	[smem:$0x3FA9] =	sst s2  }
0xb: {  	[smem:$0x3FAA] =	sst s3  }
0xc: {  	[smem:$0x3FAB] =	sst s4  }
0xd: {  	[smem:$0x3FAC] =	sst s5  }
0xe: {  	[smem:$0x3FAD] =	sst s6  }
0xf: {  	[smem:$0x3FAE] =	sst s7  }
0x10: {  	[smem:$0x3FAF] =	sst s8  }
0x11: {  	[smem:$0x3FB0] =	sst s9;
	s0 =	simm.s32 @!p0 $0x0  }
0x12: {  	s1 =	sld [smem:$0x3F96];
	s0 =	simm.s32 @p0 $0x1  }
0x13: {  	[smem:$0x3FB1] =	sst s0;
	s0 =	simm.s32 @!p1 $0x0  }
0x14: {  	s2 =	sld [smem:$0x3F95];
	s0 =	simm.s32 @p1 $0x1  }
0x15: {  	[smem:$0x3FB2] =	sst s0;
	s0 =	simm.s32 @!p2 $0x0  }
0x16: {  	s3 =	sld [smem:$0x3FDB];
	s0 =	simm.s32 @p2 $0x1  }
0x17: {  	s4 =	simm.s32 $0x1BF5;
	[smem:$0x3FB4] =	sst s0  }
0x18: {  	s0 =	sld [smem:$0x3F97];
	_ =	swait.ge [sflag:s4], $0x0  }
0x19: {  	s7 =	sld [smem:$0x3F98]  }
0x1a: {  	s8 =	sadd.s32 $0xFFFFE003, lr  }
0x1b: {  	s9 =	sadd.s32 $0xFFFFFEF7, lr;
	s5 =	simm.s32 $0xFFFFFFFF;
	p2 =	slt.u32 s8, $0xFFFFF086  }
0x1c: {  	p1 =	slt.u32 s9, $0xF7A;
	s5 =	simm.s32 @!p2 $0x0  }
0x1d: {  	s5 =	simm.s32 @p1 $0x1;
	p0 =	seq.s32 s7, s2  }
0x1e: {  	s7 =	smul.u32 @!p0 $0xF7A, s2;
	p2 =	seq.s32 @!p0 s5, $0x0  }
0x1f: {  	s9 =	smul.u32 $0xF7A, s1;
	s8 =	simm.s32 @!p0 $0x1BF5;
	p2 =	por !p2, p0  }
0x20: {  	[sflag:s8] =	ssyncset.s32 @!p0 $0xFFFFF086;
	s6 =	sadd.s32 @!p0 s3, s7;
	s7 =	simm.s32 @!p0 $0x108  }
0x21: {  	s3 =	sadd.s32 s3, s9;
	s6 =	sadd.s32 @!p0 $0x88, s6;
	s7 =	simm.s32 @p2 $0x1082  }
0x22: {  	[simem:s7], [sflag:s8] =	dma.local @!p0 [hbm:s6], $0xF7A  }
0x23: {  	s9 =	sor.u32 $0xD0000000, s2;
	s6 =	simm.s32 $0x108;
	_ =	swait.ge @!p0 [sflag:s8], $0x0  }
0x24: {  	s3 =	sadd.s32 $0x88, s3;
	s6 =	simm.s32 @!p1 $0x1082;
	[sflag:s4] =	ssyncset.s32 $0xFFFFF086  }
0x25: {  	[simem:s6], [sflag:s4] =	dma.local [hbm:s3], $0xF7A  }
0x26: {  	[smem:$0x3F98] =	sst s1;
	(tag) =	ssettag s2;
	_ =	strace s9  }
0x27: {  	s1 =	sld [smem:$0x3FA8]  }
0x28: {  	s2 =	sld [smem:$0x3FA9]  }
0x29: {  	s4 =	sld [smem:$0x3FAB]  }
0x2a: {  	p0 =	seq.s32 s5, $0x0;
	s5 =	sld [smem:$0x3FAC]  }
0x2b: {  	s6 =	sld [smem:$0x3FAD]  }
0x2c: {  	s7 =	sld [smem:$0x3FAE]  }
0x2d: {  	s3 =	simm.s32 $0x108;
	s8 =	sld [smem:$0x3FAF]  }
0x2e: {  	s3 =	simm.s32 @!p0 $0x1082;
	s9 =	sld [smem:$0x3FB0]  }
0x2f: {  	lr =	sadd.s32 s0, s3;
	s0 =	sld [smem:$0x3FA7]  }
0x30: {  	s3 =	sld [smem:$0x3FAA]  }
0x31: {  	[smem:$0x3FB3] =	sst s10  }
0x32: {  	s10 =	sld [smem:$0x3FB1];
	_ =	sdelay $0x3  }
0x33: {  	p0 =	seq.s32 s10, $0x1;
	s10 =	sld [smem:$0x3FB3];
	_ =	sdelay $0x3  }
0x34: {  	[smem:$0x3FB3] =	sst s10  }
0x35: {  	s10 =	sld [smem:$0x3FB2];
	_ =	sdelay $0x3  }
0x36: {  	p1 =	seq.s32 s10, $0x1;
	s10 =	sld [smem:$0x3FB3];
	_ =	sdelay $0x3  }
0x37: {  	[smem:$0x3FB3] =	sst s10  }
0x38: {  	s10 =	sld [smem:$0x3FB4]  }
0x39: {  	_ = 	snop;
	(pc) =	sbr.ind lr, $3  }
0x3a: {  	_ = 	snop  }
0x3b: {  	_ = 	snop  }
0x3c: {  	p2 =	seq.s32 s10, $0x1;
	s10 =	sld [smem:$0x3FB3]  }
0x3d: {  	_ =	shalt  }
0x3e: {  	_ =	shalt  }
0x3f: {  	_ =	shalt  }
0x40: {  	_ =	shalt  }
0x41: {  	_ =	shalt  }
0x42: {  	_ =	shalt  }
0x43: {  	_ =	shalt  }
0x44: {  	_ =	shalt  }
0x45: {  	_ =	shalt  }
0x46: {  	_ =	shalt  }
0x47: {  	_ =	shalt  }
0x48: {  	_ =	shalt  }
0x49: {  	_ =	shalt  }
0x4a: {  	_ =	shalt  }
0x4b: {  	_ =	shalt  }
0x4c: {  	_ =	shalt  }
0x4d: {  	_ =	shalt  }
0x4e: {  	_ =	shalt  }
0x4f: {  	_ =	shalt  }
0x50: {  	_ =	shalt  }
0x51: {  	_ =	shalt  }
0x52: {  	_ =	shalt  }
0x53: {  	_ =	shalt  }
0x54: {  	_ =	shalt  }
0x55: {  	_ =	shalt  }
0x56: {  	_ =	shalt  }
0x57: {  	_ =	shalt  }
0x58: {  	_ =	shalt  }
0x59: {  	_ =	shalt  }
0x5a: {  	_ =	shalt  }
0x5b: {  	_ =	shalt  }
0x5c: {  	_ =	shalt  }
0x5d: {  	_ =	shalt  }
0x5e: {  	_ =	shalt  }
0x5f: {  	_ =	shalt  }
0x60: {  	_ =	shalt  }
0x61: {  	_ =	shalt  }
0x62: {  	_ =	shalt  }
0x63: {  	_ =	shalt  }
0x64: {  	_ =	shalt  }
0x65: {  	_ =	shalt  }
0x66: {  	_ =	shalt  }
0x67: {  	_ =	shalt  }
0x68: {  	_ =	shalt  }
0x69: {  	_ =	shalt  }
0x6a: {  	_ =	shalt  }
0x6b: {  	_ =	shalt  }
0x6c: {  	_ =	shalt  }
0x6d: {  	_ =	shalt  }
0x6e: {  	_ =	shalt  }
0x6f: {  	_ =	shalt  }
0x70: {  	_ =	shalt  }
0x71: {  	_ =	shalt  }
0x72: {  	_ =	shalt  }
0x73: {  	_ =	shalt  }
0x74: {  	_ =	shalt  }
0x75: {  	_ =	shalt  }
0x76: {  	_ =	shalt  }
0x77: {  	_ =	shalt  }
0x78: {  	_ =	shalt  }
0x79: {  	_ =	shalt  }
0x7a: {  	_ =	shalt  }
0x7b: {  	_ =	shalt  }
0x7c: {  	_ =	shalt  }
0x7d: {  	_ =	shalt  }
0x7e: {  	_ =	shalt  }
0x7f: {  	_ =	shalt  }
0x80: {  	_ =	shalt  }
0x81: {  	_ =	shalt  }
0x82: {  	_ =	shalt  }
0x83: {  	_ =	shalt  }
0x84: {  	_ =	shalt  }
0x85: {  	_ =	shalt  }
0x86: {  	_ =	shalt  }
0x87: {  	_ =	shalt  }
.Lfunc_end0:
.L_simem_size_0:
called_computation.2_lowered:
.L_overlay_start_0:
0x88: {  	s2 =	sld [smem:$0x3FD9]  }
0x89: {  	s3 =	sld [smem:$0x3FFE];
	_ =	sdelay $0x1  }
0x8a: {  	s1 =	srdreg.scid  }
0x8b: {  	s0 =	sand.u32 $0x1, s1  }
0x8c: {  	s17 =	sshll.u32 s0, $0xA;
	s2 =	sadd.s32 s3, s2  }
0x8d: {  	s2 =	sadd.s32 s2, s17  }
0x8e: {  	[smem:$0x3FBF] =	sst s2  }
0x8f: {  	_ = 	snop  }
0x90: {  	s2 =	sld [smem:$0x3FD0];
	(tm) =	ssettm $0x1  }
0x91: {  	s18 =	sld [smem:$0x3FFB];
	_ =	sdelay $0x3  }
0x92: {  	_ =	strace s18  }
0x93: {  	s3 =	sld [smem:$0x3FFC];
	_ =	sdelay $0x3  }
0x94: {  	_ =	strace s3  }
0x95: {  	s3 =	sld [smem:$0x3FFD];
	_ =	sdelay $0x3  }
0x96: {  	_ =	strace s3  }
0x97: {  	_ =	strace $0x8FFFFFFF  }
0x98: {  	s19 =	sld [smem:$0x3FDB];
	_ =	sdelay $0x1  }
0x99: {  	s4 =	simm.s32 $_scs_section_size  }
0x9a: {  	s5 =	simm.s32 $_size__tile_overlayer_lowered;
	s6 =	simm.s32 $_tile_overlayer_lowered  }
0x9b: {  	s22 =	simm.s32 $0x1BFF;
	s21 =	sshll.u32 s6, $0x1;
	s3 =	sadd.s32 s4, s19  }
0x9c: {  	s7 =	simm.s32 $0x0;
	s20 =	sshll.u32 s5, $0x1;
	s5 =	sadd.s32 s21, s3  }
0x9d: {  	[timem:s7], [sflag:s22] =	dma.local [hbm:s5], s20  }
0x9e: {  	_ =	swait.ge [sflag:s22], s20  }
0x9f: {  	s4 =	ssub.s32 $0x0, s20;
	[sflag:s22] =	ssyncset.done $0x0  }
0xa0: {  	[sflag:s22] =	ssyncadd.s32 s4;
	_ =	sdelay $0x1  }
0xa1: {  	s23 =	simm.s32 $0x1B8B  }
0xa2: {  	_ =	swait.ge [sflag:s23], $0x1  }
0xa3: {  	[sflag:s23] =	ssyncset.done $0x0  }
0xa4: {  	s25 =	simm.s32 $0x1B8E;
	s24 =	sld [smem:$0x3FFE];
	[sflag:s23] =	ssyncadd.s32 $0xFFFFFFFF  }
0xa5: {  	s26 =	simm.s32 $execute0_lowered;
	[smem:$0x3FD2] =	sst s25  }
0xa6: {  	s5 =	sshll.u32 s26, $0x1;
	_ =	strace $0x8000004C;
	[dreg:$0x1] =	wrdreg $0xFFFFFFFF  }
0xa7: {  	s28 =	simm.s32 $_size_execute0_lowered;
	s3 =	sadd.s32 s3, s5;
	[dreg:$0x0] =	wrdreg $0x0  }
0xa8: {  	s5 =	sshll.u32 s28, $0x1;
	[dreg:$0x2] =	wrdreg s3  }
0xa9: {  	[dreg:$0x3] =	wrdreg s5  }
0xaa: {  	[dreg:$0x4] =	wrdreg $0xC0  }
0xab: {  	_ =	task [dreg:s7], $0x5FFFF  }
0xac: {  	[dreg:$0x1] =	wrdreg $0xFFFFFFFF  }
0xad: {  	[dreg:$0x0] =	wrdreg $0x60  }
0xae: {  	[dreg:$0x2] =	wrdreg s24  }
0xaf: {  	[dreg:$0x3] =	wrdreg s2  }
0xb0: {  	[dreg:$0x4] =	wrdreg $0x140000  }
0xb1: {  	[dreg:$0x5] =	wrdreg $0x9  }
0xb2: {  	_ =	task.clear_ibuf [dreg:s7], $0x6FFFF;
	_ =	strace $0x9000004C  }
0xb3: {  	s29 =	simm.s32 $0x9;
	_ =	strace $0x8000004E  }
0xb4: {  	_ =	swait.ge [sflag:s29], $0x1  }
0xb5: {  	[sflag:s29] =	ssyncadd.s32 $0xFFFFFFFF  }
0xb6: {  	_ =	strace $0x9000004E  }
0xb7: {  	_ =	sfence  }
0xb8: {  	s30 =	sld [smem:$0x0];
	_ =	sdelay $0x2  }
0xb9: {  	s31 =	sshll.u32 s1, $0xD;
	s1 =	sshrl.u32 s1, $0x2  }
0xba: {  	s3 =	sand.u32 $0x4000, s31;
	s1 =	sadd.s32 s1, s30  }
0xbb: {  	s0 =	sor.u32 s3, s0;
	s1 =	sshll.u32 s1, $0x11  }
0xbc: {  	s0 =	sor.u32 s1, s0  }
0xbd: {  	s0 =	sadd.s32 $0x8F2B, s0  }
0xbe: {  	[sflag:s0] =	ssyncadd.remote.s32 $0x1  }
0xbf: {  	_ =	sfence.sel $0xFFFF  }
0xc0: {  	[dreg:$0x0] =	wrdreg $0xFFFFFFFF;
	(pc) =	sbr.abs _section_cstart, $3  }
0xc1: {  	[dreg:$0x1] =	wrdreg $0xFFFFFFFF  }
0xc2: {  	_ =	task.clear_ibuf [dreg:s7], $0x2FFFF;
	_ =	strace $0x9FFFFFFF  }
0xc3: {  	(tm) =	ssettm $0x7FFFFFFF  }
tec
execute0_lowered:
.L_overlay_start_1:
0x0: {  	(tag) =	ssettag $0x1  }
0x1: {  	s0 =	rddreg [dreg:$0x0]  }
0x2: {  	s1 =	rddreg [dreg:$0x1];
	s7 =	stileid.u32  }
0x3: {  	s3 =	srdreg.scid;
	s2 =	rddreg [dreg:$0x2]  }
0x4: {  	s4 =	simm.s32 $0x0;
	s15 =	simm.s32 $0x12000;
	s16 =	simm.s32 $0x9  }
0x5: {  	s18 =	simm.s32 $0x40;
	s19 =	simm.s32 $0xA000;
	s20 =	simm.s32 $0xC000  }
0x6: {  	s22 =	simm.s32 $0xE000;
	s24 =	simm.s32 $0x10000;
	s28 =	simm.s32 $0x3  }
0x7: {  	s29 =	simm.s32 $0x4;
	s30 =	simm.s32 $0x5;
	s11 =	smul.u32 $0xA00, s7  }
0x8: {  	s31 =	simm.s32 $0x6;
	s21 =	simm.s32 $0x0;
	s6 =	smul.u32 $0xC000, s7  }
0x9: {  	s3 =	sand.u32 $0x1, s3;
	[smem:$0x7FF] =	sst s4;
	s7 =	smul.u32 $0x30000, s7  }
0xa: {  	s4 =	sadd.s32 $0x80400, s0;
	s5 =	smul.u32 $0xC0000, s3;
	_ =	strace $0x8000004D  }
0xb: {  	s25 =	ssub.s32 $0x2, s3;
	s3 =	smul.u32 $0xFFFFEC00, s3;
	s12 =	sadd.s32 s11, s0  }
0xc: {  	s8 =	sshrl.u32 s25, $0x1;
	s7 =	sshrl.u32 s7, $0x2;
	s11 =	sadd.s32 s1, s11  }
0xd: {  	s1 =	simm.s32 $0x7;
	s5 =	sadd.s32 s6, s5;
	s14 =	ssub.s32 s25, s8  }
0xe: {  	s12 =	sadd.s32 $0x76400, s12;
	s25 =	simm.s32 $0x1;
	s5 =	sshrl.u32 s5, $0x3  }
0xf: {  	s14 =	smax.u32 s14, $0x1;
	s0 =	sadd.s32 s5, s0;
	s5 =	sadd.s32 s7, s2  }
0x10: {  	s26 =	sadd.s32 $0x2000, s5;
	s7 =	sadd.s32 $0x4000, s5;
	s8 =	sadd.s32 $0x6000, s5  }
0x11: {  	s9 =	sadd.s32 $0x8000, s5;
	s10 =	sadd.s32 $0xA000, s5;
	s13 =	sadd.s32 $0xA7600, s0  }
0x12: {  	v1 =	vimm.f32 $0.0e+00;
	v0 =	vmov s3;
	s0 =	simm.s32 $0x8;
	[dreg:$0x4] =	wrdreg s26;
	s26 =	simm.s32 $0x2  }
.LBB2_1:
0x13: {  	s6 =	simm.s32 $0x0  }
0x14: {  	s3 =	sand.u32 $0x7E00, s6  }
0x15: {  	s23 =	sand.u32 $0x70, s6;
	s3 =	sshrl.u32 s3, $0x2  }
0x16: {  	s17 =	simm.s32 $0x40;
	s3 =	sor.u32 s23, s3;
	s23 =	simm.s32 $0x0  }
.LBB2_2:
0x17: {  	p0 =	sne.s32 s17, $0x7FC0  }
0x18: {  	[tilespmem:s3+$0x12000] =	vst v1;
	s23 =	sadd.s32 $0x10, s23;
	s3 =	smov.u32 s17;
	s17 =	sadd.s32 $0x40, s17  }
.Ltmp0:
0x19: {  	(pc) =	sbr.rel @p0 .LBB2_2-.Ltmp0, $4  }
0x1a: {  	_ = 	snop  }
0x1b: {  	s3 =	sand.u32 $0x7E00, s3  }
0x1c: {  	s6 =	sand.u32 $0x70, s23;
	s3 =	sshrl.u32 s3, $0x2  }
0x1d: {  	s3 =	sor.u32 s6, s3  }
0x1e: {  	[tilespmem:s3+$0x12000] =	vst v1  }
0x1f: {  	[spmem:s5] =	stream.linear.scatter [tilespmem:s15], [sflag:$0x9], $0x2000, $0x38;
	v63 =	vld [tilespmem:$0x0]  }
0x20: {  	_ =	swait.ge [sflag:s16], $0x2000  }
0x21: {  	[sflag:s16] =	ssyncset.done $0x0  }
0x22: {  	s17 =	rddreg [dreg:$0x4];
	[sflag:s16] =	ssyncadd.s32 $0xFFFFE000  }
0x23: {  	[spmem:s17] =	stream.linear.scatter [tilespmem:s15], [sflag:$0x9], $0x2000, $0x38;
	v63 =	vld [tilespmem:$0x0]  }
0x24: {  	_ =	swait.ge [sflag:s16], $0x2000  }
0x25: {  	[sflag:s16] =	ssyncset.done $0x0  }
0x26: {  	[sflag:s16] =	ssyncadd.s32 $0xFFFFE000  }
0x27: {  	[spmem:s7] =	stream.linear.scatter [tilespmem:s15], [sflag:$0x9], $0x2000, $0x38;
	v63 =	vld [tilespmem:$0x0]  }
0x28: {  	_ =	swait.ge [sflag:s16], $0x2000  }
0x29: {  	[sflag:s16] =	ssyncset.done $0x0  }
0x2a: {  	[sflag:s16] =	ssyncadd.s32 $0xFFFFE000  }
0x2b: {  	[spmem:s8] =	stream.linear.scatter [tilespmem:s15], [sflag:$0x9], $0x2000, $0x38;
	v63 =	vld [tilespmem:$0x0]  }
0x2c: {  	_ =	swait.ge [sflag:s16], $0x2000  }
0x2d: {  	[sflag:s16] =	ssyncset.done $0x0  }
0x2e: {  	[sflag:s16] =	ssyncadd.s32 $0xFFFFE000  }
0x2f: {  	[spmem:s9] =	stream.linear.scatter [tilespmem:s15], [sflag:$0x9], $0x2000, $0x38;
	v63 =	vld [tilespmem:$0x0]  }
0x30: {  	_ =	swait.ge [sflag:s16], $0x2000  }
0x31: {  	[sflag:s16] =	ssyncset.done $0x0  }
0x32: {  	[sflag:s16] =	ssyncadd.s32 $0xFFFFE000  }
0x33: {  	[spmem:s10] =	stream.linear.scatter [tilespmem:s15], [sflag:$0x9], $0x2000, $0x38;
	v63 =	vld [tilespmem:$0x0]  }
0x34: {  	_ =	swait.ge [sflag:s16], $0x2000  }
0x35: {  	[sflag:s16] =	ssyncset.done $0x0  }
0x36: {  	s23 =	simm.s32 $0x0;
	[sflag:s16] =	ssyncadd.s32 $0xFFFFE000  }
0x37: {  	[tilespmem:s23], [sflag:$0x9] =	stream.linear.gather [hbm4b:s11+s23], $0x5000, $0x38;
	v63 =	vld [tilespmem:$0x0]  }
0x38: {  	_ =	swait.ge [sflag:s16], $0x5000  }
0x39: {  	[sflag:s16] =	ssyncset.done $0x0  }
0x3a: {  	s6 =	simm.s32 $0x5000;
	[sflag:s16] =	ssyncadd.s32 $0xFFFFB000  }
0x3b: {  	[tilespmem:s6], [sflag:$0x9] =	stream.linear.gather [hbm4b:s12+s23], $0x5000, $0x38;
	v63 =	vld [tilespmem:$0x0]  }
0x3c: {  	_ =	swait.ge [sflag:s16], $0x5000  }
0x3d: {  	[sflag:s16] =	ssyncset.done $0x0  }
0x3e: {  	s17 =	simm.s32 $0x0;
	s23 =	simm.s32 $0x40;
	[sflag:s16] =	ssyncadd.s32 $0xFFFFB000  }
.LBB2_4:
0x3f: {  	p0 =	sne.s32 s23, $0x13FC0;
	v2 =	vld [tilespmem:s17+$0x5000];
	_ =	sdelay $0x2  }
.Ltmp1:
0x40: {  	(pc) =	sbr.rel @p0 .LBB2_4-.Ltmp1, $4  }
0x41: {  	_ = 	snop  }
0x42: {  	v2 =	vadd.s32 v0, v2  }
0x43: {  	v2 =	vmin.u32 v2, $0x1400  }
0x44: {  	[tilespmem:s17+$0x5000] =	vst v2;
	s17 =	sshra.s32 s23, $0x2;
	s23 =	sadd.s32 $0x40, s23  }
0x45: {  	v2 =	vld [tilespmem:s17+$0x5000];
	_ =	sdelay $0x4  }
0x46: {  	v2 =	vadd.s32 v0, v2  }
0x47: {  	v2 =	vmin.u32 v2, $0x1400  }
0x48: {  	[tilespmem:s17+$0x5000] =	vst v2  }
0x49: {  	s3 =	simm.s32 $0x0;
	[bflag:$0x0] =	sbarrier.arrive $0xFFFF  }
0x4a: {  	[tilespmem:s19], [sflag:$0x1] =	stream.indirect.gather [hbm4b:s4+s18], $0x80, s3, s18, $0xb8;
	v63 =	vld [tilespmem:$0x0]  }
0x4b: {  	_ = 	snop  }
0x4c: {  	[tilespmem:s20], [sflag:$0x2] =	stream.indirect.gather [hbm4b:s4+s18], $0x80, s18, s18, $0xb8;
	v63 =	vld [tilespmem:$0x0]  }
0x4d: {  	s6 =	simm.s32 $0x80  }
0x4e: {  	[tilespmem:s22], [sflag:$0x3] =	stream.indirect.gather [hbm4b:s4+s18], $0x80, s6, s18, $0xb8;
	v63 =	vld [tilespmem:$0x0]  }
0x4f: {  	s17 =	simm.s32 $0xC0  }
0x50: {  	[tilespmem:s24], [sflag:$0x4] =	stream.indirect.gather [hbm4b:s4+s18], $0x80, s17, s18, $0xb8;
	v63 =	vld [tilespmem:$0x0]  }
0x51: {  	_ =	swait.ge [sflag:s25], $0x2000  }
0x52: {  	[sflag:s25] =	ssyncset.done $0x0  }
0x53: {  	s23 =	simm.s32 $0x5000;
	[sflag:s25] =	ssyncadd.s32 $0xFFFFE000  }
0x54: {  	[spmem:s2] =	stream.indirect.scatter.add.f32 [tilespmem:s19], [sflag:$0x5], $0x80, s23, s18, $0xb8;
	v63 =	vld [tilespmem:$0x0]  }
0x55: {  	_ =	swait.ge [sflag:s26], $0x2000  }
0x56: {  	[sflag:s26] =	ssyncset.done $0x0  }
0x57: {  	s6 =	simm.s32 $0x5040;
	[sflag:s26] =	ssyncadd.s32 $0xFFFFE000  }
0x58: {  	[spmem:s2] =	stream.indirect.scatter.add.f32 [tilespmem:s20], [sflag:$0x6], $0x80, s6, s18, $0xb8;
	v63 =	vld [tilespmem:$0x0]  }
0x59: {  	_ =	swait.ge [sflag:s28], $0x2000  }
0x5a: {  	[sflag:s28] =	ssyncset.done $0x0  }
0x5b: {  	s17 =	simm.s32 $0x5080;
	[sflag:s28] =	ssyncadd.s32 $0xFFFFE000  }
0x5c: {  	[spmem:s2] =	stream.indirect.scatter.add.f32 [tilespmem:s22], [sflag:$0x7], $0x80, s17, s18, $0xb8;
	v63 =	vld [tilespmem:$0x0]  }
0x5d: {  	_ =	swait.ge [sflag:s29], $0x2000  }
0x5e: {  	[sflag:s29] =	ssyncset.done $0x0  }
0x5f: {  	s23 =	simm.s32 $0x50C0;
	[sflag:s29] =	ssyncadd.s32 $0xFFFFE000  }
0x60: {  	[spmem:s2] =	stream.indirect.scatter.add.f32 [tilespmem:s24], [sflag:$0x8], $0x80, s23, s18, $0xb8;
	v63 =	vld [tilespmem:$0x0]  }
0x61: {  	_ =	swait.ge [sflag:s30], $0x2000  }
0x62: {  	[sflag:s30] =	ssyncset.done $0x0  }
0x63: {  	s6 =	simm.s32 $0x100;
	[sflag:s30] =	ssyncadd.s32 $0xFFFFE000  }
0x64: {  	[tilespmem:s19], [sflag:$0x1] =	stream.indirect.gather [hbm4b:s4+s18], $0x80, s6, s18, $0xb8;
	v63 =	vld [tilespmem:$0x0]  }
0x65: {  	_ =	swait.ge [sflag:s31], $0x2000  }
0x66: {  	[sflag:s31] =	ssyncset.done $0x0  }
0x67: {  	s17 =	simm.s32 $0x140;
	[sflag:s31] =	ssyncadd.s32 $0xFFFFE000  }
0x68: {  	[tilespmem:s20], [sflag:$0x2] =	stream.indirect.gather [hbm4b:s4+s18], $0x80, s17, s18, $0xb8;
	v63 =	vld [tilespmem:$0x0]  }
0x69: {  	_ =	swait.ge [sflag:s1], $0x2000  }
0x6a: {  	[sflag:s1] =	ssyncset.done $0x0  }
0x6b: {  	s23 =	simm.s32 $0x180;
	[sflag:s1] =	ssyncadd.s32 $0xFFFFE000  }
0x6c: {  	[tilespmem:s22], [sflag:$0x3] =	stream.indirect.gather [hbm4b:s4+s18], $0x80, s23, s18, $0xb8;
	v63 =	vld [tilespmem:$0x0]  }
0x6d: {  	_ =	swait.ge [sflag:s0], $0x2000  }
0x6e: {  	[sflag:s0] =	ssyncset.done $0x0  }
0x6f: {  	s3 =	simm.s32 $0x1C0;
	s23 =	simm.s32 $0x400;
	[sflag:s0] =	ssyncadd.s32 $0xFFFFE000  }
.LBB2_6:
0x70: {  	[tilespmem:s24], [sflag:$0x4] =	stream.indirect.gather [hbm4b:s4+s18], $0x80, s3, s18, $0xb8;
	v63 =	vld [tilespmem:$0x0]  }
0x71: {  	s3 =	smov.u32 s23  }
0x72: {  	p0 =	sne.s32 s23, $0x13800;
	s23 =	sadd.s32 $0x400, s23;
	_ =	swait.ge [sflag:s25], $0x2000  }
0x73: {  	s17 =	sshra.s32 s3, $0x2;
	[sflag:s25] =	ssyncset.done $0x0  }
0x74: {  	s3 =	sadd.s32 $0x5000, s17;
	[sflag:s25] =	ssyncadd.s32 $0xFFFFE000  }
0x75: {  	[spmem:s2] =	stream.indirect.scatter.add.f32 [tilespmem:s19], [sflag:$0x5], $0x80, s3, s18, $0xb8;
	v63 =	vld [tilespmem:$0x0]  }
0x76: {  	_ =	swait.ge [sflag:s26], $0x2000  }
0x77: {  	[sflag:s26] =	ssyncset.done $0x0  }
0x78: {  	s3 =	sadd.s32 $0x5040, s17;
	[sflag:s26] =	ssyncadd.s32 $0xFFFFE000  }
0x79: {  	[spmem:s2] =	stream.indirect.scatter.add.f32 [tilespmem:s20], [sflag:$0x6], $0x80, s3, s18, $0xb8;
	v63 =	vld [tilespmem:$0x0]  }
0x7a: {  	_ =	swait.ge [sflag:s28], $0x2000  }
0x7b: {  	[sflag:s28] =	ssyncset.done $0x0  }
0x7c: {  	s3 =	sadd.s32 $0x5080, s17;
	[sflag:s28] =	ssyncadd.s32 $0xFFFFE000  }
0x7d: {  	[spmem:s2] =	stream.indirect.scatter.add.f32 [tilespmem:s22], [sflag:$0x7], $0x80, s3, s18, $0xb8;
	v63 =	vld [tilespmem:$0x0]  }
0x7e: {  	_ =	swait.ge [sflag:s29], $0x2000  }
0x7f: {  	[sflag:s29] =	ssyncset.done $0x0  }
0x80: {  	s3 =	sadd.s32 $0x50C0, s17;
	[sflag:s29] =	ssyncadd.s32 $0xFFFFE000  }
0x81: {  	[spmem:s2] =	stream.indirect.scatter.add.f32 [tilespmem:s24], [sflag:$0x8], $0x80, s3, s18, $0xb8;
	v63 =	vld [tilespmem:$0x0]  }
0x82: {  	_ =	swait.ge [sflag:s30], $0x2000  }
0x83: {  	[sflag:s30] =	ssyncset.done $0x0  }
0x84: {  	s3 =	sadd.s32 $0x100, s17;
	[sflag:s30] =	ssyncadd.s32 $0xFFFFE000  }
0x85: {  	[tilespmem:s19], [sflag:$0x1] =	stream.indirect.gather [hbm4b:s4+s18], $0x80, s3, s18, $0xb8;
	v63 =	vld [tilespmem:$0x0]  }
0x86: {  	_ =	swait.ge [sflag:s31], $0x2000  }
0x87: {  	[sflag:s31] =	ssyncset.done $0x0  }
0x88: {  	s3 =	sadd.s32 $0x140, s17;
	[sflag:s31] =	ssyncadd.s32 $0xFFFFE000  }
0x89: {  	[tilespmem:s20], [sflag:$0x2] =	stream.indirect.gather [hbm4b:s4+s18], $0x80, s3, s18, $0xb8;
	v63 =	vld [tilespmem:$0x0]  }
0x8a: {  	_ =	swait.ge [sflag:s1], $0x2000  }
0x8b: {  	[sflag:s1] =	ssyncset.done $0x0  }
.Ltmp2:
0x8c: {  	s3 =	sadd.s32 $0x180, s17;
	[sflag:s1] =	ssyncadd.s32 $0xFFFFE000;
	(pc) =	sbr.rel @p0 .LBB2_6-.Ltmp2, $4  }
0x8d: {  	[tilespmem:s22], [sflag:$0x3] =	stream.indirect.gather [hbm4b:s4+s18], $0x80, s3, s18, $0xb8;
	v63 =	vld [tilespmem:$0x0]  }
0x8e: {  	_ =	swait.ge [sflag:s0], $0x2000  }
0x8f: {  	[sflag:s0] =	ssyncset.done $0x0  }
0x90: {  	s3 =	sadd.s32 $0x1C0, s17;
	[sflag:s0] =	ssyncadd.s32 $0xFFFFE000  }
0x91: {  	[tilespmem:s24], [sflag:$0x4] =	stream.indirect.gather [hbm4b:s4+s18], $0x80, s3, s18, $0xb8;
	v63 =	vld [tilespmem:$0x0]  }
0x92: {  	_ =	swait.ge [sflag:s25], $0x2000  }
0x93: {  	[sflag:s25] =	ssyncset.done $0x0  }
0x94: {  	s17 =	simm.s32 $0x9F00;
	[sflag:s25] =	ssyncadd.s32 $0xFFFFE000  }
0x95: {  	[spmem:s2] =	stream.indirect.scatter.add.f32 [tilespmem:s19], [sflag:$0x5], $0x80, s17, s18, $0xb8;
	v63 =	vld [tilespmem:$0x0]  }
0x96: {  	_ =	swait.ge [sflag:s26], $0x2000  }
0x97: {  	[sflag:s26] =	ssyncset.done $0x0  }
0x98: {  	s23 =	simm.s32 $0x9F40;
	[sflag:s26] =	ssyncadd.s32 $0xFFFFE000  }
0x99: {  	[spmem:s2] =	stream.indirect.scatter.add.f32 [tilespmem:s20], [sflag:$0x6], $0x80, s23, s18, $0xb8;
	v63 =	vld [tilespmem:$0x0]  }
0x9a: {  	_ =	swait.ge [sflag:s28], $0x2000  }
0x9b: {  	[sflag:s28] =	ssyncset.done $0x0  }
0x9c: {  	s6 =	simm.s32 $0x9F80;
	[sflag:s28] =	ssyncadd.s32 $0xFFFFE000  }
0x9d: {  	[spmem:s2] =	stream.indirect.scatter.add.f32 [tilespmem:s22], [sflag:$0x7], $0x80, s6, s18, $0xb8;
	v63 =	vld [tilespmem:$0x0]  }
0x9e: {  	_ =	swait.ge [sflag:s29], $0x2000  }
0x9f: {  	[sflag:s29] =	ssyncset.done $0x0  }
0xa0: {  	s17 =	simm.s32 $0x9FC0;
	[sflag:s29] =	ssyncadd.s32 $0xFFFFE000  }
0xa1: {  	[spmem:s2] =	stream.indirect.scatter.add.f32 [tilespmem:s24], [sflag:$0x8], $0x80, s17, s18, $0xb8;
	v63 =	vld [tilespmem:$0x0]  }
0xa2: {  	_ =	swait.ge [sflag:s30], $0x2000  }
0xa3: {  	[sflag:s30] =	ssyncset.done $0x0  }
0xa4: {  	[sflag:s30] =	ssyncadd.s32 $0xFFFFE000  }
0xa5: {  	_ =	swait.ge [sflag:s31], $0x2000  }
0xa6: {  	[sflag:s31] =	ssyncset.done $0x0  }
0xa7: {  	[sflag:s31] =	ssyncadd.s32 $0xFFFFE000  }
0xa8: {  	_ =	swait.ge [sflag:s1], $0x2000  }
0xa9: {  	[sflag:s1] =	ssyncset.done $0x0  }
0xaa: {  	[sflag:s1] =	ssyncadd.s32 $0xFFFFE000  }
0xab: {  	s23 =	stileid.u32;
	_ =	swait.ge [sflag:s0], $0x2000  }
0xac: {  	s21 =	sadd.s32 $0x1, s21;
	s3 =	sshll.u32 s23, $0x6;
	[sflag:s0] =	ssyncset.done $0x0  }
0xad: {  	p0 =	sne.s32 s21, s14;
	s3 =	sor.u32 $0x1C09, s3;
	[sflag:s0] =	ssyncadd.s32 $0xFFFFE000  }
.Ltmp3:
0xae: {  	s6 =	sshrl.u32 s5, $0x3;
	[bflag:$0x0] =	sbarrier.arrive $0xFFFF;
	(pc) =	sbr.rel @p0 .LBB2_1-.Ltmp3, $4  }
0xaf: {  	[hbm:s13], [sflag:s3] =	dma.local [spmem:s6], $0x1800  }
0xb0: {  	_ =	swait.ge [sflag:s16], $0x1800  }
0xb1: {  	[sflag:s16] =	ssyncset.done $0x0  }
0xb2: {  	[sflag:s16] =	ssyncadd.s32 $0xFFFFE800  }
0xb3: {  	_ =	sfence.sel $0x180000  }
0xb4: {  	[bflag:$0x0] =	sbarrier.arrive $0xFFFF  }
0xb5: {  	_ =	strace $0x9000004D  }
0xb6: {  	s0 =	stileid.u32;
	[bflag:$0x2] =	sbarrier.arrive $0xFFFF  }
0xb7: {  	p0 =	sne.s32 s0, $0x0;
	s0 =	rddreg [dreg:$0x3]  }
0xb8: {  	s0 =	sadd.s32 @!p0 $0x100000, s0  }
0xb9: {  	[sflag:s0] =	ssyncadd.tile.s32 @!p0 $0x1;
	_ =	shalt  }
.Lfunc_end2:
_tile_overlayer_lowered:
.L_overlay_start_2:
0xba: {  	(tag) =	ssettag $0x2  }
0xbb: {  	s0 =	rddreg [dreg:$0x0];
	s2 =	stileid.u32  }
0xbc: {  	s1 =	rddreg [dreg:$0x1];
	p0 =	sne.s32 s2, $0x0  }
0xbd: {  	s3 =	rddreg [dreg:$0x2];
	[bflag:$0x3] =	sbarrier.arrive $0xFFFF;
	s2 =	simm.s32 @!p0 $0x1C09  }
0xbe: {  	[timem:s3], [sflag:s2] =	dma.local @!p0 [hbm:s0], s1  }
0xbf: {  	s0 =	simm.s32 @!p0 $0x9  }
0xc0: {  	_ =	swait.ge @!p0 [sflag:s0], s1  }
0xc1: {  	s1 =	ssub.s32 @!p0 $0x0, s1;
	[sflag:s0] =	ssyncset.done @!p0 $0x0  }
0xc2: {  	[sflag:s0] =	ssyncadd.s32 @!p0 s1  }
0xc3: {  	[bflag:$0x3] =	sbarrier.arrive $0xFFFF  }
0xc4: {  	_ =	shalt  }

// kernel: kernel.8.cloned.1.call-start
scs
__scs_entry_jumppad:
0x0: {  	(pc) =	sbr.rel $0x88, $3  }
0x1: {  	(tag) =	ssettag $0x0;
	lr =	simm.s32 $0x1  }
0x2: {  	[smem:$0x3F98] =	sst lr;
	_ =	strace $0xD0000000  }
0x3: {  	_ = 	snop  }
0x4: {  	_ = 	snop  }
0x5: {  	_ = 	snop  }
0x6: {  	_ = 	snop  }
0x7: {  	_ = 	snop  }
__scs_overlays_trampoline_lowered:
0x8: {  	[smem:$0x3FA7] =	sst s0  }
0x9: {  	[smem:$0x3FA8] =	sst s1  }
0xa: {  	[smem:$0x3FA9] =	sst s2  }
0xb: {  	[smem:$0x3FAA] =	sst s3  }
0xc: {  	[smem:$0x3FAB] =	sst s4  }
0xd: {  	[smem:$0x3FAC] =	sst s5  }
0xe: {  	[smem:$0x3FAD] =	sst s6  }
0xf: {  	[smem:$0x3FAE] =	sst s7  }
0x10: {  	[smem:$0x3FAF] =	sst s8  }
0x11: {  	[smem:$0x3FB0] =	sst s9;
	s0 =	simm.s32 @!p0 $0x0  }
0x12: {  	s1 =	sld [smem:$0x3F96];
	s0 =	simm.s32 @p0 $0x1  }
0x13: {  	[smem:$0x3FB1] =	sst s0;
	s0 =	simm.s32 @!p1 $0x0  }
0x14: {  	s2 =	sld [smem:$0x3F95];
	s0 =	simm.s32 @p1 $0x1  }
0x15: {  	[smem:$0x3FB2] =	sst s0;
	s0 =	simm.s32 @!p2 $0x0  }
0x16: {  	s3 =	sld [smem:$0x3FDB];
	s0 =	simm.s32 @p2 $0x1  }
0x17: {  	s4 =	simm.s32 $0x1BF5;
	[smem:$0x3FB4] =	sst s0  }
0x18: {  	s0 =	sld [smem:$0x3F97];
	_ =	swait.ge [sflag:s4], $0x0  }
0x19: {  	s7 =	sld [smem:$0x3F98]  }
0x1a: {  	s8 =	sadd.s32 $0xFFFFE003, lr  }
0x1b: {  	s9 =	sadd.s32 $0xFFFFFEF7, lr;
	s5 =	simm.s32 $0xFFFFFFFF;
	p2 =	slt.u32 s8, $0xFFFFF086  }
0x1c: {  	p1 =	slt.u32 s9, $0xF7A;
	s5 =	simm.s32 @!p2 $0x0  }
0x1d: {  	s5 =	simm.s32 @p1 $0x1;
	p0 =	seq.s32 s7, s2  }
0x1e: {  	s7 =	smul.u32 @!p0 $0xF7A, s2;
	p2 =	seq.s32 @!p0 s5, $0x0  }
0x1f: {  	s9 =	smul.u32 $0xF7A, s1;
	s8 =	simm.s32 @!p0 $0x1BF5;
	p2 =	por !p2, p0  }
0x20: {  	[sflag:s8] =	ssyncset.s32 @!p0 $0xFFFFF086;
	s6 =	sadd.s32 @!p0 s3, s7;
	s7 =	simm.s32 @!p0 $0x108  }
0x21: {  	s3 =	sadd.s32 s3, s9;
	s6 =	sadd.s32 @!p0 $0x88, s6;
	s7 =	simm.s32 @p2 $0x1082  }
0x22: {  	[simem:s7], [sflag:s8] =	dma.local @!p0 [hbm:s6], $0xF7A  }
0x23: {  	s9 =	sor.u32 $0xD0000000, s2;
	s6 =	simm.s32 $0x108;
	_ =	swait.ge @!p0 [sflag:s8], $0x0  }
0x24: {  	s3 =	sadd.s32 $0x88, s3;
	s6 =	simm.s32 @!p1 $0x1082;
	[sflag:s4] =	ssyncset.s32 $0xFFFFF086  }
0x25: {  	[simem:s6], [sflag:s4] =	dma.local [hbm:s3], $0xF7A  }
0x26: {  	[smem:$0x3F98] =	sst s1;
	(tag) =	ssettag s2;
	_ =	strace s9  }
0x27: {  	s1 =	sld [smem:$0x3FA8]  }
0x28: {  	s2 =	sld [smem:$0x3FA9]  }
0x29: {  	s4 =	sld [smem:$0x3FAB]  }
0x2a: {  	p0 =	seq.s32 s5, $0x0;
	s5 =	sld [smem:$0x3FAC]  }
0x2b: {  	s6 =	sld [smem:$0x3FAD]  }
0x2c: {  	s7 =	sld [smem:$0x3FAE]  }
0x2d: {  	s3 =	simm.s32 $0x108;
	s8 =	sld [smem:$0x3FAF]  }
0x2e: {  	s3 =	simm.s32 @!p0 $0x1082;
	s9 =	sld [smem:$0x3FB0]  }
0x2f: {  	lr =	sadd.s32 s0, s3;
	s0 =	sld [smem:$0x3FA7]  }
0x30: {  	s3 =	sld [smem:$0x3FAA]  }
0x31: {  	[smem:$0x3FB3] =	sst s10  }
0x32: {  	s10 =	sld [smem:$0x3FB1];
	_ =	sdelay $0x3  }
0x33: {  	p0 =	seq.s32 s10, $0x1;
	s10 =	sld [smem:$0x3FB3];
	_ =	sdelay $0x3  }
0x34: {  	[smem:$0x3FB3] =	sst s10  }
0x35: {  	s10 =	sld [smem:$0x3FB2];
	_ =	sdelay $0x3  }
0x36: {  	p1 =	seq.s32 s10, $0x1;
	s10 =	sld [smem:$0x3FB3];
	_ =	sdelay $0x3  }
0x37: {  	[smem:$0x3FB3] =	sst s10  }
0x38: {  	s10 =	sld [smem:$0x3FB4]  }
0x39: {  	_ = 	snop;
	(pc) =	sbr.ind lr, $3  }
0x3a: {  	_ = 	snop  }
0x3b: {  	_ = 	snop  }
0x3c: {  	p2 =	seq.s32 s10, $0x1;
	s10 =	sld [smem:$0x3FB3]  }
0x3d: {  	_ =	shalt  }
0x3e: {  	_ =	shalt  }
0x3f: {  	_ =	shalt  }
0x40: {  	_ =	shalt  }
0x41: {  	_ =	shalt  }
0x42: {  	_ =	shalt  }
0x43: {  	_ =	shalt  }
0x44: {  	_ =	shalt  }
0x45: {  	_ =	shalt  }
0x46: {  	_ =	shalt  }
0x47: {  	_ =	shalt  }
0x48: {  	_ =	shalt  }
0x49: {  	_ =	shalt  }
0x4a: {  	_ =	shalt  }
0x4b: {  	_ =	shalt  }
0x4c: {  	_ =	shalt  }
0x4d: {  	_ =	shalt  }
0x4e: {  	_ =	shalt  }
0x4f: {  	_ =	shalt  }
0x50: {  	_ =	shalt  }
0x51: {  	_ =	shalt  }
0x52: {  	_ =	shalt  }
0x53: {  	_ =	shalt  }
0x54: {  	_ =	shalt  }
0x55: {  	_ =	shalt  }
0x56: {  	_ =	shalt  }
0x57: {  	_ =	shalt  }
0x58: {  	_ =	shalt  }
0x59: {  	_ =	shalt  }
0x5a: {  	_ =	shalt  }
0x5b: {  	_ =	shalt  }
0x5c: {  	_ =	shalt  }
0x5d: {  	_ =	shalt  }
0x5e: {  	_ =	shalt  }
0x5f: {  	_ =	shalt  }
0x60: {  	_ =	shalt  }
0x61: {  	_ =	shalt  }
0x62: {  	_ =	shalt  }
0x63: {  	_ =	shalt  }
0x64: {  	_ =	shalt  }
0x65: {  	_ =	shalt  }
0x66: {  	_ =	shalt  }
0x67: {  	_ =	shalt  }
0x68: {  	_ =	shalt  }
0x69: {  	_ =	shalt  }
0x6a: {  	_ =	shalt  }
0x6b: {  	_ =	shalt  }
0x6c: {  	_ =	shalt  }
0x6d: {  	_ =	shalt  }
0x6e: {  	_ =	shalt  }
0x6f: {  	_ =	shalt  }
0x70: {  	_ =	shalt  }
0x71: {  	_ =	shalt  }
0x72: {  	_ =	shalt  }
0x73: {  	_ =	shalt  }
0x74: {  	_ =	shalt  }
0x75: {  	_ =	shalt  }
0x76: {  	_ =	shalt  }
0x77: {  	_ =	shalt  }
0x78: {  	_ =	shalt  }
0x79: {  	_ =	shalt  }
0x7a: {  	_ =	shalt  }
0x7b: {  	_ =	shalt  }
0x7c: {  	_ =	shalt  }
0x7d: {  	_ =	shalt  }
0x7e: {  	_ =	shalt  }
0x7f: {  	_ =	shalt  }
0x80: {  	_ =	shalt  }
0x81: {  	_ =	shalt  }
0x82: {  	_ =	shalt  }
0x83: {  	_ =	shalt  }
0x84: {  	_ =	shalt  }
0x85: {  	_ =	shalt  }
0x86: {  	_ =	shalt  }
0x87: {  	_ =	shalt  }
.Lfunc_end0:
.L_simem_size_0:
called_computation_lowered:
.L_overlay_start_0:
0x88: {  	s2 =	sld [smem:$0x3FD9]  }
0x89: {  	s3 =	sld [smem:$0x3FFE];
	_ =	sdelay $0x1  }
0x8a: {  	s1 =	srdreg.scid  }
0x8b: {  	s0 =	sand.u32 $0x1, s1  }
0x8c: {  	s16 =	sshll.u32 s0, $0xA;
	s2 =	sadd.s32 s3, s2  }
0x8d: {  	s2 =	sadd.s32 s2, s16  }
0x8e: {  	[smem:$0x3FBF] =	sst s2  }
0x8f: {  	_ = 	snop  }
0x90: {  	(tm) =	ssettm $0x1  }
0x91: {  	s17 =	sld [smem:$0x3FFB];
	_ =	sdelay $0x3  }
0x92: {  	_ =	strace s17  }
0x93: {  	s2 =	sld [smem:$0x3FFC];
	_ =	sdelay $0x3  }
0x94: {  	_ =	strace s2  }
0x95: {  	s2 =	sld [smem:$0x3FFD];
	_ =	sdelay $0x3  }
0x96: {  	_ =	strace s2  }
0x97: {  	_ =	strace $0x8FFFFFFF  }
0x98: {  	s18 =	sld [smem:$0x3FDB];
	_ =	sdelay $0x1  }
0x99: {  	s19 =	simm.s32 $_scs_section_size  }
0x9a: {  	s4 =	simm.s32 $_size__tile_overlayer_lowered;
	s5 =	simm.s32 $_tile_overlayer_lowered  }
0x9b: {  	s22 =	simm.s32 $0x1BFF;
	s21 =	sshll.u32 s5, $0x1;
	s2 =	sadd.s32 s19, s18  }
0x9c: {  	s6 =	simm.s32 $0x0;
	s20 =	sshll.u32 s4, $0x1;
	s4 =	sadd.s32 s21, s2  }
0x9d: {  	[timem:s6], [sflag:s22] =	dma.local [hbm:s4], s20  }
0x9e: {  	_ =	swait.ge [sflag:s22], s20  }
0x9f: {  	s3 =	ssub.s32 $0x0, s20;
	[sflag:s22] =	ssyncset.done $0x0  }
0xa0: {  	[sflag:s22] =	ssyncadd.s32 s3;
	_ =	sdelay $0x1  }
0xa1: {  	s23 =	simm.s32 $0x1B8B  }
0xa2: {  	_ =	swait.ge [sflag:s23], $0x1  }
0xa3: {  	[sflag:s23] =	ssyncset.done $0x0  }
0xa4: {  	s25 =	simm.s32 $0x1B8E;
	s24 =	sld [smem:$0x3FFE];
	[sflag:s23] =	ssyncadd.s32 $0xFFFFFFFF  }
0xa5: {  	s26 =	simm.s32 $execute0_lowered;
	[smem:$0x3FD2] =	sst s25  }
0xa6: {  	s4 =	sshll.u32 s26, $0x1;
	_ =	strace $0x80000046;
	[dreg:$0x1] =	wrdreg $0xFFFFFFFF  }
0xa7: {  	s28 =	simm.s32 $_size_execute0_lowered;
	s2 =	sadd.s32 s2, s4;
	[dreg:$0x0] =	wrdreg $0x0  }
0xa8: {  	s4 =	sshll.u32 s28, $0x1;
	[dreg:$0x2] =	wrdreg s2  }
0xa9: {  	[dreg:$0x3] =	wrdreg s4  }
0xaa: {  	[dreg:$0x4] =	wrdreg $0xC0  }
0xab: {  	_ =	task [dreg:s6], $0x5FFFF  }
0xac: {  	[dreg:$0x1] =	wrdreg $0xFFFFFFFF  }
0xad: {  	[dreg:$0x0] =	wrdreg $0x60  }
0xae: {  	[dreg:$0x2] =	wrdreg s24  }
0xaf: {  	[dreg:$0x3] =	wrdreg $0xB0000  }
0xb0: {  	[dreg:$0x4] =	wrdreg $0x9  }
0xb1: {  	_ =	task.clear_ibuf [dreg:s6], $0x5FFFF;
	_ =	strace $0x90000046  }
0xb2: {  	s29 =	simm.s32 $0x9;
	_ =	strace $0x80000048  }
0xb3: {  	_ =	swait.ge [sflag:s29], $0x1  }
0xb4: {  	[sflag:s29] =	ssyncadd.s32 $0xFFFFFFFF  }
0xb5: {  	_ =	strace $0x90000048  }
0xb6: {  	_ =	sfence  }
0xb7: {  	s30 =	sld [smem:$0x0];
	_ =	sdelay $0x2  }
0xb8: {  	s31 =	sshll.u32 s1, $0xD;
	s1 =	sshrl.u32 s1, $0x2  }
0xb9: {  	s3 =	sand.u32 $0x4000, s31;
	s1 =	sadd.s32 s1, s30  }
0xba: {  	s0 =	sor.u32 s3, s0;
	s1 =	sshll.u32 s1, $0x11  }
0xbb: {  	s0 =	sor.u32 s1, s0  }
0xbc: {  	s0 =	sadd.s32 $0x8F2B, s0  }
0xbd: {  	[sflag:s0] =	ssyncadd.remote.s32 $0x1  }
0xbe: {  	_ =	sfence.sel $0xFFFF  }
0xbf: {  	[dreg:$0x0] =	wrdreg $0xFFFFFFFF;
	(pc) =	sbr.abs _section_cstart, $3  }
0xc0: {  	[dreg:$0x1] =	wrdreg $0xFFFFFFFF  }
0xc1: {  	_ =	task.clear_ibuf [dreg:s6], $0x2FFFF;
	_ =	strace $0x9FFFFFFF  }
0xc2: {  	(tm) =	ssettm $0x7FFFFFFF  }
0xc3: {  	_ =	shalt  }
tec
execute0_lowered:
.L_overlay_start_1:
0x0: {  	(tag) =	ssettag $0x1  }
0x1: {  	s4 =	rddreg [dreg:$0x0]  }
0x2: {  	s0 =	stileid.u32;
	s1 =	srdreg.scid  }
0x3: {  	s2 =	rddreg [dreg:$0x1];
	s3 =	simm.s32 $0x0;
	s15 =	simm.s32 $0x9000  }
0x4: {  	s16 =	simm.s32 $0x2;
	s18 =	simm.s32 $0x5000;
	s5 =	smul.u32 $0x5000, s0  }
0x5: {  	s6 =	sand.u32 $0x1, s1;
	s1 =	rddreg [dreg:$0x2];
	s8 =	smul.u32 $0xC000, s0  }
0x6: {  	s19 =	simm.s32 $0x1;
	[smem:$0x7FF] =	sst s3;
	s26 =	smul.u32 $0x30000, s0  }
0x7: {  	s7 =	smul.u32 $0xC0000, s6;
	_ =	strace $0x80000047;
	s29 =	ssub.s32 $0x2, s6  }
0x8: {  	s17 =	smul.u32 $0x1400, s6;
	s5 =	sshrl.u32 s5, $0x3;
	s30 =	sshrl.u32 s29, $0x1  }
0x9: {  	s31 =	sshrl.u32 s26, $0x2;
	s7 =	sadd.s32 s8, s7;
	s12 =	sadd.s32 s5, s4  }
0xa: {  	s14 =	ssub.s32 s29, s30;
	v0 =	vmov s17;
	s17 =	simm.s32 $0x80;
	s28 =	sshrl.u32 s7, $0x3  }
0xb: {  	s10 =	sadd.s32 $0x2400, s12;
	s13 =	sadd.s32 s28, s4;
	s4 =	sadd.s32 s31, s2  }
0xc: {  	s12 =	sadd.s32 $0xC400, s12;
	s14 =	smax.u32 s14, $0x1;
	s5 =	sadd.s32 $0x2000, s4  }
0xd: {  	s6 =	sadd.s32 $0x4000, s4;
	s7 =	sadd.s32 $0x6000, s4;
	s8 =	sadd.s32 $0x8000, s4  }
0xe: {  	v1 =	vimm.f32 $1.000000000e+00;
	v2 =	vimm.f32 $0.0e+00;
	s9 =	sadd.s32 $0xA000, s4;
	s11 =	sadd.s32 $0x16400, s13;
	s13 =	sadd.s32 $0x46400, s13  }
.LBB2_1:
0xf: {  	s20 =	simm.s32 $0x0;
	s21 =	simm.s32 $0x0  }
.LBB2_2:
0x10: {  	p0 =	sne.s32 s21, $0xFFC0  }
.Ltmp0:
0x11: {  	_ = 	snop;
	(pc) =	sbr.rel @p0 .LBB2_2-.Ltmp0, $4  }
0x12: {  	s22 =	sand.u32 $0xFE00, s21  }
0x13: {  	s23 =	sand.u32 $0x70, s20;
	s22 =	sshrl.u32 s22, $0x2  }
0x14: {  	s22 =	sor.u32 s23, s22  }
0x15: {  	s20 =	sadd.s32 $0x10, s20;
	s21 =	sadd.s32 $0x40, s21;
	[tilespmem:s22+$0x5000] =	vst v1  }
0x16: {  	s20 =	simm.s32 $0x0  }
0x17: {  	s21 =	sand.u32 $0x7E00, s20  }
0x18: {  	s22 =	sand.u32 $0x70, s20;
	s23 =	sshrl.u32 s21, $0x2  }
0x19: {  	s21 =	simm.s32 $0x40;
	s22 =	sor.u32 s22, s23  }
.LBB2_4:
0x1a: {  	p0 =	sne.s32 s21, $0x7FC0  }
0x1b: {  	[tilespmem:s22+$0x9000] =	vst v2;
	s20 =	sadd.s32 $0x10, s20;
	s22 =	smov.u32 s21;
	s21 =	sadd.s32 $0x40, s21  }
.Ltmp1:
0x1c: {  	(pc) =	sbr.rel @p0 .LBB2_4-.Ltmp1, $4  }
0x1d: {  	_ = 	snop  }
0x1e: {  	s22 =	sand.u32 $0x7E00, s22  }
0x1f: {  	s23 =	sand.u32 $0x70, s20;
	s22 =	sshrl.u32 s22, $0x2  }
0x20: {  	s22 =	sor.u32 s23, s22  }
0x21: {  	[tilespmem:s22+$0x9000] =	vst v2  }
0x22: {  	[spmem:s4] =	stream.linear.scatter [tilespmem:s15], [sflag:$0x2], $0x2000, $0x38;
	[tilespmem:$0x17000] =	vst v63  }
0x23: {  	_ =	swait.ge [sflag:s16], $0x2000  }
0x24: {  	[sflag:s16] =	ssyncset.done $0x0  }
0x25: {  	[sflag:s16] =	ssyncadd.s32 $0xFFFFE000  }
0x26: {  	[spmem:s5] =	stream.linear.scatter [tilespmem:s15], [sflag:$0x2], $0x2000, $0x38;
	[tilespmem:$0x17000] =	vst v63  }
0x27: {  	_ =	swait.ge [sflag:s16], $0x2000  }
0x28: {  	[sflag:s16] =	ssyncset.done $0x0  }
0x29: {  	[sflag:s16] =	ssyncadd.s32 $0xFFFFE000  }
0x2a: {  	[spmem:s6] =	stream.linear.scatter [tilespmem:s15], [sflag:$0x2], $0x2000, $0x38;
	[tilespmem:$0x17000] =	vst v63  }
0x2b: {  	_ =	swait.ge [sflag:s16], $0x2000  }
0x2c: {  	[sflag:s16] =	ssyncset.done $0x0  }
0x2d: {  	[sflag:s16] =	ssyncadd.s32 $0xFFFFE000  }
0x2e: {  	[spmem:s7] =	stream.linear.scatter [tilespmem:s15], [sflag:$0x2], $0x2000, $0x38;
	[tilespmem:$0x17000] =	vst v63  }
0x2f: {  	_ =	swait.ge [sflag:s16], $0x2000  }
0x30: {  	[sflag:s16] =	ssyncset.done $0x0  }
0x31: {  	[sflag:s16] =	ssyncadd.s32 $0xFFFFE000  }
0x32: {  	[spmem:s8] =	stream.linear.scatter [tilespmem:s15], [sflag:$0x2], $0x2000, $0x38;
	[tilespmem:$0x17000] =	vst v63  }
0x33: {  	_ =	swait.ge [sflag:s16], $0x2000  }
0x34: {  	[sflag:s16] =	ssyncset.done $0x0  }
0x35: {  	[sflag:s16] =	ssyncadd.s32 $0xFFFFE000  }
0x36: {  	[spmem:s9] =	stream.linear.scatter [tilespmem:s15], [sflag:$0x2], $0x2000, $0x38;
	[tilespmem:$0x17000] =	vst v63  }
0x37: {  	_ =	swait.ge [sflag:s16], $0x2000  }
0x38: {  	[sflag:s16] =	ssyncset.done $0x0  }
0x39: {  	s20 =	simm.s32 $0x0;
	[sflag:s16] =	ssyncadd.s32 $0xFFFFE000  }
0x3a: {  	[tilespmem:s20], [sflag:$0x2] =	stream.linear.gather [hbm4b:s10+s20], $0x5000, $0x38;
	[tilespmem:$0x17000] =	vst v63  }
0x3b: {  	_ =	swait.ge [sflag:s16], $0x5000  }
0x3c: {  	[sflag:s16] =	ssyncset.done $0x0  }
0x3d: {  	s21 =	simm.s32 $0x40;
	s20 =	simm.s32 $0x0;
	[sflag:s16] =	ssyncadd.s32 $0xFFFFB000  }
.LBB2_6:
0x3e: {  	p0 =	sne.s32 s21, $0x13FC0;
	v3 =	vld [tilespmem:s20+$0x0];
	_ =	sdelay $0x2  }
.Ltmp2:
0x3f: {  	(pc) =	sbr.rel @p0 .LBB2_6-.Ltmp2, $4  }
0x40: {  	_ = 	snop  }
0x41: {  	v3 =	vsub.s32 v3, v0  }
0x42: {  	v3 =	vmin.u32 v3, $0x1400  }
0x43: {  	[tilespmem:s20+$0x0] =	vst v3;
	s20 =	sshra.s32 s21, $0x2;
	s21 =	sadd.s32 $0x40, s21  }
0x44: {  	v3 =	vld [tilespmem:s20+$0x0];
	_ =	sdelay $0x4  }
0x45: {  	v3 =	vsub.s32 v3, v0  }
0x46: {  	v3 =	vmin.u32 v3, $0x1400  }
0x47: {  	[tilespmem:s20+$0x0] =	vst v3  }
0x48: {  	s23 =	simm.s32 $0x0;
	[bflag:$0x0] =	sbarrier.arrive $0xFFFF  }
0x49: {  	[spmem:s2] =	stream.indirect.scatter.add.f32 [tilespmem:s18], [sflag:$0x1], $0x80, s23, s17, $0xb8;
	[tilespmem:$0x17000] =	vst v63  }
0x4a: {  	s24 =	simm.s32 $0x80  }
0x4b: {  	[spmem:s2] =	stream.indirect.scatter.add.f32 [tilespmem:s18], [sflag:$0x1], $0x80, s24, s17, $0xb8;
	[tilespmem:$0x17000] =	vst v63  }
0x4c: {  	s25 =	simm.s32 $0x100  }
0x4d: {  	[spmem:s2] =	stream.indirect.scatter.add.f32 [tilespmem:s18], [sflag:$0x1], $0x80, s25, s17, $0xb8;
	[tilespmem:$0x17000] =	vst v63  }
0x4e: {  	s26 =	simm.s32 $0x180  }
0x4f: {  	[spmem:s2] =	stream.indirect.scatter.add.f32 [tilespmem:s18], [sflag:$0x1], $0x80, s26, s17, $0xb8;
	[tilespmem:$0x17000] =	vst v63  }
0x50: {  	s28 =	simm.s32 $0x200  }
0x51: {  	[spmem:s2] =	stream.indirect.scatter.add.f32 [tilespmem:s18], [sflag:$0x1], $0x80, s28, s17, $0xb8;
	[tilespmem:$0x17000] =	vst v63  }
0x52: {  	s29 =	simm.s32 $0x280  }
0x53: {  	[spmem:s2] =	stream.indirect.scatter.add.f32 [tilespmem:s18], [sflag:$0x1], $0x80, s29, s17, $0xb8;
	[tilespmem:$0x17000] =	vst v63  }
0x54: {  	s30 =	simm.s32 $0x300  }
0x55: {  	[spmem:s2] =	stream.indirect.scatter.add.f32 [tilespmem:s18], [sflag:$0x1], $0x80, s30, s17, $0xb8;
	[tilespmem:$0x17000] =	vst v63  }
0x56: {  	s31 =	simm.s32 $0x380  }
0x57: {  	[spmem:s2] =	stream.indirect.scatter.add.f32 [tilespmem:s18], [sflag:$0x1], $0x80, s31, s17, $0xb8;
	[tilespmem:$0x17000] =	vst v63  }
0x58: {  	_ =	swait.ge [sflag:s19], $0x4000  }
0x59: {  	[sflag:s19] =	ssyncset.done $0x0  }
0x5a: {  	[sflag:s19] =	ssyncadd.s32 $0xFFFFC000  }
0x5b: {  	_ =	swait.ge [sflag:s19], $0x4000  }
0x5c: {  	[sflag:s19] =	ssyncset.done $0x0  }
0x5d: {  	[sflag:s19] =	ssyncadd.s32 $0xFFFFC000  }
0x5e: {  	_ =	swait.ge [sflag:s19], $0x4000  }
0x5f: {  	[sflag:s19] =	ssyncset.done $0x0  }
0x60: {  	[sflag:s19] =	ssyncadd.s32 $0xFFFFC000  }
0x61: {  	_ =	swait.ge [sflag:s19], $0x4000  }
0x62: {  	[sflag:s19] =	ssyncset.done $0x0  }
0x63: {  	[sflag:s19] =	ssyncadd.s32 $0xFFFFC000  }
0x64: {  	_ =	swait.ge [sflag:s19], $0x4000  }
0x65: {  	[sflag:s19] =	ssyncset.done $0x0  }
0x66: {  	[sflag:s19] =	ssyncadd.s32 $0xFFFFC000  }
0x67: {  	_ =	swait.ge [sflag:s19], $0x4000  }
0x68: {  	[sflag:s19] =	ssyncset.done $0x0  }
0x69: {  	[sflag:s19] =	ssyncadd.s32 $0xFFFFC000  }
0x6a: {  	_ =	swait.ge [sflag:s19], $0x4000  }
0x6b: {  	[sflag:s19] =	ssyncset.done $0x0  }
0x6c: {  	[sflag:s19] =	ssyncadd.s32 $0xFFFFC000  }
0x6d: {  	_ =	swait.ge [sflag:s19], $0x4000  }
0x6e: {  	s22 =	simm.s32 $0x2000;
	s20 =	simm.s32 $0x1000;
	[sflag:s19] =	ssyncset.done $0x0  }
.LBB2_8:
0x6f: {  	s23 =	sshra.s32 s20, $0x2  }
0x70: {  	[sflag:s19] =	ssyncadd.s32 $0xFFFFC000;
	s20 =	smov.u32 s22;
	s21 =	sadd.s32 $0x1000, s22  }
0x71: {  	[spmem:s2] =	stream.indirect.scatter.add.f32 [tilespmem:s18], [sflag:$0x1], $0x80, s23, s17, $0xb8;
	[tilespmem:$0x17000] =	vst v63  }
0x72: {  	p0 =	sne.s32 s22, $0x13000;
	s22 =	sadd.s32 $0x80, s23  }
0x73: {  	[spmem:s2] =	stream.indirect.scatter.add.f32 [tilespmem:s18], [sflag:$0x1], $0x80, s22, s17, $0xb8;
	[tilespmem:$0x17000] =	vst v63  }
0x74: {  	s22 =	sadd.s32 $0x100, s23  }
0x75: {  	[spmem:s2] =	stream.indirect.scatter.add.f32 [tilespmem:s18], [sflag:$0x1], $0x80, s22, s17, $0xb8;
	[tilespmem:$0x17000] =	vst v63  }
0x76: {  	s22 =	sadd.s32 $0x180, s23  }
0x77: {  	[spmem:s2] =	stream.indirect.scatter.add.f32 [tilespmem:s18], [sflag:$0x1], $0x80, s22, s17, $0xb8;
	[tilespmem:$0x17000] =	vst v63  }
0x78: {  	s22 =	sadd.s32 $0x200, s23  }
0x79: {  	[spmem:s2] =	stream.indirect.scatter.add.f32 [tilespmem:s18], [sflag:$0x1], $0x80, s22, s17, $0xb8;
	[tilespmem:$0x17000] =	vst v63  }
0x7a: {  	s22 =	sadd.s32 $0x280, s23  }
0x7b: {  	[spmem:s2] =	stream.indirect.scatter.add.f32 [tilespmem:s18], [sflag:$0x1], $0x80, s22, s17, $0xb8;
	[tilespmem:$0x17000] =	vst v63  }
0x7c: {  	s22 =	sadd.s32 $0x300, s23  }
0x7d: {  	[spmem:s2] =	stream.indirect.scatter.add.f32 [tilespmem:s18], [sflag:$0x1], $0x80, s22, s17, $0xb8;
	[tilespmem:$0x17000] =	vst v63  }
0x7e: {  	s22 =	sadd.s32 $0x380, s23  }
0x7f: {  	[spmem:s2] =	stream.indirect.scatter.add.f32 [tilespmem:s18], [sflag:$0x1], $0x80, s22, s17, $0xb8;
	[tilespmem:$0x17000] =	vst v63  }
0x80: {  	_ =	swait.ge [sflag:s19], $0x4000  }
0x81: {  	[sflag:s19] =	ssyncset.done $0x0  }
0x82: {  	[sflag:s19] =	ssyncadd.s32 $0xFFFFC000  }
0x83: {  	_ =	swait.ge [sflag:s19], $0x4000  }
0x84: {  	[sflag:s19] =	ssyncset.done $0x0  }
0x85: {  	[sflag:s19] =	ssyncadd.s32 $0xFFFFC000  }
0x86: {  	_ =	swait.ge [sflag:s19], $0x4000  }
0x87: {  	[sflag:s19] =	ssyncset.done $0x0  }
0x88: {  	[sflag:s19] =	ssyncadd.s32 $0xFFFFC000  }
0x89: {  	_ =	swait.ge [sflag:s19], $0x4000  }
0x8a: {  	[sflag:s19] =	ssyncset.done $0x0  }
0x8b: {  	[sflag:s19] =	ssyncadd.s32 $0xFFFFC000  }
0x8c: {  	_ =	swait.ge [sflag:s19], $0x4000  }
0x8d: {  	[sflag:s19] =	ssyncset.done $0x0  }
0x8e: {  	[sflag:s19] =	ssyncadd.s32 $0xFFFFC000  }
0x8f: {  	_ =	swait.ge [sflag:s19], $0x4000  }
0x90: {  	[sflag:s19] =	ssyncset.done $0x0  }
0x91: {  	[sflag:s19] =	ssyncadd.s32 $0xFFFFC000  }
.Ltmp3:
0x92: {  	_ =	swait.ge [sflag:s19], $0x4000;
	(pc) =	sbr.rel @p0 .LBB2_8-.Ltmp3, $4  }
0x93: {  	[sflag:s19] =	ssyncset.done $0x0  }
0x94: {  	[sflag:s19] =	ssyncadd.s32 $0xFFFFC000  }
0x95: {  	_ =	swait.ge [sflag:s19], $0x4000  }
0x96: {  	s22 =	smov.u32 s21;
	[sflag:s19] =	ssyncset.done $0x0  }
0x97: {  	s20 =	sshra.s32 s20, $0x2;
	[sflag:s19] =	ssyncadd.s32 $0xFFFFC000  }
0x98: {  	[spmem:s2] =	stream.indirect.scatter.add.f32 [tilespmem:s18], [sflag:$0x1], $0x80, s20, s17, $0xb8;
	[tilespmem:$0x17000] =	vst v63  }
0x99: {  	s21 =	sadd.s32 $0x80, s20  }
0x9a: {  	[spmem:s2] =	stream.indirect.scatter.add.f32 [tilespmem:s18], [sflag:$0x1], $0x80, s21, s17, $0xb8;
	[tilespmem:$0x17000] =	vst v63  }
0x9b: {  	s25 =	sadd.s32 $0x100, s20  }
0x9c: {  	[spmem:s2] =	stream.indirect.scatter.add.f32 [tilespmem:s18], [sflag:$0x1], $0x80, s25, s17, $0xb8;
	[tilespmem:$0x17000] =	vst v63  }
0x9d: {  	s26 =	sadd.s32 $0x180, s20  }
0x9e: {  	[spmem:s2] =	stream.indirect.scatter.add.f32 [tilespmem:s18], [sflag:$0x1], $0x80, s26, s17, $0xb8;
	[tilespmem:$0x17000] =	vst v63  }
0x9f: {  	s28 =	sadd.s32 $0x200, s20  }
0xa0: {  	[spmem:s2] =	stream.indirect.scatter.add.f32 [tilespmem:s18], [sflag:$0x1], $0x80, s28, s17, $0xb8;
	[tilespmem:$0x17000] =	vst v63  }
0xa1: {  	s29 =	sadd.s32 $0x280, s20  }
0xa2: {  	[spmem:s2] =	stream.indirect.scatter.add.f32 [tilespmem:s18], [sflag:$0x1], $0x80, s29, s17, $0xb8;
	[tilespmem:$0x17000] =	vst v63  }
0xa3: {  	s30 =	sadd.s32 $0x300, s20  }
0xa4: {  	[spmem:s2] =	stream.indirect.scatter.add.f32 [tilespmem:s18], [sflag:$0x1], $0x80, s30, s17, $0xb8;
	[tilespmem:$0x17000] =	vst v63  }
0xa5: {  	s20 =	sadd.s32 $0x380, s20  }
0xa6: {  	[spmem:s2] =	stream.indirect.scatter.add.f32 [tilespmem:s18], [sflag:$0x1], $0x80, s20, s17, $0xb8;
	[tilespmem:$0x17000] =	vst v63  }
0xa7: {  	_ =	swait.ge [sflag:s19], $0x4000  }
0xa8: {  	[sflag:s19] =	ssyncset.done $0x0  }
0xa9: {  	[sflag:s19] =	ssyncadd.s32 $0xFFFFC000  }
0xaa: {  	_ =	swait.ge [sflag:s19], $0x4000  }
0xab: {  	[sflag:s19] =	ssyncset.done $0x0  }
0xac: {  	[sflag:s19] =	ssyncadd.s32 $0xFFFFC000  }
0xad: {  	_ =	swait.ge [sflag:s19], $0x4000  }
0xae: {  	[sflag:s19] =	ssyncset.done $0x0  }
0xaf: {  	[sflag:s19] =	ssyncadd.s32 $0xFFFFC000  }
0xb0: {  	_ =	swait.ge [sflag:s19], $0x4000  }
0xb1: {  	[sflag:s19] =	ssyncset.done $0x0  }
0xb2: {  	[sflag:s19] =	ssyncadd.s32 $0xFFFFC000  }
0xb3: {  	_ =	swait.ge [sflag:s19], $0x4000  }
0xb4: {  	[sflag:s19] =	ssyncset.done $0x0  }
0xb5: {  	[sflag:s19] =	ssyncadd.s32 $0xFFFFC000  }
0xb6: {  	_ =	swait.ge [sflag:s19], $0x4000  }
0xb7: {  	[sflag:s19] =	ssyncset.done $0x0  }
0xb8: {  	[sflag:s19] =	ssyncadd.s32 $0xFFFFC000  }
0xb9: {  	_ =	swait.ge [sflag:s19], $0x4000  }
0xba: {  	[sflag:s19] =	ssyncset.done $0x0  }
0xbb: {  	[sflag:s19] =	ssyncadd.s32 $0xFFFFC000  }
0xbc: {  	_ =	swait.ge [sflag:s19], $0x4000  }
0xbd: {  	[sflag:s19] =	ssyncset.done $0x0  }
0xbe: {  	s31 =	sshll.u32 s0, $0x6;
	[sflag:s19] =	ssyncadd.s32 $0xFFFFC000  }
0xbf: {  	s21 =	sshrl.u32 s4, $0x3;
	s20 =	sor.u32 $0x1C02, s31;
	[bflag:$0x0] =	sbarrier.arrive $0xFFFF  }
0xc0: {  	[hbm:s11], [sflag:s20] =	dma.local [spmem:s21], $0x1800  }
0xc1: {  	_ =	swait.ge [sflag:s16], $0x1800  }
0xc2: {  	[sflag:s16] =	ssyncset.done $0x0  }
0xc3: {  	[sflag:s16] =	ssyncadd.s32 $0xFFFFE800  }
0xc4: {  	[bflag:$0x0] =	sbarrier.arrive $0xFFFF  }
0xc5: {  	[spmem:s4] =	stream.linear.scatter [tilespmem:s15], [sflag:$0x2], $0x2000, $0x38;
	[tilespmem:$0x17000] =	vst v63  }
0xc6: {  	_ =	swait.ge [sflag:s16], $0x2000  }
0xc7: {  	[sflag:s16] =	ssyncset.done $0x0  }
0xc8: {  	[sflag:s16] =	ssyncadd.s32 $0xFFFFE000  }
0xc9: {  	[spmem:s5] =	stream.linear.scatter [tilespmem:s15], [sflag:$0x2], $0x2000, $0x38;
	[tilespmem:$0x17000] =	vst v63  }
0xca: {  	_ =	swait.ge [sflag:s16], $0x2000  }
0xcb: {  	[sflag:s16] =	ssyncset.done $0x0  }
0xcc: {  	[sflag:s16] =	ssyncadd.s32 $0xFFFFE000  }
0xcd: {  	[spmem:s6] =	stream.linear.scatter [tilespmem:s15], [sflag:$0x2], $0x2000, $0x38;
	[tilespmem:$0x17000] =	vst v63  }
0xce: {  	_ =	swait.ge [sflag:s16], $0x2000  }
0xcf: {  	[sflag:s16] =	ssyncset.done $0x0  }
0xd0: {  	[sflag:s16] =	ssyncadd.s32 $0xFFFFE000  }
0xd1: {  	[spmem:s7] =	stream.linear.scatter [tilespmem:s15], [sflag:$0x2], $0x2000, $0x38;
	[tilespmem:$0x17000] =	vst v63  }
0xd2: {  	_ =	swait.ge [sflag:s16], $0x2000  }
0xd3: {  	[sflag:s16] =	ssyncset.done $0x0  }
0xd4: {  	[sflag:s16] =	ssyncadd.s32 $0xFFFFE000  }
0xd5: {  	[spmem:s8] =	stream.linear.scatter [tilespmem:s15], [sflag:$0x2], $0x2000, $0x38;
	[tilespmem:$0x17000] =	vst v63  }
0xd6: {  	_ =	swait.ge [sflag:s16], $0x2000  }
0xd7: {  	[sflag:s16] =	ssyncset.done $0x0  }
0xd8: {  	[sflag:s16] =	ssyncadd.s32 $0xFFFFE000  }
0xd9: {  	[spmem:s9] =	stream.linear.scatter [tilespmem:s15], [sflag:$0x2], $0x2000, $0x38;
	[tilespmem:$0x17000] =	vst v63  }
0xda: {  	_ =	swait.ge [sflag:s16], $0x2000  }
0xdb: {  	[sflag:s16] =	ssyncset.done $0x0  }
0xdc: {  	s22 =	simm.s32 $0x0;
	[sflag:s16] =	ssyncadd.s32 $0xFFFFE000  }
0xdd: {  	[tilespmem:s22], [sflag:$0x2] =	stream.linear.gather [hbm4b:s12+s22], $0x5000, $0x38;
	[tilespmem:$0x17000] =	vst v63  }
0xde: {  	_ =	swait.ge [sflag:s16], $0x5000  }
0xdf: {  	[sflag:s16] =	ssyncset.done $0x0  }
0xe0: {  	s23 =	simm.s32 $0x40;
	s22 =	simm.s32 $0x0;
	[sflag:s16] =	ssyncadd.s32 $0xFFFFB000  }
.LBB2_10:
0xe1: {  	p0 =	sne.s32 s23, $0x13FC0;
	v3 =	vld [tilespmem:s22+$0x0];
	_ =	sdelay $0x2  }
.Ltmp4:
0xe2: {  	(pc) =	sbr.rel @p0 .LBB2_10-.Ltmp4, $4  }
0xe3: {  	_ = 	snop  }
0xe4: {  	v3 =	vsub.s32 v3, v0  }
0xe5: {  	v3 =	vmin.u32 v3, $0x1400  }
0xe6: {  	[tilespmem:s22+$0x0] =	vst v3;
	s22 =	sshra.s32 s23, $0x2;
	s23 =	sadd.s32 $0x40, s23  }
0xe7: {  	v3 =	vld [tilespmem:s22+$0x0];
	_ =	sdelay $0x4  }
0xe8: {  	v3 =	vsub.s32 v3, v0  }
0xe9: {  	v3 =	vmin.u32 v3, $0x1400  }
0xea: {  	[tilespmem:s22+$0x0] =	vst v3  }
0xeb: {  	s23 =	simm.s32 $0x0;
	[bflag:$0x0] =	sbarrier.arrive $0xFFFF  }
0xec: {  	[spmem:s2] =	stream.indirect.scatter.add.f32 [tilespmem:s18], [sflag:$0x1], $0x80, s23, s17, $0xb8;
	[tilespmem:$0x17000] =	vst v63  }
0xed: {  	s24 =	simm.s32 $0x80  }
0xee: {  	[spmem:s2] =	stream.indirect.scatter.add.f32 [tilespmem:s18], [sflag:$0x1], $0x80, s24, s17, $0xb8;
	[tilespmem:$0x17000] =	vst v63  }
0xef: {  	s25 =	simm.s32 $0x100  }
0xf0: {  	[spmem:s2] =	stream.indirect.scatter.add.f32 [tilespmem:s18], [sflag:$0x1], $0x80, s25, s17, $0xb8;
	[tilespmem:$0x17000] =	vst v63  }
0xf1: {  	s26 =	simm.s32 $0x180  }
0xf2: {  	[spmem:s2] =	stream.indirect.scatter.add.f32 [tilespmem:s18], [sflag:$0x1], $0x80, s26, s17, $0xb8;
	[tilespmem:$0x17000] =	vst v63  }
0xf3: {  	s28 =	simm.s32 $0x200  }
0xf4: {  	[spmem:s2] =	stream.indirect.scatter.add.f32 [tilespmem:s18], [sflag:$0x1], $0x80, s28, s17, $0xb8;
	[tilespmem:$0x17000] =	vst v63  }
0xf5: {  	s29 =	simm.s32 $0x280  }
0xf6: {  	[spmem:s2] =	stream.indirect.scatter.add.f32 [tilespmem:s18], [sflag:$0x1], $0x80, s29, s17, $0xb8;
	[tilespmem:$0x17000] =	vst v63  }
0xf7: {  	s30 =	simm.s32 $0x300  }
0xf8: {  	[spmem:s2] =	stream.indirect.scatter.add.f32 [tilespmem:s18], [sflag:$0x1], $0x80, s30, s17, $0xb8;
	[tilespmem:$0x17000] =	vst v63  }
0xf9: {  	s31 =	simm.s32 $0x380  }
0xfa: {  	[spmem:s2] =	stream.indirect.scatter.add.f32 [tilespmem:s18], [sflag:$0x1], $0x80, s31, s17, $0xb8;
	[tilespmem:$0x17000] =	vst v63  }
0xfb: {  	_ =	swait.ge [sflag:s19], $0x4000  }
0xfc: {  	[sflag:s19] =	ssyncset.done $0x0  }
0xfd: {  	[sflag:s19] =	ssyncadd.s32 $0xFFFFC000  }
0xfe: {  	_ =	swait.ge [sflag:s19], $0x4000  }
0xff: {  	[sflag:s19] =	ssyncset.done $0x0  }
0x100: {  	[sflag:s19] =	ssyncadd.s32 $0xFFFFC000  }
0x101: {  	_ =	swait.ge [sflag:s19], $0x4000  }
0x102: {  	[sflag:s19] =	ssyncset.done $0x0  }
0x103: {  	[sflag:s19] =	ssyncadd.s32 $0xFFFFC000  }
0x104: {  	_ =	swait.ge [sflag:s19], $0x4000  }
0x105: {  	[sflag:s19] =	ssyncset.done $0x0  }
0x106: {  	[sflag:s19] =	ssyncadd.s32 $0xFFFFC000  }
0x107: {  	_ =	swait.ge [sflag:s19], $0x4000  }
0x108: {  	[sflag:s19] =	ssyncset.done $0x0  }
0x109: {  	[sflag:s19] =	ssyncadd.s32 $0xFFFFC000  }
0x10a: {  	_ =	swait.ge [sflag:s19], $0x4000  }
0x10b: {  	[sflag:s19] =	ssyncset.done $0x0  }
0x10c: {  	[sflag:s19] =	ssyncadd.s32 $0xFFFFC000  }
0x10d: {  	_ =	swait.ge [sflag:s19], $0x4000  }
0x10e: {  	[sflag:s19] =	ssyncset.done $0x0  }
0x10f: {  	[sflag:s19] =	ssyncadd.s32 $0xFFFFC000  }
0x110: {  	_ =	swait.ge [sflag:s19], $0x4000  }
0x111: {  	s22 =	simm.s32 $0x1000;
	s24 =	simm.s32 $0x2000;
	[sflag:s19] =	ssyncset.done $0x0  }
.LBB2_12:
0x112: {  	s25 =	sshra.s32 s22, $0x2  }
0x113: {  	[sflag:s19] =	ssyncadd.s32 $0xFFFFC000;
	s22 =	smov.u32 s24;
	s23 =	sadd.s32 $0x1000, s24  }
0x114: {  	[spmem:s2] =	stream.indirect.scatter.add.f32 [tilespmem:s18], [sflag:$0x1], $0x80, s25, s17, $0xb8;
	[tilespmem:$0x17000] =	vst v63  }
0x115: {  	p0 =	sne.s32 s24, $0x13000;
	s24 =	sadd.s32 $0x80, s25  }
0x116: {  	[spmem:s2] =	stream.indirect.scatter.add.f32 [tilespmem:s18], [sflag:$0x1], $0x80, s24, s17, $0xb8;
	[tilespmem:$0x17000] =	vst v63  }
0x117: {  	s24 =	sadd.s32 $0x100, s25  }
0x118: {  	[spmem:s2] =	stream.indirect.scatter.add.f32 [tilespmem:s18], [sflag:$0x1], $0x80, s24, s17, $0xb8;
	[tilespmem:$0x17000] =	vst v63  }
0x119: {  	s24 =	sadd.s32 $0x180, s25  }
0x11a: {  	[spmem:s2] =	stream.indirect.scatter.add.f32 [tilespmem:s18], [sflag:$0x1], $0x80, s24, s17, $0xb8;
	[tilespmem:$0x17000] =	vst v63  }
0x11b: {  	s24 =	sadd.s32 $0x200, s25  }
0x11c: {  	[spmem:s2] =	stream.indirect.scatter.add.f32 [tilespmem:s18], [sflag:$0x1], $0x80, s24, s17, $0xb8;
	[tilespmem:$0x17000] =	vst v63  }
0x11d: {  	s24 =	sadd.s32 $0x280, s25  }
0x11e: {  	[spmem:s2] =	stream.indirect.scatter.add.f32 [tilespmem:s18], [sflag:$0x1], $0x80, s24, s17, $0xb8;
	[tilespmem:$0x17000] =	vst v63  }
0x11f: {  	s24 =	sadd.s32 $0x300, s25  }
0x120: {  	[spmem:s2] =	stream.indirect.scatter.add.f32 [tilespmem:s18], [sflag:$0x1], $0x80, s24, s17, $0xb8;
	[tilespmem:$0x17000] =	vst v63  }
0x121: {  	s24 =	sadd.s32 $0x380, s25  }
0x122: {  	[spmem:s2] =	stream.indirect.scatter.add.f32 [tilespmem:s18], [sflag:$0x1], $0x80, s24, s17, $0xb8;
	[tilespmem:$0x17000] =	vst v63  }
0x123: {  	_ =	swait.ge [sflag:s19], $0x4000  }
0x124: {  	[sflag:s19] =	ssyncset.done $0x0  }
0x125: {  	[sflag:s19] =	ssyncadd.s32 $0xFFFFC000  }
0x126: {  	_ =	swait.ge [sflag:s19], $0x4000  }
0x127: {  	[sflag:s19] =	ssyncset.done $0x0  }
0x128: {  	[sflag:s19] =	ssyncadd.s32 $0xFFFFC000  }
0x129: {  	_ =	swait.ge [sflag:s19], $0x4000  }
0x12a: {  	[sflag:s19] =	ssyncset.done $0x0  }
0x12b: {  	[sflag:s19] =	ssyncadd.s32 $0xFFFFC000  }
0x12c: {  	_ =	swait.ge [sflag:s19], $0x4000  }
0x12d: {  	[sflag:s19] =	ssyncset.done $0x0  }
0x12e: {  	[sflag:s19] =	ssyncadd.s32 $0xFFFFC000  }
0x12f: {  	_ =	swait.ge [sflag:s19], $0x4000  }
0x130: {  	[sflag:s19] =	ssyncset.done $0x0  }
0x131: {  	[sflag:s19] =	ssyncadd.s32 $0xFFFFC000  }
0x132: {  	_ =	swait.ge [sflag:s19], $0x4000  }
0x133: {  	[sflag:s19] =	ssyncset.done $0x0  }
0x134: {  	[sflag:s19] =	ssyncadd.s32 $0xFFFFC000  }
.Ltmp5:
0x135: {  	_ =	swait.ge [sflag:s19], $0x4000;
	(pc) =	sbr.rel @p0 .LBB2_12-.Ltmp5, $4  }
0x136: {  	[sflag:s19] =	ssyncset.done $0x0  }
0x137: {  	[sflag:s19] =	ssyncadd.s32 $0xFFFFC000  }
0x138: {  	_ =	swait.ge [sflag:s19], $0x4000  }
0x139: {  	s24 =	smov.u32 s23;
	[sflag:s19] =	ssyncset.done $0x0  }
0x13a: {  	s22 =	sshra.s32 s22, $0x2;
	[sflag:s19] =	ssyncadd.s32 $0xFFFFC000  }
0x13b: {  	[spmem:s2] =	stream.indirect.scatter.add.f32 [tilespmem:s18], [sflag:$0x1], $0x80, s22, s17, $0xb8;
	[tilespmem:$0x17000] =	vst v63  }
0x13c: {  	s23 =	sadd.s32 $0x80, s22  }
0x13d: {  	[spmem:s2] =	stream.indirect.scatter.add.f32 [tilespmem:s18], [sflag:$0x1], $0x80, s23, s17, $0xb8;
	[tilespmem:$0x17000] =	vst v63  }
0x13e: {  	s26 =	sadd.s32 $0x100, s22  }
0x13f: {  	[spmem:s2] =	stream.indirect.scatter.add.f32 [tilespmem:s18], [sflag:$0x1], $0x80, s26, s17, $0xb8;
	[tilespmem:$0x17000] =	vst v63  }
0x140: {  	s28 =	sadd.s32 $0x180, s22  }
0x141: {  	[spmem:s2] =	stream.indirect.scatter.add.f32 [tilespmem:s18], [sflag:$0x1], $0x80, s28, s17, $0xb8;
	[tilespmem:$0x17000] =	vst v63  }
0x142: {  	s29 =	sadd.s32 $0x200, s22  }
0x143: {  	[spmem:s2] =	stream.indirect.scatter.add.f32 [tilespmem:s18], [sflag:$0x1], $0x80, s29, s17, $0xb8;
	[tilespmem:$0x17000] =	vst v63  }
0x144: {  	s30 =	sadd.s32 $0x280, s22  }
0x145: {  	[spmem:s2] =	stream.indirect.scatter.add.f32 [tilespmem:s18], [sflag:$0x1], $0x80, s30, s17, $0xb8;
	[tilespmem:$0x17000] =	vst v63  }
0x146: {  	s31 =	sadd.s32 $0x300, s22  }
0x147: {  	[spmem:s2] =	stream.indirect.scatter.add.f32 [tilespmem:s18], [sflag:$0x1], $0x80, s31, s17, $0xb8;
	[tilespmem:$0x17000] =	vst v63  }
0x148: {  	s22 =	sadd.s32 $0x380, s22  }
0x149: {  	[spmem:s2] =	stream.indirect.scatter.add.f32 [tilespmem:s18], [sflag:$0x1], $0x80, s22, s17, $0xb8;
	[tilespmem:$0x17000] =	vst v63  }
0x14a: {  	_ =	swait.ge [sflag:s19], $0x4000  }
0x14b: {  	[sflag:s19] =	ssyncset.done $0x0  }
0x14c: {  	[sflag:s19] =	ssyncadd.s32 $0xFFFFC000  }
0x14d: {  	_ =	swait.ge [sflag:s19], $0x4000  }
0x14e: {  	[sflag:s19] =	ssyncset.done $0x0  }
0x14f: {  	[sflag:s19] =	ssyncadd.s32 $0xFFFFC000  }
0x150: {  	_ =	swait.ge [sflag:s19], $0x4000  }
0x151: {  	[sflag:s19] =	ssyncset.done $0x0  }
0x152: {  	[sflag:s19] =	ssyncadd.s32 $0xFFFFC000  }
0x153: {  	_ =	swait.ge [sflag:s19], $0x4000  }
0x154: {  	[sflag:s19] =	ssyncset.done $0x0  }
0x155: {  	[sflag:s19] =	ssyncadd.s32 $0xFFFFC000  }
0x156: {  	_ =	swait.ge [sflag:s19], $0x4000  }
0x157: {  	[sflag:s19] =	ssyncset.done $0x0  }
0x158: {  	[sflag:s19] =	ssyncadd.s32 $0xFFFFC000  }
0x159: {  	_ =	swait.ge [sflag:s19], $0x4000  }
0x15a: {  	[sflag:s19] =	ssyncset.done $0x0  }
0x15b: {  	[sflag:s19] =	ssyncadd.s32 $0xFFFFC000  }
0x15c: {  	_ =	swait.ge [sflag:s19], $0x4000  }
0x15d: {  	[sflag:s19] =	ssyncset.done $0x0  }
0x15e: {  	[sflag:s19] =	ssyncadd.s32 $0xFFFFC000  }
0x15f: {  	_ =	swait.ge [sflag:s19], $0x4000  }
0x160: {  	[sflag:s19] =	ssyncset.done $0x0  }
0x161: {  	s3 =	sadd.s32 $0x1, s3;
	[sflag:s19] =	ssyncadd.s32 $0xFFFFC000  }
0x162: {  	p0 =	sne.s32 s3, s14;
	[bflag:$0x0] =	sbarrier.arrive $0xFFFF  }
0x163: {  	[hbm:s13], [sflag:s20] =	dma.local [spmem:s21], $0x1800  }
.Ltmp6:
0x164: {  	_ =	swait.ge [sflag:s16], $0x1800;
	(pc) =	sbr.rel @p0 .LBB2_1-.Ltmp6, $3  }
0x165: {  	[sflag:s16] =	ssyncset.done $0x0  }
0x166: {  	[sflag:s16] =	ssyncadd.s32 $0xFFFFE800  }
0x167: {  	[bflag:$0x0] =	sbarrier.arrive $0xFFFF;
	_ =	sdelay $0x1  }
0x168: {  	_ =	sfence.sel $0x180000  }
0x169: {  	[bflag:$0x0] =	sbarrier.arrive $0xFFFF  }
0x16a: {  	p0 =	sne.s32 s0, $0x0;
	_ =	strace $0x90000047  }
0x16b: {  	s0 =	sadd.s32 @!p0 $0x100000, s1;
	[bflag:$0x2] =	sbarrier.arrive $0xFFFF  }
0x16c: {  	[sflag:s0] =	ssyncadd.tile.s32 @!p0 $0x1;
	_ =	shalt  }
.Lfunc_end2:
_tile_overlayer_lowered:
.L_overlay_start_2:
0x16d: {  	(tag) =	ssettag $0x2  }
0x16e: {  	s0 =	rddreg [dreg:$0x0];
	s2 =	stileid.u32  }
0x16f: {  	s1 =	rddreg [dreg:$0x1];
	p0 =	sne.s32 s2, $0x0  }
0x170: {  	s3 =	rddreg [dreg:$0x2];
	[bflag:$0x3] =	sbarrier.arrive $0xFFFF;
	s2 =	simm.s32 @!p0 $0x1C02  }
0x171: {  	[timem:s3], [sflag:s2] =	dma.local @!p0 [hbm:s0], s1  }
0x172: {  	s0 =	simm.s32 @!p0 $0x2  }
0x173: {  	_ =	swait.ge @!p0 [sflag:s0], s1  }
0x174: {  	s1 =	ssub.s32 @!p0 $0x0, s1;
	[sflag:s0] =	ssyncset.done @!p0 $0x0  }
0x175: {  	[sflag:s0] =	ssyncadd.s32 @!p0 s1  }
0x176: {  	[bflag:$0x3] =	sbarrier.arrive $0xFFFF  }
0x177: {  	_ =	shalt  }

</sc_bundles>
